<compile_context>
chip_gen: v7x
topology: tpu7x:2x2x1
jax: 0.10.2.dev20260603
libtpu: 0.0.44.dev20260713+nightly
codegen_flags: <defaults>
</compile_context>

<pallas_src>
import functools
import math

import jax
import jax.numpy as jnp
from jax import lax
from jax.experimental import pallas as pl
from jax.experimental.pallas import tpu as pltpu
from jax.experimental.pallas import tpu_sc as plsc

B, P, L, H = 4, 256, 200, 2048
NIMG = 3
IMG_SEQ = NIMG * P
SEQ = IMG_SEQ + L
SCALE = math.sqrt(H)

NC, NS = 2, 16
NW = NC * NS
CHUNKS_PER_B = NW // B
TOK_PER_W = L // CHUNKS_PER_B
TOK_PAD = 32
LANES = 16


def _sc_gather_body(tok_hbm, table_hbm, out_hbm, idx_v, rows_v, sem):
    c = lax.axis_index("c")
    s = lax.axis_index("s")
    wid = s * NC + c
    b = wid // CHUNKS_PER_B
    ch = wid - b * CHUNKS_PER_B
    pltpu.sync_copy(tok_hbm.at[wid], idx_v)
    pltpu.async_copy(table_hbm.at[idx_v], rows_v, sem).wait()

    def scale_row(r, carry):
        for j in range(H // LANES):
            sl = pl.ds(j * LANES, LANES)
            rows_v[r, sl] = rows_v[r, sl] * SCALE
        return carry

    lax.fori_loop(0, TOK_PER_W, scale_row, 0)

    dst = b * SEQ + IMG_SEQ + ch * TOK_PER_W
    pltpu.sync_copy(rows_v.at[pl.ds(0, TOK_PER_W)],
                    out_hbm.at[pl.ds(dst, TOK_PER_W)])


@jax.jit
def _sc_gather(tok2, table):
    return pl.kernel(
        _sc_gather_body,
        out_type=jax.ShapeDtypeStruct((B * SEQ, H), jnp.float32),
        mesh=plsc.VectorSubcoreMesh(core_axis_name="c", subcore_axis_name="s"),
        scratch_types=[
            pltpu.VMEM((TOK_PAD,), jnp.int32),
            pltpu.VMEM((TOK_PAD, H), jnp.float32),
            pltpu.SemaphoreType.DMA,
        ],
        compiler_params=pltpu.CompilerParams(use_tc_tiling_on_sc=False),
    )(tok2, table)


def _tc_fill_body(img0, img1, img2, buf_in, out, sem):
    del buf_in
    copies = []
    for i, img in enumerate((img0, img1, img2)):
        for b in range(B):
            copies.append(pltpu.make_async_copy(
                img.at[b], out.at[pl.ds(b * SEQ + i * P, P)], sem))
    for cp in copies:
        cp.start()
    for cp in copies:
        cp.wait()


@jax.jit
def _tc_fill(img0, img1, img2, buf):
    return pl.pallas_call(
        _tc_fill_body,
        out_shape=jax.ShapeDtypeStruct((B * SEQ, H), jnp.float32),
        in_specs=[pl.BlockSpec(memory_space=pl.ANY)] * 4,
        out_specs=pl.BlockSpec(memory_space=pl.ANY),
        scratch_shapes=[pltpu.SemaphoreType.DMA],
        input_output_aliases={3: 0},
    )(img0, img1, img2, buf)


def kernel(img_emb_0, img_emb_1, img_emb_2, img_mask_0, img_mask_1,
           img_mask_2, lang_tokens, lang_masks, embed_table):
    tok2 = lang_tokens.reshape(B, CHUNKS_PER_B, TOK_PER_W)
    tok2 = jnp.pad(tok2, ((0, 0), (0, 0), (0, TOK_PAD - TOK_PER_W)))
    tok2 = tok2.reshape(NW, TOK_PAD)

    buf = _sc_gather(tok2, embed_table)
    buf = _tc_fill(img_emb_0, img_emb_1, img_emb_2, buf)
    prefix_embs = buf.reshape(B, SEQ, H)

    pad_img = jnp.concatenate([
        jnp.broadcast_to(m[:, None], (B, P))
        for m in (img_mask_0, img_mask_1, img_mask_2)
    ], axis=1)
    prefix_pad_masks = jnp.concatenate([pad_img, lang_masks], axis=1)
    prefix_att_masks = jnp.zeros_like(prefix_pad_masks)
    return prefix_embs, prefix_pad_masks, prefix_att_masks, SEQ

# --- scband reference (transcript-rebuilt; emitter-appended) ---
"""Pipeline reference for scband-static-embed-prefix-30416958390330 (READ-ONLY COPY).

The authoritative reference and input builder live on the scoring server;
editing this copy changes nothing except your own understanding.
"""

import jax, jax.numpy as jnp
import numpy as np
import math

B, H, V = 4, 2048, 100000
P, L, N_IMG = 256, 200, 3

def setup_inputs(seed: int = 0) -> dict:
    key = jax.random.key(seed)
    ks = jax.random.split(key, 10)
    inp = {}
    inp['img_emb_0'] = jax.random.normal(ks[0], (B, P, H), dtype=jnp.float32)
    inp['img_emb_1'] = jax.random.normal(ks[1], (B, P, H), dtype=jnp.float32)
    inp['img_emb_2'] = jax.random.normal(ks[2], (B, P, H), dtype=jnp.float32)
    inp['img_mask_0'] = jnp.ones((B,), dtype=bool)
    inp['img_mask_1'] = jnp.ones((B,), dtype=bool)
    inp['img_mask_2'] = jnp.ones((B,), dtype=bool)
    inp['lang_tokens'] = jax.random.randint(ks[3], (B, L), 0, V, dtype=jnp.int32)
    inp['lang_masks'] = jnp.ones((B, L), dtype=bool)
    inp['embed_table'] = jax.random.normal(ks[4], (V, H), dtype=jnp.float32) * 0.02
    return inp

def reference(img_emb_0, img_emb_1, img_emb_2, img_mask_0, img_mask_1, img_mask_2, lang_tokens, lang_masks, embed_table):
    hidden = embed_table.shape[1]
    num_patches = img_emb_0.shape[1]
    batch = img_emb_0.shape[0]
    # 1) copy pre-embedded images into the prefix (concatenation along seq dim)
    img_embs = jnp.concatenate([img_emb_0, img_emb_1, img_emb_2], axis=1)
    pad_img = jnp.concatenate([
        jnp.broadcast_to(m[:, None], (batch, num_patches))
        for m in (img_mask_0, img_mask_1, img_mask_2)
    ], axis=1)
    # 2) embed language tokens and scale by sqrt(hidden)
    lang_emb = jnp.take(embed_table, lang_tokens, axis=0) * math.sqrt(hidden)
    # 3) concatenate to fixed-size prefix
    prefix_embs = jnp.concatenate([img_embs, lang_emb], axis=1)
    prefix_pad_masks = jnp.concatenate([pad_img, lang_masks], axis=1)
    prefix_att_masks = jnp.zeros_like(prefix_pad_masks)
    actual_len = prefix_embs.shape[1]
    return prefix_embs, prefix_pad_masks, prefix_att_masks, actual_len

if __name__ == "__main__":
    import jax
    _d = setup_inputs()
    print(jax.jit(kernel)(*tuple(_d.values())))

</pallas_src>

<mosaic_0001>
#map = affine_map<(d0, d1) -> (0, 0)>
module attributes {stable_mosaic.version = 14 : i64} {
  func.func @_sc_gather_body(%arg0: i32, %arg1: i32, %arg2: memref<32x32xi32, #tpu.memory_space<hbm>>, %arg3: memref<100000x2048xf32, #tpu.memory_space<hbm>>, %arg4: memref<3872x2048xf32, #tpu.memory_space<hbm>>, %arg5: memref<32xi32, #tpu.memory_space<vmem>>, %arg6: memref<32x2048xf32, #tpu.memory_space<vmem>>, %arg7: memref<!tpu.dma_semaphore, #tpu.memory_space<semaphore_mem>>) attributes {dimension_semantics = [#tpu.dimension_semantics<core_parallel>, #tpu.dimension_semantics<subcore_parallel>], iteration_bounds = array<i64: 2, 16>, scalar_prefetch = 0 : i64, scratch_operands = 3 : i64, tpu.core_type = #tpu.core_type<sc_vector_subcore>, window_params = [{transform_indices = #map}, {transform_indices = #map}, {transform_indices = #map}]} {
    %mul3A = arith.constant 2 : i32
    %mul3A_0 = arith.muli %arg1, %mul3A : i32
    %add3A = arith.addi %mul3A_0, %arg0 : i32
    %jit3A = arith.constant 8 : i32
    %div3A = arith.divsi %add3A, %jit3A : i32
    %sign3A = arith.constant 0 : i32
    %sign3A_1 = arith.cmpi sgt, %add3A, %sign3A : i32
    %sign3A_2 = arith.extui %sign3A_1 : i1 to i32
    %sign3A_3 = arith.constant 0 : i32
    %sign3A_4 = arith.cmpi slt, %add3A, %sign3A_3 : i32
    %sign3A_5 = arith.extui %sign3A_4 : i1 to i32
    %sign3A_6 = arith.subi %sign3A_2, %sign3A_5 : i32
    %sign3A_7 = arith.constant 0 : i32
    %sign3A_8 = arith.cmpi sgt, %jit3A, %sign3A_7 : i32
    %sign3A_9 = arith.extui %sign3A_8 : i1 to i32
    %sign3A_10 = arith.constant 0 : i32
    %sign3A_11 = arith.cmpi slt, %jit3A, %sign3A_10 : i32
    %sign3A_12 = arith.extui %sign3A_11 : i1 to i32
    %sign3A_13 = arith.subi %sign3A_9, %sign3A_12 : i32
    %ne3A = arith.cmpi ne, %sign3A_6, %sign3A_13 : i32
    %rem3A = arith.remsi %add3A, %jit3A : i32
    %ne3A_14 = arith.constant 0 : i32
    %ne3A_15 = arith.cmpi ne, %rem3A, %ne3A_14 : i32
    %and3A = arith.andi %ne3A, %ne3A_15 : i1
    %sub3A = arith.constant 1 : i32
    %sub3A_16 = arith.subi %div3A, %sub3A : i32
    %select_n3A = arith.select %and3A, %sub3A_16, %div3A : i32
    %mul3A_17 = arith.constant 8 : i32
    %mul3A_18 = arith.muli %select_n3A, %mul3A_17 : i32
    %sub3A_19 = arith.subi %add3A, %mul3A_18 : i32
    "tpu.region"() ({
      %run_scoped3A = tpu.sem_alloc : memref<!tpu.dma_semaphore, #tpu.memory_space<semaphore_mem>>
      %dma_start3A_36 = arith.constant 0 : i32
      %dma_start3A_37 = tpu.memref_slice %arg2[%add3A, %dma_start3A_36] : memref<32x32xi32, #tpu.memory_space<hbm>> -> memref<1x32xi32, #tpu.memory_space<hbm>>
      %dma_start3A_38 = tpu.memref_squeeze %dma_start3A_37 : memref<1x32xi32, #tpu.memory_space<hbm>> -> memref<32xi32, #tpu.memory_space<hbm>>
      %dma_start3A_39 = arith.constant 0 : i32
      %dma_start3A_40 = tpu.memref_slice %arg2[%add3A, %dma_start3A_39] : memref<32x32xi32, #tpu.memory_space<hbm>> -> memref<1x32xi32, #tpu.memory_space<hbm>>
      %dma_start3A_41 = tpu.memref_squeeze %dma_start3A_40 : memref<1x32xi32, #tpu.memory_space<hbm>> -> memref<32xi32, #tpu.memory_space<hbm>>
      tpu.enqueue_dma source(%dma_start3A_41 : memref<32xi32, #tpu.memory_space<hbm>>) target(%arg5 : memref<32xi32, #tpu.memory_space<vmem>>) target_semaphore(%run_scoped3A : memref<!tpu.dma_semaphore, #tpu.memory_space<semaphore_mem>>)
      %dma_wait3A_42 = arith.constant 0 : i32
      %dma_wait3A_43 = tpu.memref_slice %arg2[%add3A, %dma_wait3A_42] : memref<32x32xi32, #tpu.memory_space<hbm>> -> memref<1x32xi32, #tpu.memory_space<hbm>>
      %dma_wait3A_44 = tpu.memref_squeeze %dma_wait3A_43 : memref<1x32xi32, #tpu.memory_space<hbm>> -> memref<32xi32, #tpu.memory_space<hbm>>
      %dma_wait3A_45 = arith.constant 0 : i32
      %dma_wait3A_46 = tpu.memref_slice %arg2[%add3A, %dma_wait3A_45] : memref<32x32xi32, #tpu.memory_space<hbm>> -> memref<1x32xi32, #tpu.memory_space<hbm>>
      %dma_wait3A_47 = tpu.memref_squeeze %dma_wait3A_46 : memref<1x32xi32, #tpu.memory_space<hbm>> -> memref<32xi32, #tpu.memory_space<hbm>>
      tpu.wait_dma2 semaphore(%run_scoped3A : memref<!tpu.dma_semaphore, #tpu.memory_space<semaphore_mem>>) src(%dma_wait3A_47 : memref<32xi32, #tpu.memory_space<hbm>>) dst(%arg5 : memref<32xi32, #tpu.memory_space<vmem>>)
      tpu.yield
    }) : () -> ()
    %dma_start3A = arith.constant 0 : i32
    %dma_start3A_20 = arith.constant 0 : i32
    %dma_start3A_21 = tpu.memref_slice %arg3[%dma_start3A, %dma_start3A_20] : memref<100000x2048xf32, #tpu.memory_space<hbm>> -> memref<100000x2048xf32, #tpu.memory_space<hbm>>
    tpu.enqueue_indirect_dma source(%dma_start3A_21 : memref<100000x2048xf32, #tpu.memory_space<hbm>>) target(%arg6 : memref<32x2048xf32, #tpu.memory_space<vmem>>) offsets(%arg5 : memref<32xi32, #tpu.memory_space<vmem>>) semaphore(%arg7 : memref<!tpu.dma_semaphore, #tpu.memory_space<semaphore_mem>>)
    %dma_wait3A = arith.constant 0 : i32
    %dma_wait3A_22 = arith.constant 0 : i32
    %dma_wait3A_23 = tpu.memref_slice %arg3[%dma_wait3A, %dma_wait3A_22] : memref<100000x2048xf32, #tpu.memory_space<hbm>> -> memref<100000x2048xf32, #tpu.memory_space<hbm>>
    tpu.wait_indirect_dma semaphore(%arg7 : memref<!tpu.dma_semaphore, #tpu.memory_space<semaphore_mem>>) src(%dma_wait3A_23 : memref<100000x2048xf32, #tpu.memory_space<hbm>>) dst(%arg6 : memref<32x2048xf32, #tpu.memory_space<vmem>>)
    %scan3A = arith.constant 0 : i32
    %scan3A_24 = arith.constant 0 : i32
    %scan3A_25 = arith.constant 25 : i32
    %scan3A_26 = arith.addi %scan3A_24, %scan3A_25 : i32
    %scan3A_27 = arith.constant 1 : i32
    scf.for %scan3A_36 = %scan3A_24 to %scan3A_26 step %scan3A_27  : i32 {
      %get3A = arith.index_cast %scan3A_36 : i32 to index
      %get3A_37 = arith.constant 0 : index
      %get3A_38 = tpu.vector_load %arg6[%get3A, %get3A_37] {strides = array<i32>} : memref<32x2048xf32, #tpu.memory_space<vmem>>, vector<1x16xf32>,
      %get3A_39 = vector.shape_cast %get3A_38 : vector<1x16xf32> to vector<16xf32>
      %mul3A_40 = arith.constant 45.2548332 : f32
      %mul3A_41 = vector.broadcast %mul3A_40 : f32 to vector<16xf32>
      %mul3A_42 = arith.mulf %get3A_39, %mul3A_41 : vector<16xf32>
      %swap3A = arith.index_cast %scan3A_36 : i32 to index
      %swap3A_43 = arith.constant 0 : index
      %swap3A_44 = tpu.vector_load %arg6[%swap3A, %swap3A_43] {strides = array<i32>} : memref<32x2048xf32, #tpu.memory_space<vmem>>, vector<1x16xf32>,
      %swap3A_45 = vector.shape_cast %swap3A_44 : vector<1x16xf32> to vector<16xf32>
      %swap3A_46 = vector.shape_cast %mul3A_42 : vector<16xf32> to vector<1x16xf32>
      tpu.vector_store %arg6[%swap3A, %swap3A_43], %swap3A_46 {strides = array<i32>} : memref<32x2048xf32, #tpu.memory_space<vmem>>, vector<1x16xf32>,
      %get3A_47 = arith.index_cast %scan3A_36 : i32 to index
      %get3A_48 = arith.constant 16 : index
      %get3A_49 = tpu.vector_load %arg6[%get3A_47, %get3A_48] {strides = array<i32>} : memref<32x2048xf32, #tpu.memory_space<vmem>>, vector<1x16xf32>,
      %get3A_50 = vector.shape_cast %get3A_49 : vector<1x16xf32> to vector<16xf32>
      %mul3A_51 = arith.constant 45.2548332 : f32
      %mul3A_52 = vector.broadcast %mul3A_51 : f32 to vector<16xf32>
      %mul3A_53 = arith.mulf %get3A_50, %mul3A_52 : vector<16xf32>
      %swap3A_54 = arith.index_cast %scan3A_36 : i32 to index
      %swap3A_55 = arith.constant 16 : index
      %swap3A_56 = tpu.vector_load %arg6[%swap3A_54, %swap3A_55] {strides = array<i32>} : memref<32x2048xf32, #tpu.memory_space<vmem>>, vector<1x16xf32>,
      %swap3A_57 = vector.shape_cast %swap3A_56 : vector<1x16xf32> to vector<16xf32>
      %swap3A_58 = vector.shape_cast %mul3A_53 : vector<16xf32> to vector<1x16xf32>
      tpu.vector_store %arg6[%swap3A_54, %swap3A_55], %swap3A_58 {strides = array<i32>} : memref<32x2048xf32, #tpu.memory_space<vmem>>, vector<1x16xf32>,
      %get3A_59 = arith.index_cast %scan3A_36 : i32 to index
      %get3A_60 = arith.constant 32 : index
      %get3A_61 = tpu.vector_load %arg6[%get3A_59, %get3A_60] {strides = array<i32>} : memref<32x2048xf32, #tpu.memory_space<vmem>>, vector<1x16xf32>,
      %get3A_62 = vector.shape_cast %get3A_61 : vector<1x16xf32> to vector<16xf32>
      %mul3A_63 = arith.constant 45.2548332 : f32
      %mul3A_64 = vector.broadcast %mul3A_63 : f32 to vector<16xf32>
      %mul3A_65 = arith.mulf %get3A_62, %mul3A_64 : vector<16xf32>
      %swap3A_66 = arith.index_cast %scan3A_36 : i32 to index
      %swap3A_67 = arith.constant 32 : index
      %swap3A_68 = tpu.vector_load %arg6[%swap3A_66, %swap3A_67] {strides = array<i32>} : memref<32x2048xf32, #tpu.memory_space<vmem>>, vector<1x16xf32>,
      %swap3A_69 = vector.shape_cast %swap3A_68 : vector<1x16xf32> to vector<16xf32>
      %swap3A_70 = vector.shape_cast %mul3A_65 : vector<16xf32> to vector<1x16xf32>
      tpu.vector_store %arg6[%swap3A_66, %swap3A_67], %swap3A_70 {strides = array<i32>} : memref<32x2048xf32, #tpu.memory_space<vmem>>, vector<1x16xf32>,
      %get3A_71 = arith.index_cast %scan3A_36 : i32 to index
      %get3A_72 = arith.constant 48 : index
      %get3A_73 = tpu.vector_load %arg6[%get3A_71, %get3A_72] {strides = array<i32>} : memref<32x2048xf32, #tpu.memory_space<vmem>>, vector<1x16xf32>,
      %get3A_74 = vector.shape_cast %get3A_73 : vector<1x16xf32> to vector<16xf32>
      %mul3A_75 = arith.constant 45.2548332 : f32
      %mul3A_76 = vector.broadcast %mul3A_75 : f32 to vector<16xf32>
      %mul3A_77 = arith.mulf %get3A_74, %mul3A_76 : vector<16xf32>
      %swap3A_78 = arith.index_cast %scan3A_36 : i32 to index
      %swap3A_79 = arith.constant 48 : index
      %swap3A_80 = tpu.vector_load %arg6[%swap3A_78, %swap3A_79] {strides = array<i32>} : memref<32x2048xf32, #tpu.memory_space<vmem>>, vector<1x16xf32>,
      %swap3A_81 = vector.shape_cast %swap3A_80 : vector<1x16xf32> to vector<16xf32>
      %swap3A_82 = vector.shape_cast %mul3A_77 : vector<16xf32> to vector<1x16xf32>
      tpu.vector_store %arg6[%swap3A_78, %swap3A_79], %swap3A_82 {strides = array<i32>} : memref<32x2048xf32, #tpu.memory_space<vmem>>, vector<1x16xf32>,
      %get3A_83 = arith.index_cast %scan3A_36 : i32 to index
      %get3A_84 = arith.constant 64 : index
      %get3A_85 = tpu.vector_load %arg6[%get3A_83, %get3A_84] {strides = array<i32>} : memref<32x2048xf32, #tpu.memory_space<vmem>>, vector<1x16xf32>,
      %get3A_86 = vector.shape_cast %get3A_85 : vector<1x16xf32> to vector<16xf32>
      %mul3A_87 = arith.constant 45.2548332 : f32
      %mul3A_88 = vector.broadcast %mul3A_87 : f32 to vector<16xf32>
      %mul3A_89 = arith.mulf %get3A_86, %mul3A_88 : vector<16xf32>
      %swap3A_90 = arith.index_cast %scan3A_36 : i32 to index
      %swap3A_91 = arith.constant 64 : index
      %swap3A_92 = tpu.vector_load %arg6[%swap3A_90, %swap3A_91] {strides = array<i32>} : memref<32x2048xf32, #tpu.memory_space<vmem>>, vector<1x16xf32>,
      %swap3A_93 = vector.shape_cast %swap3A_92 : vector<1x16xf32> to vector<16xf32>
      %swap3A_94 = vector.shape_cast %mul3A_89 : vector<16xf32> to vector<1x16xf32>
      tpu.vector_store %arg6[%swap3A_90, %swap3A_91], %swap3A_94 {strides = array<i32>} : memref<32x2048xf32, #tpu.memory_space<vmem>>, vector<1x16xf32>,
      %get3A_95 = arith.index_cast %scan3A_36 : i32 to index
      %get3A_96 = arith.constant 80 : index
      %get3A_97 = tpu.vector_load %arg6[%get3A_95, %get3A_96] {strides = array<i32>} : memref<32x2048xf32, #tpu.memory_space<vmem>>, vector<1x16xf32>,
      %get3A_98 = vector.shape_cast %get3A_97 : vector<1x16xf32> to vector<16xf32>
      %mul3A_99 = arith.constant 45.2548332 : f32
      %mul3A_100 = vector.broadcast %mul3A_99 : f32 to vector<16xf32>
      %mul3A_101 = arith.mulf %get3A_98, %mul3A_100 : vector<16xf32>
      %swap3A_102 = arith.index_cast %scan3A_36 : i32 to index
      %swap3A_103 = arith.constant 80 : index
      %swap3A_104 = tpu.vector_load %arg6[%swap3A_102, %swap3A_103] {strides = array<i32>} : memref<32x2048xf32, #tpu.memory_space<vmem>>, vector<1x16xf32>,
      %swap3A_105 = vector.shape_cast %swap3A_104 : vector<1x16xf32> to vector<16xf32>
      %swap3A_106 = vector.shape_cast %mul3A_101 : vector<16xf32> to vector<1x16xf32>
      tpu.vector_store %arg6[%swap3A_102, %swap3A_103], %swap3A_106 {strides = array<i32>} : memref<32x2048xf32, #tpu.memory_space<vmem>>, vector<1x16xf32>,
      %get3A_107 = arith.index_cast %scan3A_36 : i32 to index
      %get3A_108 = arith.constant 96 : index
      %get3A_109 = tpu.vector_load %arg6[%get3A_107, %get3A_108] {strides = array<i32>} : memref<32x2048xf32, #tpu.memory_space<vmem>>, vector<1x16xf32>,
      %get3A_110 = vector.shape_cast %get3A_109 : vector<1x16xf32> to vector<16xf32>
      %mul3A_111 = arith.constant 45.2548332 : f32
      %mul3A_112 = vector.broadcast %mul3A_111 : f32 to vector<16xf32>
      %mul3A_113 = arith.mulf %get3A_110, %mul3A_112 : vector<16xf32>
      %swap3A_114 = arith.index_cast %scan3A_36 : i32 to index
      %swap3A_115 = arith.constant 96 : index
      %swap3A_116 = tpu.vector_load %arg6[%swap3A_114, %swap3A_115] {strides = array<i32>} : memref<32x2048xf32, #tpu.memory_space<vmem>>, vector<1x16xf32>,
      %swap3A_117 = vector.shape_cast %swap3A_116 : vector<1x16xf32> to vector<16xf32>
      %swap3A_118 = vector.shape_cast %mul3A_113 : vector<16xf32> to vector<1x16xf32>
      tpu.vector_store %arg6[%swap3A_114, %swap3A_115], %swap3A_118 {strides = array<i32>} : memref<32x2048xf32, #tpu.memory_space<vmem>>, vector<1x16xf32>,
      %get3A_119 = arith.index_cast %scan3A_36 : i32 to index
      %get3A_120 = arith.constant 112 : index
      %get3A_121 = tpu.vector_load %arg6[%get3A_119, %get3A_120] {strides = array<i32>} : memref<32x2048xf32, #tpu.memory_space<vmem>>, vector<1x16xf32>,
      %get3A_122 = vector.shape_cast %get3A_121 : vector<1x16xf32> to vector<16xf32>
      %mul3A_123 = arith.constant 45.2548332 : f32
      %mul3A_124 = vector.broadcast %mul3A_123 : f32 to vector<16xf32>
      %mul3A_125 = arith.mulf %get3A_122, %mul3A_124 : vector<16xf32>
      %swap3A_126 = arith.index_cast %scan3A_36 : i32 to index
      %swap3A_127 = arith.constant 112 : index
      %swap3A_128 = tpu.vector_load %arg6[%swap3A_126, %swap3A_127] {strides = array<i32>} : memref<32x2048xf32, #tpu.memory_space<vmem>>, vector<1x16xf32>,
      %swap3A_129 = vector.shape_cast %swap3A_128 : vector<1x16xf32> to vector<16xf32>
      %swap3A_130 = vector.shape_cast %mul3A_125 : vector<16xf32> to vector<1x16xf32>
      tpu.vector_store %arg6[%swap3A_126, %swap3A_127], %swap3A_130 {strides = array<i32>} : memref<32x2048xf32, #tpu.memory_space<vmem>>, vector<1x16xf32>,
      %get3A_131 = arith.index_cast %scan3A_36 : i32 to index
      %get3A_132 = arith.constant 128 : index
      %get3A_133 = tpu.vector_load %arg6[%get3A_131, %get3A_132] {strides = array<i32>} : memref<32x2048xf32, #tpu.memory_space<vmem>>, vector<1x16xf32>,
      %get3A_134 = vector.shape_cast %get3A_133 : vector<1x16xf32> to vector<16xf32>
      %mul3A_135 = arith.constant 45.2548332 : f32
      %mul3A_136 = vector.broadcast %mul3A_135 : f32 to vector<16xf32>
      %mul3A_137 = arith.mulf %get3A_134, %mul3A_136 : vector<16xf32>
      %swap3A_138 = arith.index_cast %scan3A_36 : i32 to index
      %swap3A_139 = arith.constant 128 : index
      %swap3A_140 = tpu.vector_load %arg6[%swap3A_138, %swap3A_139] {strides = array<i32>} : memref<32x2048xf32, #tpu.memory_space<vmem>>, vector<1x16xf32>,
      %swap3A_141 = vector.shape_cast %swap3A_140 : vector<1x16xf32> to vector<16xf32>
      %swap3A_142 = vector.shape_cast %mul3A_137 : vector<16xf32> to vector<1x16xf32>
      tpu.vector_store %arg6[%swap3A_138, %swap3A_139], %swap3A_142 {strides = array<i32>} : memref<32x2048xf32, #tpu.memory_space<vmem>>, vector<1x16xf32>,
      %get3A_143 = arith.index_cast %scan3A_36 : i32 to index
      %get3A_144 = arith.constant 144 : index
      %get3A_145 = tpu.vector_load %arg6[%get3A_143, %get3A_144] {strides = array<i32>} : memref<32x2048xf32, #tpu.memory_space<vmem>>, vector<1x16xf32>,
      %get3A_146 = vector.shape_cast %get3A_145 : vector<1x16xf32> to vector<16xf32>
      %mul3A_147 = arith.constant 45.2548332 : f32
      %mul3A_148 = vector.broadcast %mul3A_147 : f32 to vector<16xf32>
      %mul3A_149 = arith.mulf %get3A_146, %mul3A_148 : vector<16xf32>
      %swap3A_150 = arith.index_cast %scan3A_36 : i32 to index
      %swap3A_151 = arith.constant 144 : index
      %swap3A_152 = tpu.vector_load %arg6[%swap3A_150, %swap3A_151] {strides = array<i32>} : memref<32x2048xf32, #tpu.memory_space<vmem>>, vector<1x16xf32>,
      %swap3A_153 = vector.shape_cast %swap3A_152 : vector<1x16xf32> to vector<16xf32>
      %swap3A_154 = vector.shape_cast %mul3A_149 : vector<16xf32> to vector<1x16xf32>
      tpu.vector_store %arg6[%swap3A_150, %swap3A_151], %swap3A_154 {strides = array<i32>} : memref<32x2048xf32, #tpu.memory_space<vmem>>, vector<1x16xf32>,
      %get3A_155 = arith.index_cast %scan3A_36 : i32 to index
      %get3A_156 = arith.constant 160 : index
      %get3A_157 = tpu.vector_load %arg6[%get3A_155, %get3A_156] {strides = array<i32>} : memref<32x2048xf32, #tpu.memory_space<vmem>>, vector<1x16xf32>,
      %get3A_158 = vector.shape_cast %get3A_157 : vector<1x16xf32> to vector<16xf32>
      %mul3A_159 = arith.constant 45.2548332 : f32
      %mul3A_160 = vector.broadcast %mul3A_159 : f32 to vector<16xf32>
      %mul3A_161 = arith.mulf %get3A_158, %mul3A_160 : vector<16xf32>
      %swap3A_162 = arith.index_cast %scan3A_36 : i32 to index
      %swap3A_163 = arith.constant 160 : index
      %swap3A_164 = tpu.vector_load %arg6[%swap3A_162, %swap3A_163] {strides = array<i32>} : memref<32x2048xf32, #tpu.memory_space<vmem>>, vector<1x16xf32>,
      %swap3A_165 = vector.shape_cast %swap3A_164 : vector<1x16xf32> to vector<16xf32>
      %swap3A_166 = vector.shape_cast %mul3A_161 : vector<16xf32> to vector<1x16xf32>
      tpu.vector_store %arg6[%swap3A_162, %swap3A_163], %swap3A_166 {strides = array<i32>} : memref<32x2048xf32, #tpu.memory_space<vmem>>, vector<1x16xf32>,
      %get3A_167 = arith.index_cast %scan3A_36 : i32 to index
      %get3A_168 = arith.constant 176 : index
      %get3A_169 = tpu.vector_load %arg6[%get3A_167, %get3A_168] {strides = array<i32>} : memref<32x2048xf32, #tpu.memory_space<vmem>>, vector<1x16xf32>,
      %get3A_170 = vector.shape_cast %get3A_169 : vector<1x16xf32> to vector<16xf32>
      %mul3A_171 = arith.constant 45.2548332 : f32
      %mul3A_172 = vector.broadcast %mul3A_171 : f32 to vector<16xf32>
      %mul3A_173 = arith.mulf %get3A_170, %mul3A_172 : vector<16xf32>
      %swap3A_174 = arith.index_cast %scan3A_36 : i32 to index
      %swap3A_175 = arith.constant 176 : index
      %swap3A_176 = tpu.vector_load %arg6[%swap3A_174, %swap3A_175] {strides = array<i32>} : memref<32x2048xf32, #tpu.memory_space<vmem>>, vector<1x16xf32>,
      %swap3A_177 = vector.shape_cast %swap3A_176 : vector<1x16xf32> to vector<16xf32>
      %swap3A_178 = vector.shape_cast %mul3A_173 : vector<16xf32> to vector<1x16xf32>
      tpu.vector_store %arg6[%swap3A_174, %swap3A_175], %swap3A_178 {strides = array<i32>} : memref<32x2048xf32, #tpu.memory_space<vmem>>, vector<1x16xf32>,
      %get3A_179 = arith.index_cast %scan3A_36 : i32 to index
      %get3A_180 = arith.constant 192 : index
      %get3A_181 = tpu.vector_load %arg6[%get3A_179, %get3A_180] {strides = array<i32>} : memref<32x2048xf32, #tpu.memory_space<vmem>>, vector<1x16xf32>,
      %get3A_182 = vector.shape_cast %get3A_181 : vector<1x16xf32> to vector<16xf32>
      %mul3A_183 = arith.constant 45.2548332 : f32
      %mul3A_184 = vector.broadcast %mul3A_183 : f32 to vector<16xf32>
      %mul3A_185 = arith.mulf %get3A_182, %mul3A_184 : vector<16xf32>
      %swap3A_186 = arith.index_cast %scan3A_36 : i32 to index
      %swap3A_187 = arith.constant 192 : index
      %swap3A_188 = tpu.vector_load %arg6[%swap3A_186, %swap3A_187] {strides = array<i32>} : memref<32x2048xf32, #tpu.memory_space<vmem>>, vector<1x16xf32>,
      %swap3A_189 = vector.shape_cast %swap3A_188 : vector<1x16xf32> to vector<16xf32>
      %swap3A_190 = vector.shape_cast %mul3A_185 : vector<16xf32> to vector<1x16xf32>
      tpu.vector_store %arg6[%swap3A_186, %swap3A_187], %swap3A_190 {strides = array<i32>} : memref<32x2048xf32, #tpu.memory_space<vmem>>, vector<1x16xf32>,
      %get3A_191 = arith.index_cast %scan3A_36 : i32 to index
      %get3A_192 = arith.constant 208 : index
      %get3A_193 = tpu.vector_load %arg6[%get3A_191, %get3A_192] {strides = array<i32>} : memref<32x2048xf32, #tpu.memory_space<vmem>>, vector<1x16xf32>,
      %get3A_194 = vector.shape_cast %get3A_193 : vector<1x16xf32> to vector<16xf32>
      %mul3A_195 = arith.constant 45.2548332 : f32
      %mul3A_196 = vector.broadcast %mul3A_195 : f32 to vector<16xf32>
      %mul3A_197 = arith.mulf %get3A_194, %mul3A_196 : vector<16xf32>
      %swap3A_198 = arith.index_cast %scan3A_36 : i32 to index
      %swap3A_199 = arith.constant 208 : index
      %swap3A_200 = tpu.vector_load %arg6[%swap3A_198, %swap3A_199] {strides = array<i32>} : memref<32x2048xf32, #tpu.memory_space<vmem>>, vector<1x16xf32>,
      %swap3A_201 = vector.shape_cast %swap3A_200 : vector<1x16xf32> to vector<16xf32>
      %swap3A_202 = vector.shape_cast %mul3A_197 : vector<16xf32> to vector<1x16xf32>
      tpu.vector_store %arg6[%swap3A_198, %swap3A_199], %swap3A_202 {strides = array<i32>} : memref<32x2048xf32, #tpu.memory_space<vmem>>, vector<1x16xf32>,
      %get3A_203 = arith.index_cast %scan3A_36 : i32 to index
      %get3A_204 = arith.constant 224 : index
      %get3A_205 = tpu.vector_load %arg6[%get3A_203, %get3A_204] {strides = array<i32>} : memref<32x2048xf32, #tpu.memory_space<vmem>>, vector<1x16xf32>,
      %get3A_206 = vector.shape_cast %get3A_205 : vector<1x16xf32> to vector<16xf32>
      %mul3A_207 = arith.constant 45.2548332 : f32
      %mul3A_208 = vector.broadcast %mul3A_207 : f32 to vector<16xf32>
      %mul3A_209 = arith.mulf %get3A_206, %mul3A_208 : vector<16xf32>
      %swap3A_210 = arith.index_cast %scan3A_36 : i32 to index
      %swap3A_211 = arith.constant 224 : index
      %swap3A_212 = tpu.vector_load %arg6[%swap3A_210, %swap3A_211] {strides = array<i32>} : memref<32x2048xf32, #tpu.memory_space<vmem>>, vector<1x16xf32>,
      %swap3A_213 = vector.shape_cast %swap3A_212 : vector<1x16xf32> to vector<16xf32>
      %swap3A_214 = vector.shape_cast %mul3A_209 : vector<16xf32> to vector<1x16xf32>
      tpu.vector_store %arg6[%swap3A_210, %swap3A_211], %swap3A_214 {strides = array<i32>} : memref<32x2048xf32, #tpu.memory_space<vmem>>, vector<1x16xf32>,
      %get3A_215 = arith.index_cast %scan3A_36 : i32 to index
      %get3A_216 = arith.constant 240 : index
      %get3A_217 = tpu.vector_load %arg6[%get3A_215, %get3A_216] {strides = array<i32>} : memref<32x2048xf32, #tpu.memory_space<vmem>>, vector<1x16xf32>,
      %get3A_218 = vector.shape_cast %get3A_217 : vector<1x16xf32> to vector<16xf32>
      %mul3A_219 = arith.constant 45.2548332 : f32
      %mul3A_220 = vector.broadcast %mul3A_219 : f32 to vector<16xf32>
      %mul3A_221 = arith.mulf %get3A_218, %mul3A_220 : vector<16xf32>
      %swap3A_222 = arith.index_cast %scan3A_36 : i32 to index
      %swap3A_223 = arith.constant 240 : index
      %swap3A_224 = tpu.vector_load %arg6[%swap3A_222, %swap3A_223] {strides = array<i32>} : memref<32x2048xf32, #tpu.memory_space<vmem>>, vector<1x16xf32>,
      %swap3A_225 = vector.shape_cast %swap3A_224 : vector<1x16xf32> to vector<16xf32>
      %swap3A_226 = vector.shape_cast %mul3A_221 : vector<16xf32> to vector<1x16xf32>
      tpu.vector_store %arg6[%swap3A_222, %swap3A_223], %swap3A_226 {strides = array<i32>} : memref<32x2048xf32, #tpu.memory_space<vmem>>, vector<1x16xf32>,
      %get3A_227 = arith.index_cast %scan3A_36 : i32 to index
      %get3A_228 = arith.constant 256 : index
      %get3A_229 = tpu.vector_load %arg6[%get3A_227, %get3A_228] {strides = array<i32>} : memref<32x2048xf32, #tpu.memory_space<vmem>>, vector<1x16xf32>,
      %get3A_230 = vector.shape_cast %get3A_229 : vector<1x16xf32> to vector<16xf32>
      %mul3A_231 = arith.constant 45.2548332 : f32
      %mul3A_232 = vector.broadcast %mul3A_231 : f32 to vector<16xf32>
      %mul3A_233 = arith.mulf %get3A_230, %mul3A_232 : vector<16xf32>
      %swap3A_234 = arith.index_cast %scan3A_36 : i32 to index
      %swap3A_235 = arith.constant 256 : index
      %swap3A_236 = tpu.vector_load %arg6[%swap3A_234, %swap3A_235] {strides = array<i32>} : memref<32x2048xf32, #tpu.memory_space<vmem>>, vector<1x16xf32>,
      %swap3A_237 = vector.shape_cast %swap3A_236 : vector<1x16xf32> to vector<16xf32>
      %swap3A_238 = vector.shape_cast %mul3A_233 : vector<16xf32> to vector<1x16xf32>
      tpu.vector_store %arg6[%swap3A_234, %swap3A_235], %swap3A_238 {strides = array<i32>} : memref<32x2048xf32, #tpu.memory_space<vmem>>, vector<1x16xf32>,
      %get3A_239 = arith.index_cast %scan3A_36 : i32 to index
      %get3A_240 = arith.constant 272 : index
      %get3A_241 = tpu.vector_load %arg6[%get3A_239, %get3A_240] {strides = array<i32>} : memref<32x2048xf32, #tpu.memory_space<vmem>>, vector<1x16xf32>,
      %get3A_242 = vector.shape_cast %get3A_241 : vector<1x16xf32> to vector<16xf32>
      %mul3A_243 = arith.constant 45.2548332 : f32
      %mul3A_244 = vector.broadcast %mul3A_243 : f32 to vector<16xf32>
      %mul3A_245 = arith.mulf %get3A_242, %mul3A_244 : vector<16xf32>
      %swap3A_246 = arith.index_cast %scan3A_36 : i32 to index
      %swap3A_247 = arith.constant 272 : index
      %swap3A_248 = tpu.vector_load %arg6[%swap3A_246, %swap3A_247] {strides = array<i32>} : memref<32x2048xf32, #tpu.memory_space<vmem>>, vector<1x16xf32>,
      %swap3A_249 = vector.shape_cast %swap3A_248 : vector<1x16xf32> to vector<16xf32>
      %swap3A_250 = vector.shape_cast %mul3A_245 : vector<16xf32> to vector<1x16xf32>
      tpu.vector_store %arg6[%swap3A_246, %swap3A_247], %swap3A_250 {strides = array<i32>} : memref<32x2048xf32, #tpu.memory_space<vmem>>, vector<1x16xf32>,
      %get3A_251 = arith.index_cast %scan3A_36 : i32 to index
      %get3A_252 = arith.constant 288 : index
      %get3A_253 = tpu.vector_load %arg6[%get3A_251, %get3A_252] {strides = array<i32>} : memref<32x2048xf32, #tpu.memory_space<vmem>>, vector<1x16xf32>,
      %get3A_254 = vector.shape_cast %get3A_253 : vector<1x16xf32> to vector<16xf32>
      %mul3A_255 = arith.constant 45.2548332 : f32
      %mul3A_256 = vector.broadcast %mul3A_255 : f32 to vector<16xf32>
      %mul3A_257 = arith.mulf %get3A_254, %mul3A_256 : vector<16xf32>
      %swap3A_258 = arith.index_cast %scan3A_36 : i32 to index
      %swap3A_259 = arith.constant 288 : index
      %swap3A_260 = tpu.vector_load %arg6[%swap3A_258, %swap3A_259] {strides = array<i32>} : memref<32x2048xf32, #tpu.memory_space<vmem>>, vector<1x16xf32>,
      %swap3A_261 = vector.shape_cast %swap3A_260 : vector<1x16xf32> to vector<16xf32>
      %swap3A_262 = vector.shape_cast %mul3A_257 : vector<16xf32> to vector<1x16xf32>
      tpu.vector_store %arg6[%swap3A_258, %swap3A_259], %swap3A_262 {strides = array<i32>} : memref<32x2048xf32, #tpu.memory_space<vmem>>, vector<1x16xf32>,
      %get3A_263 = arith.index_cast %scan3A_36 : i32 to index
      %get3A_264 = arith.constant 304 : index
      %get3A_265 = tpu.vector_load %arg6[%get3A_263, %get3A_264] {strides = array<i32>} : memref<32x2048xf32, #tpu.memory_space<vmem>>, vector<1x16xf32>,
      %get3A_266 = vector.shape_cast %get3A_265 : vector<1x16xf32> to vector<16xf32>
      %mul3A_267 = arith.constant 45.2548332 : f32
      %mul3A_268 = vector.broadcast %mul3A_267 : f32 to vector<16xf32>
      %mul3A_269 = arith.mulf %get3A_266, %mul3A_268 : vector<16xf32>
      %swap3A_270 = arith.index_cast %scan3A_36 : i32 to index
      %swap3A_271 = arith.constant 304 : index
      %swap3A_272 = tpu.vector_load %arg6[%swap3A_270, %swap3A_271] {strides = array<i32>} : memref<32x2048xf32, #tpu.memory_space<vmem>>, vector<1x16xf32>,
      %swap3A_273 = vector.shape_cast %swap3A_272 : vector<1x16xf32> to vector<16xf32>
      %swap3A_274 = vector.shape_cast %mul3A_269 : vector<16xf32> to vector<1x16xf32>
      tpu.vector_store %arg6[%swap3A_270, %swap3A_271], %swap3A_274 {strides = array<i32>} : memref<32x2048xf32, #tpu.memory_space<vmem>>, vector<1x16xf32>,
      %get3A_275 = arith.index_cast %scan3A_36 : i32 to index
      %get3A_276 = arith.constant 320 : index
      %get3A_277 = tpu.vector_load %arg6[%get3A_275, %get3A_276] {strides = array<i32>} : memref<32x2048xf32, #tpu.memory_space<vmem>>, vector<1x16xf32>,
      %get3A_278 = vector.shape_cast %get3A_277 : vector<1x16xf32> to vector<16xf32>
      %mul3A_279 = arith.constant 45.2548332 : f32
      %mul3A_280 = vector.broadcast %mul3A_279 : f32 to vector<16xf32>
      %mul3A_281 = arith.mulf %get3A_278, %mul3A_280 : vector<16xf32>
      %swap3A_282 = arith.index_cast %scan3A_36 : i32 to index
      %swap3A_283 = arith.constant 320 : index
      %swap3A_284 = tpu.vector_load %arg6[%swap3A_282, %swap3A_283] {strides = array<i32>} : memref<32x2048xf32, #tpu.memory_space<vmem>>, vector<1x16xf32>,
      %swap3A_285 = vector.shape_cast %swap3A_284 : vector<1x16xf32> to vector<16xf32>
      %swap3A_286 = vector.shape_cast %mul3A_281 : vector<16xf32> to vector<1x16xf32>
      tpu.vector_store %arg6[%swap3A_282, %swap3A_283], %swap3A_286 {strides = array<i32>} : memref<32x2048xf32, #tpu.memory_space<vmem>>, vector<1x16xf32>,
      %get3A_287 = arith.index_cast %scan3A_36 : i32 to index
      %get3A_288 = arith.constant 336 : index
      %get3A_289 = tpu.vector_load %arg6[%get3A_287, %get3A_288] {strides = array<i32>} : memref<32x2048xf32, #tpu.memory_space<vmem>>, vector<1x16xf32>,
      %get3A_290 = vector.shape_cast %get3A_289 : vector<1x16xf32> to vector<16xf32>
      %mul3A_291 = arith.constant 45.2548332 : f32
      %mul3A_292 = vector.broadcast %mul3A_291 : f32 to vector<16xf32>
      %mul3A_293 = arith.mulf %get3A_290, %mul3A_292 : vector<16xf32>
      %swap3A_294 = arith.index_cast %scan3A_36 : i32 to index
      %swap3A_295 = arith.constant 336 : index
      %swap3A_296 = tpu.vector_load %arg6[%swap3A_294, %swap3A_295] {strides = array<i32>} : memref<32x2048xf32, #tpu.memory_space<vmem>>, vector<1x16xf32>,
      %swap3A_297 = vector.shape_cast %swap3A_296 : vector<1x16xf32> to vector<16xf32>
      %swap3A_298 = vector.shape_cast %mul3A_293 : vector<16xf32> to vector<1x16xf32>
      tpu.vector_store %arg6[%swap3A_294, %swap3A_295], %swap3A_298 {strides = array<i32>} : memref<32x2048xf32, #tpu.memory_space<vmem>>, vector<1x16xf32>,
      %get3A_299 = arith.index_cast %scan3A_36 : i32 to index
      %get3A_300 = arith.constant 352 : index
      %get3A_301 = tpu.vector_load %arg6[%get3A_299, %get3A_300] {strides = array<i32>} : memref<32x2048xf32, #tpu.memory_space<vmem>>, vector<1x16xf32>,
      %get3A_302 = vector.shape_cast %get3A_301 : vector<1x16xf32> to vector<16xf32>
      %mul3A_303 = arith.constant 45.2548332 : f32
      %mul3A_304 = vector.broadcast %mul3A_303 : f32 to vector<16xf32>
      %mul3A_305 = arith.mulf %get3A_302, %mul3A_304 : vector<16xf32>
      %swap3A_306 = arith.index_cast %scan3A_36 : i32 to index
      %swap3A_307 = arith.constant 352 : index
      %swap3A_308 = tpu.vector_load %arg6[%swap3A_306, %swap3A_307] {strides = array<i32>} : memref<32x2048xf32, #tpu.memory_space<vmem>>, vector<1x16xf32>,
      %swap3A_309 = vector.shape_cast %swap3A_308 : vector<1x16xf32> to vector<16xf32>
      %swap3A_310 = vector.shape_cast %mul3A_305 : vector<16xf32> to vector<1x16xf32>
      tpu.vector_store %arg6[%swap3A_306, %swap3A_307], %swap3A_310 {strides = array<i32>} : memref<32x2048xf32, #tpu.memory_space<vmem>>, vector<1x16xf32>,
      %get3A_311 = arith.index_cast %scan3A_36 : i32 to index
      %get3A_312 = arith.constant 368 : index
      %get3A_313 = tpu.vector_load %arg6[%get3A_311, %get3A_312] {strides = array<i32>} : memref<32x2048xf32, #tpu.memory_space<vmem>>, vector<1x16xf32>,
      %get3A_314 = vector.shape_cast %get3A_313 : vector<1x16xf32> to vector<16xf32>
      %mul3A_315 = arith.constant 45.2548332 : f32
      %mul3A_316 = vector.broadcast %mul3A_315 : f32 to vector<16xf32>
      %mul3A_317 = arith.mulf %get3A_314, %mul3A_316 : vector<16xf32>
      %swap3A_318 = arith.index_cast %scan3A_36 : i32 to index
      %swap3A_319 = arith.constant 368 : index
      %swap3A_320 = tpu.vector_load %arg6[%swap3A_318, %swap3A_319] {strides = array<i32>} : memref<32x2048xf32, #tpu.memory_space<vmem>>, vector<1x16xf32>,
      %swap3A_321 = vector.shape_cast %swap3A_320 : vector<1x16xf32> to vector<16xf32>
      %swap3A_322 = vector.shape_cast %mul3A_317 : vector<16xf32> to vector<1x16xf32>
      tpu.vector_store %arg6[%swap3A_318, %swap3A_319], %swap3A_322 {strides = array<i32>} : memref<32x2048xf32, #tpu.memory_space<vmem>>, vector<1x16xf32>,
      %get3A_323 = arith.index_cast %scan3A_36 : i32 to index
      %get3A_324 = arith.constant 384 : index
      %get3A_325 = tpu.vector_load %arg6[%get3A_323, %get3A_324] {strides = array<i32>} : memref<32x2048xf32, #tpu.memory_space<vmem>>, vector<1x16xf32>,
      %get3A_326 = vector.shape_cast %get3A_325 : vector<1x16xf32> to vector<16xf32>
      %mul3A_327 = arith.constant 45.2548332 : f32
      %mul3A_328 = vector.broadcast %mul3A_327 : f32 to vector<16xf32>
      %mul3A_329 = arith.mulf %get3A_326, %mul3A_328 : vector<16xf32>
      %swap3A_330 = arith.index_cast %scan3A_36 : i32 to index
      %swap3A_331 = arith.constant 384 : index
      %swap3A_332 = tpu.vector_load %arg6[%swap3A_330, %swap3A_331] {strides = array<i32>} : memref<32x2048xf32, #tpu.memory_space<vmem>>, vector<1x16xf32>,
      %swap3A_333 = vector.shape_cast %swap3A_332 : vector<1x16xf32> to vector<16xf32>
      %swap3A_334 = vector.shape_cast %mul3A_329 : vector<16xf32> to vector<1x16xf32>
      tpu.vector_store %arg6[%swap3A_330, %swap3A_331], %swap3A_334 {strides = array<i32>} : memref<32x2048xf32, #tpu.memory_space<vmem>>, vector<1x16xf32>,
      %get3A_335 = arith.index_cast %scan3A_36 : i32 to index
      %get3A_336 = arith.constant 400 : index
      %get3A_337 = tpu.vector_load %arg6[%get3A_335, %get3A_336] {strides = array<i32>} : memref<32x2048xf32, #tpu.memory_space<vmem>>, vector<1x16xf32>,
      %get3A_338 = vector.shape_cast %get3A_337 : vector<1x16xf32> to vector<16xf32>
      %mul3A_339 = arith.constant 45.2548332 : f32
      %mul3A_340 = vector.broadcast %mul3A_339 : f32 to vector<16xf32>
      %mul3A_341 = arith.mulf %get3A_338, %mul3A_340 : vector<16xf32>
      %swap3A_342 = arith.index_cast %scan3A_36 : i32 to index
      %swap3A_343 = arith.constant 400 : index
      %swap3A_344 = tpu.vector_load %arg6[%swap3A_342, %swap3A_343] {strides = array<i32>} : memref<32x2048xf32, #tpu.memory_space<vmem>>, vector<1x16xf32>,
      %swap3A_345 = vector.shape_cast %swap3A_344 : vector<1x16xf32> to vector<16xf32>
      %swap3A_346 = vector.shape_cast %mul3A_341 : vector<16xf32> to vector<1x16xf32>
      tpu.vector_store %arg6[%swap3A_342, %swap3A_343], %swap3A_346 {strides = array<i32>} : memref<32x2048xf32, #tpu.memory_space<vmem>>, vector<1x16xf32>,
      %get3A_347 = arith.index_cast %scan3A_36 : i32 to index
      %get3A_348 = arith.constant 416 : index
      %get3A_349 = tpu.vector_load %arg6[%get3A_347, %get3A_348] {strides = array<i32>} : memref<32x2048xf32, #tpu.memory_space<vmem>>, vector<1x16xf32>,
      %get3A_350 = vector.shape_cast %get3A_349 : vector<1x16xf32> to vector<16xf32>
      %mul3A_351 = arith.constant 45.2548332 : f32
      %mul3A_352 = vector.broadcast %mul3A_351 : f32 to vector<16xf32>
      %mul3A_353 = arith.mulf %get3A_350, %mul3A_352 : vector<16xf32>
      %swap3A_354 = arith.index_cast %scan3A_36 : i32 to index
      %swap3A_355 = arith.constant 416 : index
      %swap3A_356 = tpu.vector_load %arg6[%swap3A_354, %swap3A_355] {strides = array<i32>} : memref<32x2048xf32, #tpu.memory_space<vmem>>, vector<1x16xf32>,
      %swap3A_357 = vector.shape_cast %swap3A_356 : vector<1x16xf32> to vector<16xf32>
      %swap3A_358 = vector.shape_cast %mul3A_353 : vector<16xf32> to vector<1x16xf32>
      tpu.vector_store %arg6[%swap3A_354, %swap3A_355], %swap3A_358 {strides = array<i32>} : memref<32x2048xf32, #tpu.memory_space<vmem>>, vector<1x16xf32>,
      %get3A_359 = arith.index_cast %scan3A_36 : i32 to index
      %get3A_360 = arith.constant 432 : index
      %get3A_361 = tpu.vector_load %arg6[%get3A_359, %get3A_360] {strides = array<i32>} : memref<32x2048xf32, #tpu.memory_space<vmem>>, vector<1x16xf32>,
      %get3A_362 = vector.shape_cast %get3A_361 : vector<1x16xf32> to vector<16xf32>
      %mul3A_363 = arith.constant 45.2548332 : f32
      %mul3A_364 = vector.broadcast %mul3A_363 : f32 to vector<16xf32>
      %mul3A_365 = arith.mulf %get3A_362, %mul3A_364 : vector<16xf32>
      %swap3A_366 = arith.index_cast %scan3A_36 : i32 to index
      %swap3A_367 = arith.constant 432 : index
      %swap3A_368 = tpu.vector_load %arg6[%swap3A_366, %swap3A_367] {strides = array<i32>} : memref<32x2048xf32, #tpu.memory_space<vmem>>, vector<1x16xf32>,
      %swap3A_369 = vector.shape_cast %swap3A_368 : vector<1x16xf32> to vector<16xf32>
      %swap3A_370 = vector.shape_cast %mul3A_365 : vector<16xf32> to vector<1x16xf32>
      tpu.vector_store %arg6[%swap3A_366, %swap3A_367], %swap3A_370 {strides = array<i32>} : memref<32x2048xf32, #tpu.memory_space<vmem>>, vector<1x16xf32>,
      %get3A_371 = arith.index_cast %scan3A_36 : i32 to index
      %get3A_372 = arith.constant 448 : index
      %get3A_373 = tpu.vector_load %arg6[%get3A_371, %get3A_372] {strides = array<i32>} : memref<32x2048xf32, #tpu.memory_space<vmem>>, vector<1x16xf32>,
      %get3A_374 = vector.shape_cast %get3A_373 : vector<1x16xf32> to vector<16xf32>
      %mul3A_375 = arith.constant 45.2548332 : f32
      %mul3A_376 = vector.broadcast %mul3A_375 : f32 to vector<16xf32>
      %mul3A_377 = arith.mulf %get3A_374, %mul3A_376 : vector<16xf32>
      %swap3A_378 = arith.index_cast %scan3A_36 : i32 to index
      %swap3A_379 = arith.constant 448 : index
      %swap3A_380 = tpu.vector_load %arg6[%swap3A_378, %swap3A_379] {strides = array<i32>} : memref<32x2048xf32, #tpu.memory_space<vmem>>, vector<1x16xf32>,
      %swap3A_381 = vector.shape_cast %swap3A_380 : vector<1x16xf32> to vector<16xf32>
      %swap3A_382 = vector.shape_cast %mul3A_377 : vector<16xf32> to vector<1x16xf32>
      tpu.vector_store %arg6[%swap3A_378, %swap3A_379], %swap3A_382 {strides = array<i32>} : memref<32x2048xf32, #tpu.memory_space<vmem>>, vector<1x16xf32>,
      %get3A_383 = arith.index_cast %scan3A_36 : i32 to index
      %get3A_384 = arith.constant 464 : index
      %get3A_385 = tpu.vector_load %arg6[%get3A_383, %get3A_384] {strides = array<i32>} : memref<32x2048xf32, #tpu.memory_space<vmem>>, vector<1x16xf32>,
      %get3A_386 = vector.shape_cast %get3A_385 : vector<1x16xf32> to vector<16xf32>
      %mul3A_387 = arith.constant 45.2548332 : f32
      %mul3A_388 = vector.broadcast %mul3A_387 : f32 to vector<16xf32>
      %mul3A_389 = arith.mulf %get3A_386, %mul3A_388 : vector<16xf32>
      %swap3A_390 = arith.index_cast %scan3A_36 : i32 to index
      %swap3A_391 = arith.constant 464 : index
      %swap3A_392 = tpu.vector_load %arg6[%swap3A_390, %swap3A_391] {strides = array<i32>} : memref<32x2048xf32, #tpu.memory_space<vmem>>, vector<1x16xf32>,
      %swap3A_393 = vector.shape_cast %swap3A_392 : vector<1x16xf32> to vector<16xf32>
      %swap3A_394 = vector.shape_cast %mul3A_389 : vector<16xf32> to vector<1x16xf32>
      tpu.vector_store %arg6[%swap3A_390, %swap3A_391], %swap3A_394 {strides = array<i32>} : memref<32x2048xf32, #tpu.memory_space<vmem>>, vector<1x16xf32>,
      %get3A_395 = arith.index_cast %scan3A_36 : i32 to index
      %get3A_396 = arith.constant 480 : index
      %get3A_397 = tpu.vector_load %arg6[%get3A_395, %get3A_396] {strides = array<i32>} : memref<32x2048xf32, #tpu.memory_space<vmem>>, vector<1x16xf32>,
      %get3A_398 = vector.shape_cast %get3A_397 : vector<1x16xf32> to vector<16xf32>
      %mul3A_399 = arith.constant 45.2548332 : f32
      %mul3A_400 = vector.broadcast %mul3A_399 : f32 to vector<16xf32>
      %mul3A_401 = arith.mulf %get3A_398, %mul3A_400 : vector<16xf32>
      %swap3A_402 = arith.index_cast %scan3A_36 : i32 to index
      %swap3A_403 = arith.constant 480 : index
      %swap3A_404 = tpu.vector_load %arg6[%swap3A_402, %swap3A_403] {strides = array<i32>} : memref<32x2048xf32, #tpu.memory_space<vmem>>, vector<1x16xf32>,
      %swap3A_405 = vector.shape_cast %swap3A_404 : vector<1x16xf32> to vector<16xf32>
      %swap3A_406 = vector.shape_cast %mul3A_401 : vector<16xf32> to vector<1x16xf32>
      tpu.vector_store %arg6[%swap3A_402, %swap3A_403], %swap3A_406 {strides = array<i32>} : memref<32x2048xf32, #tpu.memory_space<vmem>>, vector<1x16xf32>,
      %get3A_407 = arith.index_cast %scan3A_36 : i32 to index
      %get3A_408 = arith.constant 496 : index
      %get3A_409 = tpu.vector_load %arg6[%get3A_407, %get3A_408] {strides = array<i32>} : memref<32x2048xf32, #tpu.memory_space<vmem>>, vector<1x16xf32>,
      %get3A_410 = vector.shape_cast %get3A_409 : vector<1x16xf32> to vector<16xf32>
      %mul3A_411 = arith.constant 45.2548332 : f32
      %mul3A_412 = vector.broadcast %mul3A_411 : f32 to vector<16xf32>
      %mul3A_413 = arith.mulf %get3A_410, %mul3A_412 : vector<16xf32>
      %swap3A_414 = arith.index_cast %scan3A_36 : i32 to index
      %swap3A_415 = arith.constant 496 : index
      %swap3A_416 = tpu.vector_load %arg6[%swap3A_414, %swap3A_415] {strides = array<i32>} : memref<32x2048xf32, #tpu.memory_space<vmem>>, vector<1x16xf32>,
      %swap3A_417 = vector.shape_cast %swap3A_416 : vector<1x16xf32> to vector<16xf32>
      %swap3A_418 = vector.shape_cast %mul3A_413 : vector<16xf32> to vector<1x16xf32>
      tpu.vector_store %arg6[%swap3A_414, %swap3A_415], %swap3A_418 {strides = array<i32>} : memref<32x2048xf32, #tpu.memory_space<vmem>>, vector<1x16xf32>,
      %get3A_419 = arith.index_cast %scan3A_36 : i32 to index
      %get3A_420 = arith.constant 512 : index
      %get3A_421 = tpu.vector_load %arg6[%get3A_419, %get3A_420] {strides = array<i32>} : memref<32x2048xf32, #tpu.memory_space<vmem>>, vector<1x16xf32>,
      %get3A_422 = vector.shape_cast %get3A_421 : vector<1x16xf32> to vector<16xf32>
      %mul3A_423 = arith.constant 45.2548332 : f32
      %mul3A_424 = vector.broadcast %mul3A_423 : f32 to vector<16xf32>
      %mul3A_425 = arith.mulf %get3A_422, %mul3A_424 : vector<16xf32>
      %swap3A_426 = arith.index_cast %scan3A_36 : i32 to index
      %swap3A_427 = arith.constant 512 : index
      %swap3A_428 = tpu.vector_load %arg6[%swap3A_426, %swap3A_427] {strides = array<i32>} : memref<32x2048xf32, #tpu.memory_space<vmem>>, vector<1x16xf32>,
      %swap3A_429 = vector.shape_cast %swap3A_428 : vector<1x16xf32> to vector<16xf32>
      %swap3A_430 = vector.shape_cast %mul3A_425 : vector<16xf32> to vector<1x16xf32>
      tpu.vector_store %arg6[%swap3A_426, %swap3A_427], %swap3A_430 {strides = array<i32>} : memref<32x2048xf32, #tpu.memory_space<vmem>>, vector<1x16xf32>,
      %get3A_431 = arith.index_cast %scan3A_36 : i32 to index
      %get3A_432 = arith.constant 528 : index
      %get3A_433 = tpu.vector_load %arg6[%get3A_431, %get3A_432] {strides = array<i32>} : memref<32x2048xf32, #tpu.memory_space<vmem>>, vector<1x16xf32>,
      %get3A_434 = vector.shape_cast %get3A_433 : vector<1x16xf32> to vector<16xf32>
      %mul3A_435 = arith.constant 45.2548332 : f32
      %mul3A_436 = vector.broadcast %mul3A_435 : f32 to vector<16xf32>
      %mul3A_437 = arith.mulf %get3A_434, %mul3A_436 : vector<16xf32>
      %swap3A_438 = arith.index_cast %scan3A_36 : i32 to index
      %swap3A_439 = arith.constant 528 : index
      %swap3A_440 = tpu.vector_load %arg6[%swap3A_438, %swap3A_439] {strides = array<i32>} : memref<32x2048xf32, #tpu.memory_space<vmem>>, vector<1x16xf32>,
      %swap3A_441 = vector.shape_cast %swap3A_440 : vector<1x16xf32> to vector<16xf32>
      %swap3A_442 = vector.shape_cast %mul3A_437 : vector<16xf32> to vector<1x16xf32>
      tpu.vector_store %arg6[%swap3A_438, %swap3A_439], %swap3A_442 {strides = array<i32>} : memref<32x2048xf32, #tpu.memory_space<vmem>>, vector<1x16xf32>,
      %get3A_443 = arith.index_cast %scan3A_36 : i32 to index
      %get3A_444 = arith.constant 544 : index
      %get3A_445 = tpu.vector_load %arg6[%get3A_443, %get3A_444] {strides = array<i32>} : memref<32x2048xf32, #tpu.memory_space<vmem>>, vector<1x16xf32>,
      %get3A_446 = vector.shape_cast %get3A_445 : vector<1x16xf32> to vector<16xf32>
      %mul3A_447 = arith.constant 45.2548332 : f32
      %mul3A_448 = vector.broadcast %mul3A_447 : f32 to vector<16xf32>
      %mul3A_449 = arith.mulf %get3A_446, %mul3A_448 : vector<16xf32>
      %swap3A_450 = arith.index_cast %scan3A_36 : i32 to index
      %swap3A_451 = arith.constant 544 : index
      %swap3A_452 = tpu.vector_load %arg6[%swap3A_450, %swap3A_451] {strides = array<i32>} : memref<32x2048xf32, #tpu.memory_space<vmem>>, vector<1x16xf32>,
      %swap3A_453 = vector.shape_cast %swap3A_452 : vector<1x16xf32> to vector<16xf32>
      %swap3A_454 = vector.shape_cast %mul3A_449 : vector<16xf32> to vector<1x16xf32>
      tpu.vector_store %arg6[%swap3A_450, %swap3A_451], %swap3A_454 {strides = array<i32>} : memref<32x2048xf32, #tpu.memory_space<vmem>>, vector<1x16xf32>,
      %get3A_455 = arith.index_cast %scan3A_36 : i32 to index
      %get3A_456 = arith.constant 560 : index
      %get3A_457 = tpu.vector_load %arg6[%get3A_455, %get3A_456] {strides = array<i32>} : memref<32x2048xf32, #tpu.memory_space<vmem>>, vector<1x16xf32>,
      %get3A_458 = vector.shape_cast %get3A_457 : vector<1x16xf32> to vector<16xf32>
      %mul3A_459 = arith.constant 45.2548332 : f32
      %mul3A_460 = vector.broadcast %mul3A_459 : f32 to vector<16xf32>
      %mul3A_461 = arith.mulf %get3A_458, %mul3A_460 : vector<16xf32>
      %swap3A_462 = arith.index_cast %scan3A_36 : i32 to index
      %swap3A_463 = arith.constant 560 : index
      %swap3A_464 = tpu.vector_load %arg6[%swap3A_462, %swap3A_463] {strides = array<i32>} : memref<32x2048xf32, #tpu.memory_space<vmem>>, vector<1x16xf32>,
      %swap3A_465 = vector.shape_cast %swap3A_464 : vector<1x16xf32> to vector<16xf32>
      %swap3A_466 = vector.shape_cast %mul3A_461 : vector<16xf32> to vector<1x16xf32>
      tpu.vector_store %arg6[%swap3A_462, %swap3A_463], %swap3A_466 {strides = array<i32>} : memref<32x2048xf32, #tpu.memory_space<vmem>>, vector<1x16xf32>,
      %get3A_467 = arith.index_cast %scan3A_36 : i32 to index
      %get3A_468 = arith.constant 576 : index
      %get3A_469 = tpu.vector_load %arg6[%get3A_467, %get3A_468] {strides = array<i32>} : memref<32x2048xf32, #tpu.memory_space<vmem>>, vector<1x16xf32>,
      %get3A_470 = vector.shape_cast %get3A_469 : vector<1x16xf32> to vector<16xf32>
      %mul3A_471 = arith.constant 45.2548332 : f32
      %mul3A_472 = vector.broadcast %mul3A_471 : f32 to vector<16xf32>
      %mul3A_473 = arith.mulf %get3A_470, %mul3A_472 : vector<16xf32>
      %swap3A_474 = arith.index_cast %scan3A_36 : i32 to index
      %swap3A_475 = arith.constant 576 : index
      %swap3A_476 = tpu.vector_load %arg6[%swap3A_474, %swap3A_475] {strides = array<i32>} : memref<32x2048xf32, #tpu.memory_space<vmem>>, vector<1x16xf32>,
      %swap3A_477 = vector.shape_cast %swap3A_476 : vector<1x16xf32> to vector<16xf32>
      %swap3A_478 = vector.shape_cast %mul3A_473 : vector<16xf32> to vector<1x16xf32>
      tpu.vector_store %arg6[%swap3A_474, %swap3A_475], %swap3A_478 {strides = array<i32>} : memref<32x2048xf32, #tpu.memory_space<vmem>>, vector<1x16xf32>,
      %get3A_479 = arith.index_cast %scan3A_36 : i32 to index
      %get3A_480 = arith.constant 592 : index
      %get3A_481 = tpu.vector_load %arg6[%get3A_479, %get3A_480] {strides = array<i32>} : memref<32x2048xf32, #tpu.memory_space<vmem>>, vector<1x16xf32>,
      %get3A_482 = vector.shape_cast %get3A_481 : vector<1x16xf32> to vector<16xf32>
      %mul3A_483 = arith.constant 45.2548332 : f32
      %mul3A_484 = vector.broadcast %mul3A_483 : f32 to vector<16xf32>
      %mul3A_485 = arith.mulf %get3A_482, %mul3A_484 : vector<16xf32>
      %swap3A_486 = arith.index_cast %scan3A_36 : i32 to index
      %swap3A_487 = arith.constant 592 : index
      %swap3A_488 = tpu.vector_load %arg6[%swap3A_486, %swap3A_487] {strides = array<i32>} : memref<32x2048xf32, #tpu.memory_space<vmem>>, vector<1x16xf32>,
      %swap3A_489 = vector.shape_cast %swap3A_488 : vector<1x16xf32> to vector<16xf32>
      %swap3A_490 = vector.shape_cast %mul3A_485 : vector<16xf32> to vector<1x16xf32>
      tpu.vector_store %arg6[%swap3A_486, %swap3A_487], %swap3A_490 {strides = array<i32>} : memref<32x2048xf32, #tpu.memory_space<vmem>>, vector<1x16xf32>,
      %get3A_491 = arith.index_cast %scan3A_36 : i32 to index
      %get3A_492 = arith.constant 608 : index
      %get3A_493 = tpu.vector_load %arg6[%get3A_491, %get3A_492] {strides = array<i32>} : memref<32x2048xf32, #tpu.memory_space<vmem>>, vector<1x16xf32>,
      %get3A_494 = vector.shape_cast %get3A_493 : vector<1x16xf32> to vector<16xf32>
      %mul3A_495 = arith.constant 45.2548332 : f32
      %mul3A_496 = vector.broadcast %mul3A_495 : f32 to vector<16xf32>
      %mul3A_497 = arith.mulf %get3A_494, %mul3A_496 : vector<16xf32>
      %swap3A_498 = arith.index_cast %scan3A_36 : i32 to index
      %swap3A_499 = arith.constant 608 : index
      %swap3A_500 = tpu.vector_load %arg6[%swap3A_498, %swap3A_499] {strides = array<i32>} : memref<32x2048xf32, #tpu.memory_space<vmem>>, vector<1x16xf32>,
      %swap3A_501 = vector.shape_cast %swap3A_500 : vector<1x16xf32> to vector<16xf32>
      %swap3A_502 = vector.shape_cast %mul3A_497 : vector<16xf32> to vector<1x16xf32>
      tpu.vector_store %arg6[%swap3A_498, %swap3A_499], %swap3A_502 {strides = array<i32>} : memref<32x2048xf32, #tpu.memory_space<vmem>>, vector<1x16xf32>,
      %get3A_503 = arith.index_cast %scan3A_36 : i32 to index
      %get3A_504 = arith.constant 624 : index
      %get3A_505 = tpu.vector_load %arg6[%get3A_503, %get3A_504] {strides = array<i32>} : memref<32x2048xf32, #tpu.memory_space<vmem>>, vector<1x16xf32>,
      %get3A_506 = vector.shape_cast %get3A_505 : vector<1x16xf32> to vector<16xf32>
      %mul3A_507 = arith.constant 45.2548332 : f32
      %mul3A_508 = vector.broadcast %mul3A_507 : f32 to vector<16xf32>
      %mul3A_509 = arith.mulf %get3A_506, %mul3A_508 : vector<16xf32>
      %swap3A_510 = arith.index_cast %scan3A_36 : i32 to index
      %swap3A_511 = arith.constant 624 : index
      %swap3A_512 = tpu.vector_load %arg6[%swap3A_510, %swap3A_511] {strides = array<i32>} : memref<32x2048xf32, #tpu.memory_space<vmem>>, vector<1x16xf32>,
      %swap3A_513 = vector.shape_cast %swap3A_512 : vector<1x16xf32> to vector<16xf32>
      %swap3A_514 = vector.shape_cast %mul3A_509 : vector<16xf32> to vector<1x16xf32>
      tpu.vector_store %arg6[%swap3A_510, %swap3A_511], %swap3A_514 {strides = array<i32>} : memref<32x2048xf32, #tpu.memory_space<vmem>>, vector<1x16xf32>,
      %get3A_515 = arith.index_cast %scan3A_36 : i32 to index
      %get3A_516 = arith.constant 640 : index
      %get3A_517 = tpu.vector_load %arg6[%get3A_515, %get3A_516] {strides = array<i32>} : memref<32x2048xf32, #tpu.memory_space<vmem>>, vector<1x16xf32>,
      %get3A_518 = vector.shape_cast %get3A_517 : vector<1x16xf32> to vector<16xf32>
      %mul3A_519 = arith.constant 45.2548332 : f32
      %mul3A_520 = vector.broadcast %mul3A_519 : f32 to vector<16xf32>
      %mul3A_521 = arith.mulf %get3A_518, %mul3A_520 : vector<16xf32>
      %swap3A_522 = arith.index_cast %scan3A_36 : i32 to index
      %swap3A_523 = arith.constant 640 : index
      %swap3A_524 = tpu.vector_load %arg6[%swap3A_522, %swap3A_523] {strides = array<i32>} : memref<32x2048xf32, #tpu.memory_space<vmem>>, vector<1x16xf32>,
      %swap3A_525 = vector.shape_cast %swap3A_524 : vector<1x16xf32> to vector<16xf32>
      %swap3A_526 = vector.shape_cast %mul3A_521 : vector<16xf32> to vector<1x16xf32>
      tpu.vector_store %arg6[%swap3A_522, %swap3A_523], %swap3A_526 {strides = array<i32>} : memref<32x2048xf32, #tpu.memory_space<vmem>>, vector<1x16xf32>,
      %get3A_527 = arith.index_cast %scan3A_36 : i32 to index
      %get3A_528 = arith.constant 656 : index
      %get3A_529 = tpu.vector_load %arg6[%get3A_527, %get3A_528] {strides = array<i32>} : memref<32x2048xf32, #tpu.memory_space<vmem>>, vector<1x16xf32>,
      %get3A_530 = vector.shape_cast %get3A_529 : vector<1x16xf32> to vector<16xf32>
      %mul3A_531 = arith.constant 45.2548332 : f32
      %mul3A_532 = vector.broadcast %mul3A_531 : f32 to vector<16xf32>
      %mul3A_533 = arith.mulf %get3A_530, %mul3A_532 : vector<16xf32>
      %swap3A_534 = arith.index_cast %scan3A_36 : i32 to index
      %swap3A_535 = arith.constant 656 : index
      %swap3A_536 = tpu.vector_load %arg6[%swap3A_534, %swap3A_535] {strides = array<i32>} : memref<32x2048xf32, #tpu.memory_space<vmem>>, vector<1x16xf32>,
      %swap3A_537 = vector.shape_cast %swap3A_536 : vector<1x16xf32> to vector<16xf32>
      %swap3A_538 = vector.shape_cast %mul3A_533 : vector<16xf32> to vector<1x16xf32>
      tpu.vector_store %arg6[%swap3A_534, %swap3A_535], %swap3A_538 {strides = array<i32>} : memref<32x2048xf32, #tpu.memory_space<vmem>>, vector<1x16xf32>,
      %get3A_539 = arith.index_cast %scan3A_36 : i32 to index
      %get3A_540 = arith.constant 672 : index
      %get3A_541 = tpu.vector_load %arg6[%get3A_539, %get3A_540] {strides = array<i32>} : memref<32x2048xf32, #tpu.memory_space<vmem>>, vector<1x16xf32>,
      %get3A_542 = vector.shape_cast %get3A_541 : vector<1x16xf32> to vector<16xf32>
      %mul3A_543 = arith.constant 45.2548332 : f32
      %mul3A_544 = vector.broadcast %mul3A_543 : f32 to vector<16xf32>
      %mul3A_545 = arith.mulf %get3A_542, %mul3A_544 : vector<16xf32>
      %swap3A_546 = arith.index_cast %scan3A_36 : i32 to index
      %swap3A_547 = arith.constant 672 : index
      %swap3A_548 = tpu.vector_load %arg6[%swap3A_546, %swap3A_547] {strides = array<i32>} : memref<32x2048xf32, #tpu.memory_space<vmem>>, vector<1x16xf32>,
      %swap3A_549 = vector.shape_cast %swap3A_548 : vector<1x16xf32> to vector<16xf32>
      %swap3A_550 = vector.shape_cast %mul3A_545 : vector<16xf32> to vector<1x16xf32>
      tpu.vector_store %arg6[%swap3A_546, %swap3A_547], %swap3A_550 {strides = array<i32>} : memref<32x2048xf32, #tpu.memory_space<vmem>>, vector<1x16xf32>,
      %get3A_551 = arith.index_cast %scan3A_36 : i32 to index
      %get3A_552 = arith.constant 688 : index
      %get3A_553 = tpu.vector_load %arg6[%get3A_551, %get3A_552] {strides = array<i32>} : memref<32x2048xf32, #tpu.memory_space<vmem>>, vector<1x16xf32>,
      %get3A_554 = vector.shape_cast %get3A_553 : vector<1x16xf32> to vector<16xf32>
      %mul3A_555 = arith.constant 45.2548332 : f32
      %mul3A_556 = vector.broadcast %mul3A_555 : f32 to vector<16xf32>
      %mul3A_557 = arith.mulf %get3A_554, %mul3A_556 : vector<16xf32>
      %swap3A_558 = arith.index_cast %scan3A_36 : i32 to index
      %swap3A_559 = arith.constant 688 : index
      %swap3A_560 = tpu.vector_load %arg6[%swap3A_558, %swap3A_559] {strides = array<i32>} : memref<32x2048xf32, #tpu.memory_space<vmem>>, vector<1x16xf32>,
      %swap3A_561 = vector.shape_cast %swap3A_560 : vector<1x16xf32> to vector<16xf32>
      %swap3A_562 = vector.shape_cast %mul3A_557 : vector<16xf32> to vector<1x16xf32>
      tpu.vector_store %arg6[%swap3A_558, %swap3A_559], %swap3A_562 {strides = array<i32>} : memref<32x2048xf32, #tpu.memory_space<vmem>>, vector<1x16xf32>,
      %get3A_563 = arith.index_cast %scan3A_36 : i32 to index
      %get3A_564 = arith.constant 704 : index
      %get3A_565 = tpu.vector_load %arg6[%get3A_563, %get3A_564] {strides = array<i32>} : memref<32x2048xf32, #tpu.memory_space<vmem>>, vector<1x16xf32>,
      %get3A_566 = vector.shape_cast %get3A_565 : vector<1x16xf32> to vector<16xf32>
      %mul3A_567 = arith.constant 45.2548332 : f32
      %mul3A_568 = vector.broadcast %mul3A_567 : f32 to vector<16xf32>
      %mul3A_569 = arith.mulf %get3A_566, %mul3A_568 : vector<16xf32>
      %swap3A_570 = arith.index_cast %scan3A_36 : i32 to index
      %swap3A_571 = arith.constant 704 : index
      %swap3A_572 = tpu.vector_load %arg6[%swap3A_570, %swap3A_571] {strides = array<i32>} : memref<32x2048xf32, #tpu.memory_space<vmem>>, vector<1x16xf32>,
      %swap3A_573 = vector.shape_cast %swap3A_572 : vector<1x16xf32> to vector<16xf32>
      %swap3A_574 = vector.shape_cast %mul3A_569 : vector<16xf32> to vector<1x16xf32>
      tpu.vector_store %arg6[%swap3A_570, %swap3A_571], %swap3A_574 {strides = array<i32>} : memref<32x2048xf32, #tpu.memory_space<vmem>>, vector<1x16xf32>,
      %get3A_575 = arith.index_cast %scan3A_36 : i32 to index
      %get3A_576 = arith.constant 720 : index
      %get3A_577 = tpu.vector_load %arg6[%get3A_575, %get3A_576] {strides = array<i32>} : memref<32x2048xf32, #tpu.memory_space<vmem>>, vector<1x16xf32>,
      %get3A_578 = vector.shape_cast %get3A_577 : vector<1x16xf32> to vector<16xf32>
      %mul3A_579 = arith.constant 45.2548332 : f32
      %mul3A_580 = vector.broadcast %mul3A_579 : f32 to vector<16xf32>
      %mul3A_581 = arith.mulf %get3A_578, %mul3A_580 : vector<16xf32>
      %swap3A_582 = arith.index_cast %scan3A_36 : i32 to index
      %swap3A_583 = arith.constant 720 : index
      %swap3A_584 = tpu.vector_load %arg6[%swap3A_582, %swap3A_583] {strides = array<i32>} : memref<32x2048xf32, #tpu.memory_space<vmem>>, vector<1x16xf32>,
      %swap3A_585 = vector.shape_cast %swap3A_584 : vector<1x16xf32> to vector<16xf32>
      %swap3A_586 = vector.shape_cast %mul3A_581 : vector<16xf32> to vector<1x16xf32>
      tpu.vector_store %arg6[%swap3A_582, %swap3A_583], %swap3A_586 {strides = array<i32>} : memref<32x2048xf32, #tpu.memory_space<vmem>>, vector<1x16xf32>,
      %get3A_587 = arith.index_cast %scan3A_36 : i32 to index
      %get3A_588 = arith.constant 736 : index
      %get3A_589 = tpu.vector_load %arg6[%get3A_587, %get3A_588] {strides = array<i32>} : memref<32x2048xf32, #tpu.memory_space<vmem>>, vector<1x16xf32>,
      %get3A_590 = vector.shape_cast %get3A_589 : vector<1x16xf32> to vector<16xf32>
      %mul3A_591 = arith.constant 45.2548332 : f32
      %mul3A_592 = vector.broadcast %mul3A_591 : f32 to vector<16xf32>
      %mul3A_593 = arith.mulf %get3A_590, %mul3A_592 : vector<16xf32>
      %swap3A_594 = arith.index_cast %scan3A_36 : i32 to index
      %swap3A_595 = arith.constant 736 : index
      %swap3A_596 = tpu.vector_load %arg6[%swap3A_594, %swap3A_595] {strides = array<i32>} : memref<32x2048xf32, #tpu.memory_space<vmem>>, vector<1x16xf32>,
      %swap3A_597 = vector.shape_cast %swap3A_596 : vector<1x16xf32> to vector<16xf32>
      %swap3A_598 = vector.shape_cast %mul3A_593 : vector<16xf32> to vector<1x16xf32>
      tpu.vector_store %arg6[%swap3A_594, %swap3A_595], %swap3A_598 {strides = array<i32>} : memref<32x2048xf32, #tpu.memory_space<vmem>>, vector<1x16xf32>,
      %get3A_599 = arith.index_cast %scan3A_36 : i32 to index
      %get3A_600 = arith.constant 752 : index
      %get3A_601 = tpu.vector_load %arg6[%get3A_599, %get3A_600] {strides = array<i32>} : memref<32x2048xf32, #tpu.memory_space<vmem>>, vector<1x16xf32>,
      %get3A_602 = vector.shape_cast %get3A_601 : vector<1x16xf32> to vector<16xf32>
      %mul3A_603 = arith.constant 45.2548332 : f32
      %mul3A_604 = vector.broadcast %mul3A_603 : f32 to vector<16xf32>
      %mul3A_605 = arith.mulf %get3A_602, %mul3A_604 : vector<16xf32>
      %swap3A_606 = arith.index_cast %scan3A_36 : i32 to index
      %swap3A_607 = arith.constant 752 : index
      %swap3A_608 = tpu.vector_load %arg6[%swap3A_606, %swap3A_607] {strides = array<i32>} : memref<32x2048xf32, #tpu.memory_space<vmem>>, vector<1x16xf32>,
      %swap3A_609 = vector.shape_cast %swap3A_608 : vector<1x16xf32> to vector<16xf32>
      %swap3A_610 = vector.shape_cast %mul3A_605 : vector<16xf32> to vector<1x16xf32>
      tpu.vector_store %arg6[%swap3A_606, %swap3A_607], %swap3A_610 {strides = array<i32>} : memref<32x2048xf32, #tpu.memory_space<vmem>>, vector<1x16xf32>,
      %get3A_611 = arith.index_cast %scan3A_36 : i32 to index
      %get3A_612 = arith.constant 768 : index
      %get3A_613 = tpu.vector_load %arg6[%get3A_611, %get3A_612] {strides = array<i32>} : memref<32x2048xf32, #tpu.memory_space<vmem>>, vector<1x16xf32>,
      %get3A_614 = vector.shape_cast %get3A_613 : vector<1x16xf32> to vector<16xf32>
      %mul3A_615 = arith.constant 45.2548332 : f32
      %mul3A_616 = vector.broadcast %mul3A_615 : f32 to vector<16xf32>
      %mul3A_617 = arith.mulf %get3A_614, %mul3A_616 : vector<16xf32>
      %swap3A_618 = arith.index_cast %scan3A_36 : i32 to index
      %swap3A_619 = arith.constant 768 : index
      %swap3A_620 = tpu.vector_load %arg6[%swap3A_618, %swap3A_619] {strides = array<i32>} : memref<32x2048xf32, #tpu.memory_space<vmem>>, vector<1x16xf32>,
      %swap3A_621 = vector.shape_cast %swap3A_620 : vector<1x16xf32> to vector<16xf32>
      %swap3A_622 = vector.shape_cast %mul3A_617 : vector<16xf32> to vector<1x16xf32>
      tpu.vector_store %arg6[%swap3A_618, %swap3A_619], %swap3A_622 {strides = array<i32>} : memref<32x2048xf32, #tpu.memory_space<vmem>>, vector<1x16xf32>,
      %get3A_623 = arith.index_cast %scan3A_36 : i32 to index
      %get3A_624 = arith.constant 784 : index
      %get3A_625 = tpu.vector_load %arg6[%get3A_623, %get3A_624] {strides = array<i32>} : memref<32x2048xf32, #tpu.memory_space<vmem>>, vector<1x16xf32>,
      %get3A_626 = vector.shape_cast %get3A_625 : vector<1x16xf32> to vector<16xf32>
      %mul3A_627 = arith.constant 45.2548332 : f32
      %mul3A_628 = vector.broadcast %mul3A_627 : f32 to vector<16xf32>
      %mul3A_629 = arith.mulf %get3A_626, %mul3A_628 : vector<16xf32>
      %swap3A_630 = arith.index_cast %scan3A_36 : i32 to index
      %swap3A_631 = arith.constant 784 : index
      %swap3A_632 = tpu.vector_load %arg6[%swap3A_630, %swap3A_631] {strides = array<i32>} : memref<32x2048xf32, #tpu.memory_space<vmem>>, vector<1x16xf32>,
      %swap3A_633 = vector.shape_cast %swap3A_632 : vector<1x16xf32> to vector<16xf32>
      %swap3A_634 = vector.shape_cast %mul3A_629 : vector<16xf32> to vector<1x16xf32>
      tpu.vector_store %arg6[%swap3A_630, %swap3A_631], %swap3A_634 {strides = array<i32>} : memref<32x2048xf32, #tpu.memory_space<vmem>>, vector<1x16xf32>,
      %get3A_635 = arith.index_cast %scan3A_36 : i32 to index
      %get3A_636 = arith.constant 800 : index
      %get3A_637 = tpu.vector_load %arg6[%get3A_635, %get3A_636] {strides = array<i32>} : memref<32x2048xf32, #tpu.memory_space<vmem>>, vector<1x16xf32>,
      %get3A_638 = vector.shape_cast %get3A_637 : vector<1x16xf32> to vector<16xf32>
      %mul3A_639 = arith.constant 45.2548332 : f32
      %mul3A_640 = vector.broadcast %mul3A_639 : f32 to vector<16xf32>
      %mul3A_641 = arith.mulf %get3A_638, %mul3A_640 : vector<16xf32>
      %swap3A_642 = arith.index_cast %scan3A_36 : i32 to index
      %swap3A_643 = arith.constant 800 : index
      %swap3A_644 = tpu.vector_load %arg6[%swap3A_642, %swap3A_643] {strides = array<i32>} : memref<32x2048xf32, #tpu.memory_space<vmem>>, vector<1x16xf32>,
      %swap3A_645 = vector.shape_cast %swap3A_644 : vector<1x16xf32> to vector<16xf32>
      %swap3A_646 = vector.shape_cast %mul3A_641 : vector<16xf32> to vector<1x16xf32>
      tpu.vector_store %arg6[%swap3A_642, %swap3A_643], %swap3A_646 {strides = array<i32>} : memref<32x2048xf32, #tpu.memory_space<vmem>>, vector<1x16xf32>,
      %get3A_647 = arith.index_cast %scan3A_36 : i32 to index
      %get3A_648 = arith.constant 816 : index
      %get3A_649 = tpu.vector_load %arg6[%get3A_647, %get3A_648] {strides = array<i32>} : memref<32x2048xf32, #tpu.memory_space<vmem>>, vector<1x16xf32>,
      %get3A_650 = vector.shape_cast %get3A_649 : vector<1x16xf32> to vector<16xf32>
      %mul3A_651 = arith.constant 45.2548332 : f32
      %mul3A_652 = vector.broadcast %mul3A_651 : f32 to vector<16xf32>
      %mul3A_653 = arith.mulf %get3A_650, %mul3A_652 : vector<16xf32>
      %swap3A_654 = arith.index_cast %scan3A_36 : i32 to index
      %swap3A_655 = arith.constant 816 : index
      %swap3A_656 = tpu.vector_load %arg6[%swap3A_654, %swap3A_655] {strides = array<i32>} : memref<32x2048xf32, #tpu.memory_space<vmem>>, vector<1x16xf32>,
      %swap3A_657 = vector.shape_cast %swap3A_656 : vector<1x16xf32> to vector<16xf32>
      %swap3A_658 = vector.shape_cast %mul3A_653 : vector<16xf32> to vector<1x16xf32>
      tpu.vector_store %arg6[%swap3A_654, %swap3A_655], %swap3A_658 {strides = array<i32>} : memref<32x2048xf32, #tpu.memory_space<vmem>>, vector<1x16xf32>,
      %get3A_659 = arith.index_cast %scan3A_36 : i32 to index
      %get3A_660 = arith.constant 832 : index
      %get3A_661 = tpu.vector_load %arg6[%get3A_659, %get3A_660] {strides = array<i32>} : memref<32x2048xf32, #tpu.memory_space<vmem>>, vector<1x16xf32>,
      %get3A_662 = vector.shape_cast %get3A_661 : vector<1x16xf32> to vector<16xf32>
      %mul3A_663 = arith.constant 45.2548332 : f32
      %mul3A_664 = vector.broadcast %mul3A_663 : f32 to vector<16xf32>
      %mul3A_665 = arith.mulf %get3A_662, %mul3A_664 : vector<16xf32>
      %swap3A_666 = arith.index_cast %scan3A_36 : i32 to index
      %swap3A_667 = arith.constant 832 : index
      %swap3A_668 = tpu.vector_load %arg6[%swap3A_666, %swap3A_667] {strides = array<i32>} : memref<32x2048xf32, #tpu.memory_space<vmem>>, vector<1x16xf32>,
      %swap3A_669 = vector.shape_cast %swap3A_668 : vector<1x16xf32> to vector<16xf32>
      %swap3A_670 = vector.shape_cast %mul3A_665 : vector<16xf32> to vector<1x16xf32>
      tpu.vector_store %arg6[%swap3A_666, %swap3A_667], %swap3A_670 {strides = array<i32>} : memref<32x2048xf32, #tpu.memory_space<vmem>>, vector<1x16xf32>,
      %get3A_671 = arith.index_cast %scan3A_36 : i32 to index
      %get3A_672 = arith.constant 848 : index
      %get3A_673 = tpu.vector_load %arg6[%get3A_671, %get3A_672] {strides = array<i32>} : memref<32x2048xf32, #tpu.memory_space<vmem>>, vector<1x16xf32>,
      %get3A_674 = vector.shape_cast %get3A_673 : vector<1x16xf32> to vector<16xf32>
      %mul3A_675 = arith.constant 45.2548332 : f32
      %mul3A_676 = vector.broadcast %mul3A_675 : f32 to vector<16xf32>
      %mul3A_677 = arith.mulf %get3A_674, %mul3A_676 : vector<16xf32>
      %swap3A_678 = arith.index_cast %scan3A_36 : i32 to index
      %swap3A_679 = arith.constant 848 : index
      %swap3A_680 = tpu.vector_load %arg6[%swap3A_678, %swap3A_679] {strides = array<i32>} : memref<32x2048xf32, #tpu.memory_space<vmem>>, vector<1x16xf32>,
      %swap3A_681 = vector.shape_cast %swap3A_680 : vector<1x16xf32> to vector<16xf32>
      %swap3A_682 = vector.shape_cast %mul3A_677 : vector<16xf32> to vector<1x16xf32>
      tpu.vector_store %arg6[%swap3A_678, %swap3A_679], %swap3A_682 {strides = array<i32>} : memref<32x2048xf32, #tpu.memory_space<vmem>>, vector<1x16xf32>,
      %get3A_683 = arith.index_cast %scan3A_36 : i32 to index
      %get3A_684 = arith.constant 864 : index
      %get3A_685 = tpu.vector_load %arg6[%get3A_683, %get3A_684] {strides = array<i32>} : memref<32x2048xf32, #tpu.memory_space<vmem>>, vector<1x16xf32>,
      %get3A_686 = vector.shape_cast %get3A_685 : vector<1x16xf32> to vector<16xf32>
      %mul3A_687 = arith.constant 45.2548332 : f32
      %mul3A_688 = vector.broadcast %mul3A_687 : f32 to vector<16xf32>
      %mul3A_689 = arith.mulf %get3A_686, %mul3A_688 : vector<16xf32>
      %swap3A_690 = arith.index_cast %scan3A_36 : i32 to index
      %swap3A_691 = arith.constant 864 : index
      %swap3A_692 = tpu.vector_load %arg6[%swap3A_690, %swap3A_691] {strides = array<i32>} : memref<32x2048xf32, #tpu.memory_space<vmem>>, vector<1x16xf32>,
      %swap3A_693 = vector.shape_cast %swap3A_692 : vector<1x16xf32> to vector<16xf32>
      %swap3A_694 = vector.shape_cast %mul3A_689 : vector<16xf32> to vector<1x16xf32>
      tpu.vector_store %arg6[%swap3A_690, %swap3A_691], %swap3A_694 {strides = array<i32>} : memref<32x2048xf32, #tpu.memory_space<vmem>>, vector<1x16xf32>,
      %get3A_695 = arith.index_cast %scan3A_36 : i32 to index
      %get3A_696 = arith.constant 880 : index
      %get3A_697 = tpu.vector_load %arg6[%get3A_695, %get3A_696] {strides = array<i32>} : memref<32x2048xf32, #tpu.memory_space<vmem>>, vector<1x16xf32>,
      %get3A_698 = vector.shape_cast %get3A_697 : vector<1x16xf32> to vector<16xf32>
      %mul3A_699 = arith.constant 45.2548332 : f32
      %mul3A_700 = vector.broadcast %mul3A_699 : f32 to vector<16xf32>
      %mul3A_701 = arith.mulf %get3A_698, %mul3A_700 : vector<16xf32>
      %swap3A_702 = arith.index_cast %scan3A_36 : i32 to index
      %swap3A_703 = arith.constant 880 : index
      %swap3A_704 = tpu.vector_load %arg6[%swap3A_702, %swap3A_703] {strides = array<i32>} : memref<32x2048xf32, #tpu.memory_space<vmem>>, vector<1x16xf32>,
      %swap3A_705 = vector.shape_cast %swap3A_704 : vector<1x16xf32> to vector<16xf32>
      %swap3A_706 = vector.shape_cast %mul3A_701 : vector<16xf32> to vector<1x16xf32>
      tpu.vector_store %arg6[%swap3A_702, %swap3A_703], %swap3A_706 {strides = array<i32>} : memref<32x2048xf32, #tpu.memory_space<vmem>>, vector<1x16xf32>,
      %get3A_707 = arith.index_cast %scan3A_36 : i32 to index
      %get3A_708 = arith.constant 896 : index
      %get3A_709 = tpu.vector_load %arg6[%get3A_707, %get3A_708] {strides = array<i32>} : memref<32x2048xf32, #tpu.memory_space<vmem>>, vector<1x16xf32>,
      %get3A_710 = vector.shape_cast %get3A_709 : vector<1x16xf32> to vector<16xf32>
      %mul3A_711 = arith.constant 45.2548332 : f32
      %mul3A_712 = vector.broadcast %mul3A_711 : f32 to vector<16xf32>
      %mul3A_713 = arith.mulf %get3A_710, %mul3A_712 : vector<16xf32>
      %swap3A_714 = arith.index_cast %scan3A_36 : i32 to index
      %swap3A_715 = arith.constant 896 : index
      %swap3A_716 = tpu.vector_load %arg6[%swap3A_714, %swap3A_715] {strides = array<i32>} : memref<32x2048xf32, #tpu.memory_space<vmem>>, vector<1x16xf32>,
      %swap3A_717 = vector.shape_cast %swap3A_716 : vector<1x16xf32> to vector<16xf32>
      %swap3A_718 = vector.shape_cast %mul3A_713 : vector<16xf32> to vector<1x16xf32>
      tpu.vector_store %arg6[%swap3A_714, %swap3A_715], %swap3A_718 {strides = array<i32>} : memref<32x2048xf32, #tpu.memory_space<vmem>>, vector<1x16xf32>,
      %get3A_719 = arith.index_cast %scan3A_36 : i32 to index
      %get3A_720 = arith.constant 912 : index
      %get3A_721 = tpu.vector_load %arg6[%get3A_719, %get3A_720] {strides = array<i32>} : memref<32x2048xf32, #tpu.memory_space<vmem>>, vector<1x16xf32>,
      %get3A_722 = vector.shape_cast %get3A_721 : vector<1x16xf32> to vector<16xf32>
      %mul3A_723 = arith.constant 45.2548332 : f32
      %mul3A_724 = vector.broadcast %mul3A_723 : f32 to vector<16xf32>
      %mul3A_725 = arith.mulf %get3A_722, %mul3A_724 : vector<16xf32>
      %swap3A_726 = arith.index_cast %scan3A_36 : i32 to index
      %swap3A_727 = arith.constant 912 : index
      %swap3A_728 = tpu.vector_load %arg6[%swap3A_726, %swap3A_727] {strides = array<i32>} : memref<32x2048xf32, #tpu.memory_space<vmem>>, vector<1x16xf32>,
      %swap3A_729 = vector.shape_cast %swap3A_728 : vector<1x16xf32> to vector<16xf32>
      %swap3A_730 = vector.shape_cast %mul3A_725 : vector<16xf32> to vector<1x16xf32>
      tpu.vector_store %arg6[%swap3A_726, %swap3A_727], %swap3A_730 {strides = array<i32>} : memref<32x2048xf32, #tpu.memory_space<vmem>>, vector<1x16xf32>,
      %get3A_731 = arith.index_cast %scan3A_36 : i32 to index
      %get3A_732 = arith.constant 928 : index
      %get3A_733 = tpu.vector_load %arg6[%get3A_731, %get3A_732] {strides = array<i32>} : memref<32x2048xf32, #tpu.memory_space<vmem>>, vector<1x16xf32>,
      %get3A_734 = vector.shape_cast %get3A_733 : vector<1x16xf32> to vector<16xf32>
      %mul3A_735 = arith.constant 45.2548332 : f32
      %mul3A_736 = vector.broadcast %mul3A_735 : f32 to vector<16xf32>
      %mul3A_737 = arith.mulf %get3A_734, %mul3A_736 : vector<16xf32>
      %swap3A_738 = arith.index_cast %scan3A_36 : i32 to index
      %swap3A_739 = arith.constant 928 : index
      %swap3A_740 = tpu.vector_load %arg6[%swap3A_738, %swap3A_739] {strides = array<i32>} : memref<32x2048xf32, #tpu.memory_space<vmem>>, vector<1x16xf32>,
      %swap3A_741 = vector.shape_cast %swap3A_740 : vector<1x16xf32> to vector<16xf32>
      %swap3A_742 = vector.shape_cast %mul3A_737 : vector<16xf32> to vector<1x16xf32>
      tpu.vector_store %arg6[%swap3A_738, %swap3A_739], %swap3A_742 {strides = array<i32>} : memref<32x2048xf32, #tpu.memory_space<vmem>>, vector<1x16xf32>,
      %get3A_743 = arith.index_cast %scan3A_36 : i32 to index
      %get3A_744 = arith.constant 944 : index
      %get3A_745 = tpu.vector_load %arg6[%get3A_743, %get3A_744] {strides = array<i32>} : memref<32x2048xf32, #tpu.memory_space<vmem>>, vector<1x16xf32>,
      %get3A_746 = vector.shape_cast %get3A_745 : vector<1x16xf32> to vector<16xf32>
      %mul3A_747 = arith.constant 45.2548332 : f32
      %mul3A_748 = vector.broadcast %mul3A_747 : f32 to vector<16xf32>
      %mul3A_749 = arith.mulf %get3A_746, %mul3A_748 : vector<16xf32>
      %swap3A_750 = arith.index_cast %scan3A_36 : i32 to index
      %swap3A_751 = arith.constant 944 : index
      %swap3A_752 = tpu.vector_load %arg6[%swap3A_750, %swap3A_751] {strides = array<i32>} : memref<32x2048xf32, #tpu.memory_space<vmem>>, vector<1x16xf32>,
      %swap3A_753 = vector.shape_cast %swap3A_752 : vector<1x16xf32> to vector<16xf32>
      %swap3A_754 = vector.shape_cast %mul3A_749 : vector<16xf32> to vector<1x16xf32>
      tpu.vector_store %arg6[%swap3A_750, %swap3A_751], %swap3A_754 {strides = array<i32>} : memref<32x2048xf32, #tpu.memory_space<vmem>>, vector<1x16xf32>,
      %get3A_755 = arith.index_cast %scan3A_36 : i32 to index
      %get3A_756 = arith.constant 960 : index
      %get3A_757 = tpu.vector_load %arg6[%get3A_755, %get3A_756] {strides = array<i32>} : memref<32x2048xf32, #tpu.memory_space<vmem>>, vector<1x16xf32>,
      %get3A_758 = vector.shape_cast %get3A_757 : vector<1x16xf32> to vector<16xf32>
      %mul3A_759 = arith.constant 45.2548332 : f32
      %mul3A_760 = vector.broadcast %mul3A_759 : f32 to vector<16xf32>
      %mul3A_761 = arith.mulf %get3A_758, %mul3A_760 : vector<16xf32>
      %swap3A_762 = arith.index_cast %scan3A_36 : i32 to index
      %swap3A_763 = arith.constant 960 : index
      %swap3A_764 = tpu.vector_load %arg6[%swap3A_762, %swap3A_763] {strides = array<i32>} : memref<32x2048xf32, #tpu.memory_space<vmem>>, vector<1x16xf32>,
      %swap3A_765 = vector.shape_cast %swap3A_764 : vector<1x16xf32> to vector<16xf32>
      %swap3A_766 = vector.shape_cast %mul3A_761 : vector<16xf32> to vector<1x16xf32>
      tpu.vector_store %arg6[%swap3A_762, %swap3A_763], %swap3A_766 {strides = array<i32>} : memref<32x2048xf32, #tpu.memory_space<vmem>>, vector<1x16xf32>,
      %get3A_767 = arith.index_cast %scan3A_36 : i32 to index
      %get3A_768 = arith.constant 976 : index
      %get3A_769 = tpu.vector_load %arg6[%get3A_767, %get3A_768] {strides = array<i32>} : memref<32x2048xf32, #tpu.memory_space<vmem>>, vector<1x16xf32>,
      %get3A_770 = vector.shape_cast %get3A_769 : vector<1x16xf32> to vector<16xf32>
      %mul3A_771 = arith.constant 45.2548332 : f32
      %mul3A_772 = vector.broadcast %mul3A_771 : f32 to vector<16xf32>
      %mul3A_773 = arith.mulf %get3A_770, %mul3A_772 : vector<16xf32>
      %swap3A_774 = arith.index_cast %scan3A_36 : i32 to index
      %swap3A_775 = arith.constant 976 : index
      %swap3A_776 = tpu.vector_load %arg6[%swap3A_774, %swap3A_775] {strides = array<i32>} : memref<32x2048xf32, #tpu.memory_space<vmem>>, vector<1x16xf32>,
      %swap3A_777 = vector.shape_cast %swap3A_776 : vector<1x16xf32> to vector<16xf32>
      %swap3A_778 = vector.shape_cast %mul3A_773 : vector<16xf32> to vector<1x16xf32>
      tpu.vector_store %arg6[%swap3A_774, %swap3A_775], %swap3A_778 {strides = array<i32>} : memref<32x2048xf32, #tpu.memory_space<vmem>>, vector<1x16xf32>,
      %get3A_779 = arith.index_cast %scan3A_36 : i32 to index
      %get3A_780 = arith.constant 992 : index
      %get3A_781 = tpu.vector_load %arg6[%get3A_779, %get3A_780] {strides = array<i32>} : memref<32x2048xf32, #tpu.memory_space<vmem>>, vector<1x16xf32>,
      %get3A_782 = vector.shape_cast %get3A_781 : vector<1x16xf32> to vector<16xf32>
      %mul3A_783 = arith.constant 45.2548332 : f32
      %mul3A_784 = vector.broadcast %mul3A_783 : f32 to vector<16xf32>
      %mul3A_785 = arith.mulf %get3A_782, %mul3A_784 : vector<16xf32>
      %swap3A_786 = arith.index_cast %scan3A_36 : i32 to index
      %swap3A_787 = arith.constant 992 : index
      %swap3A_788 = tpu.vector_load %arg6[%swap3A_786, %swap3A_787] {strides = array<i32>} : memref<32x2048xf32, #tpu.memory_space<vmem>>, vector<1x16xf32>,
      %swap3A_789 = vector.shape_cast %swap3A_788 : vector<1x16xf32> to vector<16xf32>
      %swap3A_790 = vector.shape_cast %mul3A_785 : vector<16xf32> to vector<1x16xf32>
      tpu.vector_store %arg6[%swap3A_786, %swap3A_787], %swap3A_790 {strides = array<i32>} : memref<32x2048xf32, #tpu.memory_space<vmem>>, vector<1x16xf32>,
      %get3A_791 = arith.index_cast %scan3A_36 : i32 to index
      %get3A_792 = arith.constant 1008 : index
      %get3A_793 = tpu.vector_load %arg6[%get3A_791, %get3A_792] {strides = array<i32>} : memref<32x2048xf32, #tpu.memory_space<vmem>>, vector<1x16xf32>,
      %get3A_794 = vector.shape_cast %get3A_793 : vector<1x16xf32> to vector<16xf32>
      %mul3A_795 = arith.constant 45.2548332 : f32
      %mul3A_796 = vector.broadcast %mul3A_795 : f32 to vector<16xf32>
      %mul3A_797 = arith.mulf %get3A_794, %mul3A_796 : vector<16xf32>
      %swap3A_798 = arith.index_cast %scan3A_36 : i32 to index
      %swap3A_799 = arith.constant 1008 : index
      %swap3A_800 = tpu.vector_load %arg6[%swap3A_798, %swap3A_799] {strides = array<i32>} : memref<32x2048xf32, #tpu.memory_space<vmem>>, vector<1x16xf32>,
      %swap3A_801 = vector.shape_cast %swap3A_800 : vector<1x16xf32> to vector<16xf32>
      %swap3A_802 = vector.shape_cast %mul3A_797 : vector<16xf32> to vector<1x16xf32>
      tpu.vector_store %arg6[%swap3A_798, %swap3A_799], %swap3A_802 {strides = array<i32>} : memref<32x2048xf32, #tpu.memory_space<vmem>>, vector<1x16xf32>,
      %get3A_803 = arith.index_cast %scan3A_36 : i32 to index
      %get3A_804 = arith.constant 1024 : index
      %get3A_805 = tpu.vector_load %arg6[%get3A_803, %get3A_804] {strides = array<i32>} : memref<32x2048xf32, #tpu.memory_space<vmem>>, vector<1x16xf32>,
      %get3A_806 = vector.shape_cast %get3A_805 : vector<1x16xf32> to vector<16xf32>
      %mul3A_807 = arith.constant 45.2548332 : f32
      %mul3A_808 = vector.broadcast %mul3A_807 : f32 to vector<16xf32>
      %mul3A_809 = arith.mulf %get3A_806, %mul3A_808 : vector<16xf32>
      %swap3A_810 = arith.index_cast %scan3A_36 : i32 to index
      %swap3A_811 = arith.constant 1024 : index
      %swap3A_812 = tpu.vector_load %arg6[%swap3A_810, %swap3A_811] {strides = array<i32>} : memref<32x2048xf32, #tpu.memory_space<vmem>>, vector<1x16xf32>,
      %swap3A_813 = vector.shape_cast %swap3A_812 : vector<1x16xf32> to vector<16xf32>
      %swap3A_814 = vector.shape_cast %mul3A_809 : vector<16xf32> to vector<1x16xf32>
      tpu.vector_store %arg6[%swap3A_810, %swap3A_811], %swap3A_814 {strides = array<i32>} : memref<32x2048xf32, #tpu.memory_space<vmem>>, vector<1x16xf32>,
      %get3A_815 = arith.index_cast %scan3A_36 : i32 to index
      %get3A_816 = arith.constant 1040 : index
      %get3A_817 = tpu.vector_load %arg6[%get3A_815, %get3A_816] {strides = array<i32>} : memref<32x2048xf32, #tpu.memory_space<vmem>>, vector<1x16xf32>,
      %get3A_818 = vector.shape_cast %get3A_817 : vector<1x16xf32> to vector<16xf32>
      %mul3A_819 = arith.constant 45.2548332 : f32
      %mul3A_820 = vector.broadcast %mul3A_819 : f32 to vector<16xf32>
      %mul3A_821 = arith.mulf %get3A_818, %mul3A_820 : vector<16xf32>
      %swap3A_822 = arith.index_cast %scan3A_36 : i32 to index
      %swap3A_823 = arith.constant 1040 : index
      %swap3A_824 = tpu.vector_load %arg6[%swap3A_822, %swap3A_823] {strides = array<i32>} : memref<32x2048xf32, #tpu.memory_space<vmem>>, vector<1x16xf32>,
      %swap3A_825 = vector.shape_cast %swap3A_824 : vector<1x16xf32> to vector<16xf32>
      %swap3A_826 = vector.shape_cast %mul3A_821 : vector<16xf32> to vector<1x16xf32>
      tpu.vector_store %arg6[%swap3A_822, %swap3A_823], %swap3A_826 {strides = array<i32>} : memref<32x2048xf32, #tpu.memory_space<vmem>>, vector<1x16xf32>,
      %get3A_827 = arith.index_cast %scan3A_36 : i32 to index
      %get3A_828 = arith.constant 1056 : index
      %get3A_829 = tpu.vector_load %arg6[%get3A_827, %get3A_828] {strides = array<i32>} : memref<32x2048xf32, #tpu.memory_space<vmem>>, vector<1x16xf32>,
      %get3A_830 = vector.shape_cast %get3A_829 : vector<1x16xf32> to vector<16xf32>
      %mul3A_831 = arith.constant 45.2548332 : f32
      %mul3A_832 = vector.broadcast %mul3A_831 : f32 to vector<16xf32>
      %mul3A_833 = arith.mulf %get3A_830, %mul3A_832 : vector<16xf32>
      %swap3A_834 = arith.index_cast %scan3A_36 : i32 to index
      %swap3A_835 = arith.constant 1056 : index
      %swap3A_836 = tpu.vector_load %arg6[%swap3A_834, %swap3A_835] {strides = array<i32>} : memref<32x2048xf32, #tpu.memory_space<vmem>>, vector<1x16xf32>,
      %swap3A_837 = vector.shape_cast %swap3A_836 : vector<1x16xf32> to vector<16xf32>
      %swap3A_838 = vector.shape_cast %mul3A_833 : vector<16xf32> to vector<1x16xf32>
      tpu.vector_store %arg6[%swap3A_834, %swap3A_835], %swap3A_838 {strides = array<i32>} : memref<32x2048xf32, #tpu.memory_space<vmem>>, vector<1x16xf32>,
      %get3A_839 = arith.index_cast %scan3A_36 : i32 to index
      %get3A_840 = arith.constant 1072 : index
      %get3A_841 = tpu.vector_load %arg6[%get3A_839, %get3A_840] {strides = array<i32>} : memref<32x2048xf32, #tpu.memory_space<vmem>>, vector<1x16xf32>,
      %get3A_842 = vector.shape_cast %get3A_841 : vector<1x16xf32> to vector<16xf32>
      %mul3A_843 = arith.constant 45.2548332 : f32
      %mul3A_844 = vector.broadcast %mul3A_843 : f32 to vector<16xf32>
      %mul3A_845 = arith.mulf %get3A_842, %mul3A_844 : vector<16xf32>
      %swap3A_846 = arith.index_cast %scan3A_36 : i32 to index
      %swap3A_847 = arith.constant 1072 : index
      %swap3A_848 = tpu.vector_load %arg6[%swap3A_846, %swap3A_847] {strides = array<i32>} : memref<32x2048xf32, #tpu.memory_space<vmem>>, vector<1x16xf32>,
      %swap3A_849 = vector.shape_cast %swap3A_848 : vector<1x16xf32> to vector<16xf32>
      %swap3A_850 = vector.shape_cast %mul3A_845 : vector<16xf32> to vector<1x16xf32>
      tpu.vector_store %arg6[%swap3A_846, %swap3A_847], %swap3A_850 {strides = array<i32>} : memref<32x2048xf32, #tpu.memory_space<vmem>>, vector<1x16xf32>,
      %get3A_851 = arith.index_cast %scan3A_36 : i32 to index
      %get3A_852 = arith.constant 1088 : index
      %get3A_853 = tpu.vector_load %arg6[%get3A_851, %get3A_852] {strides = array<i32>} : memref<32x2048xf32, #tpu.memory_space<vmem>>, vector<1x16xf32>,
      %get3A_854 = vector.shape_cast %get3A_853 : vector<1x16xf32> to vector<16xf32>
      %mul3A_855 = arith.constant 45.2548332 : f32
      %mul3A_856 = vector.broadcast %mul3A_855 : f32 to vector<16xf32>
      %mul3A_857 = arith.mulf %get3A_854, %mul3A_856 : vector<16xf32>
      %swap3A_858 = arith.index_cast %scan3A_36 : i32 to index
      %swap3A_859 = arith.constant 1088 : index
      %swap3A_860 = tpu.vector_load %arg6[%swap3A_858, %swap3A_859] {strides = array<i32>} : memref<32x2048xf32, #tpu.memory_space<vmem>>, vector<1x16xf32>,
      %swap3A_861 = vector.shape_cast %swap3A_860 : vector<1x16xf32> to vector<16xf32>
      %swap3A_862 = vector.shape_cast %mul3A_857 : vector<16xf32> to vector<1x16xf32>
      tpu.vector_store %arg6[%swap3A_858, %swap3A_859], %swap3A_862 {strides = array<i32>} : memref<32x2048xf32, #tpu.memory_space<vmem>>, vector<1x16xf32>,
      %get3A_863 = arith.index_cast %scan3A_36 : i32 to index
      %get3A_864 = arith.constant 1104 : index
      %get3A_865 = tpu.vector_load %arg6[%get3A_863, %get3A_864] {strides = array<i32>} : memref<32x2048xf32, #tpu.memory_space<vmem>>, vector<1x16xf32>,
      %get3A_866 = vector.shape_cast %get3A_865 : vector<1x16xf32> to vector<16xf32>
      %mul3A_867 = arith.constant 45.2548332 : f32
      %mul3A_868 = vector.broadcast %mul3A_867 : f32 to vector<16xf32>
      %mul3A_869 = arith.mulf %get3A_866, %mul3A_868 : vector<16xf32>
      %swap3A_870 = arith.index_cast %scan3A_36 : i32 to index
      %swap3A_871 = arith.constant 1104 : index
      %swap3A_872 = tpu.vector_load %arg6[%swap3A_870, %swap3A_871] {strides = array<i32>} : memref<32x2048xf32, #tpu.memory_space<vmem>>, vector<1x16xf32>,
      %swap3A_873 = vector.shape_cast %swap3A_872 : vector<1x16xf32> to vector<16xf32>
      %swap3A_874 = vector.shape_cast %mul3A_869 : vector<16xf32> to vector<1x16xf32>
      tpu.vector_store %arg6[%swap3A_870, %swap3A_871], %swap3A_874 {strides = array<i32>} : memref<32x2048xf32, #tpu.memory_space<vmem>>, vector<1x16xf32>,
      %get3A_875 = arith.index_cast %scan3A_36 : i32 to index
      %get3A_876 = arith.constant 1120 : index
      %get3A_877 = tpu.vector_load %arg6[%get3A_875, %get3A_876] {strides = array<i32>} : memref<32x2048xf32, #tpu.memory_space<vmem>>, vector<1x16xf32>,
      %get3A_878 = vector.shape_cast %get3A_877 : vector<1x16xf32> to vector<16xf32>
      %mul3A_879 = arith.constant 45.2548332 : f32
      %mul3A_880 = vector.broadcast %mul3A_879 : f32 to vector<16xf32>
      %mul3A_881 = arith.mulf %get3A_878, %mul3A_880 : vector<16xf32>
      %swap3A_882 = arith.index_cast %scan3A_36 : i32 to index
      %swap3A_883 = arith.constant 1120 : index
      %swap3A_884 = tpu.vector_load %arg6[%swap3A_882, %swap3A_883] {strides = array<i32>} : memref<32x2048xf32, #tpu.memory_space<vmem>>, vector<1x16xf32>,
      %swap3A_885 = vector.shape_cast %swap3A_884 : vector<1x16xf32> to vector<16xf32>
      %swap3A_886 = vector.shape_cast %mul3A_881 : vector<16xf32> to vector<1x16xf32>
      tpu.vector_store %arg6[%swap3A_882, %swap3A_883], %swap3A_886 {strides = array<i32>} : memref<32x2048xf32, #tpu.memory_space<vmem>>, vector<1x16xf32>,
      %get3A_887 = arith.index_cast %scan3A_36 : i32 to index
      %get3A_888 = arith.constant 1136 : index
      %get3A_889 = tpu.vector_load %arg6[%get3A_887, %get3A_888] {strides = array<i32>} : memref<32x2048xf32, #tpu.memory_space<vmem>>, vector<1x16xf32>,
      %get3A_890 = vector.shape_cast %get3A_889 : vector<1x16xf32> to vector<16xf32>
      %mul3A_891 = arith.constant 45.2548332 : f32
      %mul3A_892 = vector.broadcast %mul3A_891 : f32 to vector<16xf32>
      %mul3A_893 = arith.mulf %get3A_890, %mul3A_892 : vector<16xf32>
      %swap3A_894 = arith.index_cast %scan3A_36 : i32 to index
      %swap3A_895 = arith.constant 1136 : index
      %swap3A_896 = tpu.vector_load %arg6[%swap3A_894, %swap3A_895] {strides = array<i32>} : memref<32x2048xf32, #tpu.memory_space<vmem>>, vector<1x16xf32>,
      %swap3A_897 = vector.shape_cast %swap3A_896 : vector<1x16xf32> to vector<16xf32>
      %swap3A_898 = vector.shape_cast %mul3A_893 : vector<16xf32> to vector<1x16xf32>
      tpu.vector_store %arg6[%swap3A_894, %swap3A_895], %swap3A_898 {strides = array<i32>} : memref<32x2048xf32, #tpu.memory_space<vmem>>, vector<1x16xf32>,
      %get3A_899 = arith.index_cast %scan3A_36 : i32 to index
      %get3A_900 = arith.constant 1152 : index
      %get3A_901 = tpu.vector_load %arg6[%get3A_899, %get3A_900] {strides = array<i32>} : memref<32x2048xf32, #tpu.memory_space<vmem>>, vector<1x16xf32>,
      %get3A_902 = vector.shape_cast %get3A_901 : vector<1x16xf32> to vector<16xf32>
      %mul3A_903 = arith.constant 45.2548332 : f32
      %mul3A_904 = vector.broadcast %mul3A_903 : f32 to vector<16xf32>
      %mul3A_905 = arith.mulf %get3A_902, %mul3A_904 : vector<16xf32>
      %swap3A_906 = arith.index_cast %scan3A_36 : i32 to index
      %swap3A_907 = arith.constant 1152 : index
      %swap3A_908 = tpu.vector_load %arg6[%swap3A_906, %swap3A_907] {strides = array<i32>} : memref<32x2048xf32, #tpu.memory_space<vmem>>, vector<1x16xf32>,
      %swap3A_909 = vector.shape_cast %swap3A_908 : vector<1x16xf32> to vector<16xf32>
      %swap3A_910 = vector.shape_cast %mul3A_905 : vector<16xf32> to vector<1x16xf32>
      tpu.vector_store %arg6[%swap3A_906, %swap3A_907], %swap3A_910 {strides = array<i32>} : memref<32x2048xf32, #tpu.memory_space<vmem>>, vector<1x16xf32>,
      %get3A_911 = arith.index_cast %scan3A_36 : i32 to index
      %get3A_912 = arith.constant 1168 : index
      %get3A_913 = tpu.vector_load %arg6[%get3A_911, %get3A_912] {strides = array<i32>} : memref<32x2048xf32, #tpu.memory_space<vmem>>, vector<1x16xf32>,
      %get3A_914 = vector.shape_cast %get3A_913 : vector<1x16xf32> to vector<16xf32>
      %mul3A_915 = arith.constant 45.2548332 : f32
      %mul3A_916 = vector.broadcast %mul3A_915 : f32 to vector<16xf32>
      %mul3A_917 = arith.mulf %get3A_914, %mul3A_916 : vector<16xf32>
      %swap3A_918 = arith.index_cast %scan3A_36 : i32 to index
      %swap3A_919 = arith.constant 1168 : index
      %swap3A_920 = tpu.vector_load %arg6[%swap3A_918, %swap3A_919] {strides = array<i32>} : memref<32x2048xf32, #tpu.memory_space<vmem>>, vector<1x16xf32>,
      %swap3A_921 = vector.shape_cast %swap3A_920 : vector<1x16xf32> to vector<16xf32>
      %swap3A_922 = vector.shape_cast %mul3A_917 : vector<16xf32> to vector<1x16xf32>
      tpu.vector_store %arg6[%swap3A_918, %swap3A_919], %swap3A_922 {strides = array<i32>} : memref<32x2048xf32, #tpu.memory_space<vmem>>, vector<1x16xf32>,
      %get3A_923 = arith.index_cast %scan3A_36 : i32 to index
      %get3A_924 = arith.constant 1184 : index
      %get3A_925 = tpu.vector_load %arg6[%get3A_923, %get3A_924] {strides = array<i32>} : memref<32x2048xf32, #tpu.memory_space<vmem>>, vector<1x16xf32>,
      %get3A_926 = vector.shape_cast %get3A_925 : vector<1x16xf32> to vector<16xf32>
      %mul3A_927 = arith.constant 45.2548332 : f32
      %mul3A_928 = vector.broadcast %mul3A_927 : f32 to vector<16xf32>
      %mul3A_929 = arith.mulf %get3A_926, %mul3A_928 : vector<16xf32>
      %swap3A_930 = arith.index_cast %scan3A_36 : i32 to index
      %swap3A_931 = arith.constant 1184 : index
      %swap3A_932 = tpu.vector_load %arg6[%swap3A_930, %swap3A_931] {strides = array<i32>} : memref<32x2048xf32, #tpu.memory_space<vmem>>, vector<1x16xf32>,
      %swap3A_933 = vector.shape_cast %swap3A_932 : vector<1x16xf32> to vector<16xf32>
      %swap3A_934 = vector.shape_cast %mul3A_929 : vector<16xf32> to vector<1x16xf32>
      tpu.vector_store %arg6[%swap3A_930, %swap3A_931], %swap3A_934 {strides = array<i32>} : memref<32x2048xf32, #tpu.memory_space<vmem>>, vector<1x16xf32>,
      %get3A_935 = arith.index_cast %scan3A_36 : i32 to index
      %get3A_936 = arith.constant 1200 : index
      %get3A_937 = tpu.vector_load %arg6[%get3A_935, %get3A_936] {strides = array<i32>} : memref<32x2048xf32, #tpu.memory_space<vmem>>, vector<1x16xf32>,
      %get3A_938 = vector.shape_cast %get3A_937 : vector<1x16xf32> to vector<16xf32>
      %mul3A_939 = arith.constant 45.2548332 : f32
      %mul3A_940 = vector.broadcast %mul3A_939 : f32 to vector<16xf32>
      %mul3A_941 = arith.mulf %get3A_938, %mul3A_940 : vector<16xf32>
      %swap3A_942 = arith.index_cast %scan3A_36 : i32 to index
      %swap3A_943 = arith.constant 1200 : index
      %swap3A_944 = tpu.vector_load %arg6[%swap3A_942, %swap3A_943] {strides = array<i32>} : memref<32x2048xf32, #tpu.memory_space<vmem>>, vector<1x16xf32>,
      %swap3A_945 = vector.shape_cast %swap3A_944 : vector<1x16xf32> to vector<16xf32>
      %swap3A_946 = vector.shape_cast %mul3A_941 : vector<16xf32> to vector<1x16xf32>
      tpu.vector_store %arg6[%swap3A_942, %swap3A_943], %swap3A_946 {strides = array<i32>} : memref<32x2048xf32, #tpu.memory_space<vmem>>, vector<1x16xf32>,
      %get3A_947 = arith.index_cast %scan3A_36 : i32 to index
      %get3A_948 = arith.constant 1216 : index
      %get3A_949 = tpu.vector_load %arg6[%get3A_947, %get3A_948] {strides = array<i32>} : memref<32x2048xf32, #tpu.memory_space<vmem>>, vector<1x16xf32>,
      %get3A_950 = vector.shape_cast %get3A_949 : vector<1x16xf32> to vector<16xf32>
      %mul3A_951 = arith.constant 45.2548332 : f32
      %mul3A_952 = vector.broadcast %mul3A_951 : f32 to vector<16xf32>
      %mul3A_953 = arith.mulf %get3A_950, %mul3A_952 : vector<16xf32>
      %swap3A_954 = arith.index_cast %scan3A_36 : i32 to index
      %swap3A_955 = arith.constant 1216 : index
      %swap3A_956 = tpu.vector_load %arg6[%swap3A_954, %swap3A_955] {strides = array<i32>} : memref<32x2048xf32, #tpu.memory_space<vmem>>, vector<1x16xf32>,
      %swap3A_957 = vector.shape_cast %swap3A_956 : vector<1x16xf32> to vector<16xf32>
      %swap3A_958 = vector.shape_cast %mul3A_953 : vector<16xf32> to vector<1x16xf32>
      tpu.vector_store %arg6[%swap3A_954, %swap3A_955], %swap3A_958 {strides = array<i32>} : memref<32x2048xf32, #tpu.memory_space<vmem>>, vector<1x16xf32>,
      %get3A_959 = arith.index_cast %scan3A_36 : i32 to index
      %get3A_960 = arith.constant 1232 : index
      %get3A_961 = tpu.vector_load %arg6[%get3A_959, %get3A_960] {strides = array<i32>} : memref<32x2048xf32, #tpu.memory_space<vmem>>, vector<1x16xf32>,
      %get3A_962 = vector.shape_cast %get3A_961 : vector<1x16xf32> to vector<16xf32>
      %mul3A_963 = arith.constant 45.2548332 : f32
      %mul3A_964 = vector.broadcast %mul3A_963 : f32 to vector<16xf32>
      %mul3A_965 = arith.mulf %get3A_962, %mul3A_964 : vector<16xf32>
      %swap3A_966 = arith.index_cast %scan3A_36 : i32 to index
      %swap3A_967 = arith.constant 1232 : index
      %swap3A_968 = tpu.vector_load %arg6[%swap3A_966, %swap3A_967] {strides = array<i32>} : memref<32x2048xf32, #tpu.memory_space<vmem>>, vector<1x16xf32>,
      %swap3A_969 = vector.shape_cast %swap3A_968 : vector<1x16xf32> to vector<16xf32>
      %swap3A_970 = vector.shape_cast %mul3A_965 : vector<16xf32> to vector<1x16xf32>
      tpu.vector_store %arg6[%swap3A_966, %swap3A_967], %swap3A_970 {strides = array<i32>} : memref<32x2048xf32, #tpu.memory_space<vmem>>, vector<1x16xf32>,
      %get3A_971 = arith.index_cast %scan3A_36 : i32 to index
      %get3A_972 = arith.constant 1248 : index
      %get3A_973 = tpu.vector_load %arg6[%get3A_971, %get3A_972] {strides = array<i32>} : memref<32x2048xf32, #tpu.memory_space<vmem>>, vector<1x16xf32>,
      %get3A_974 = vector.shape_cast %get3A_973 : vector<1x16xf32> to vector<16xf32>
      %mul3A_975 = arith.constant 45.2548332 : f32
      %mul3A_976 = vector.broadcast %mul3A_975 : f32 to vector<16xf32>
      %mul3A_977 = arith.mulf %get3A_974, %mul3A_976 : vector<16xf32>
      %swap3A_978 = arith.index_cast %scan3A_36 : i32 to index
      %swap3A_979 = arith.constant 1248 : index
      %swap3A_980 = tpu.vector_load %arg6[%swap3A_978, %swap3A_979] {strides = array<i32>} : memref<32x2048xf32, #tpu.memory_space<vmem>>, vector<1x16xf32>,
      %swap3A_981 = vector.shape_cast %swap3A_980 : vector<1x16xf32> to vector<16xf32>
      %swap3A_982 = vector.shape_cast %mul3A_977 : vector<16xf32> to vector<1x16xf32>
      tpu.vector_store %arg6[%swap3A_978, %swap3A_979], %swap3A_982 {strides = array<i32>} : memref<32x2048xf32, #tpu.memory_space<vmem>>, vector<1x16xf32>,
      %get3A_983 = arith.index_cast %scan3A_36 : i32 to index
      %get3A_984 = arith.constant 1264 : index
      %get3A_985 = tpu.vector_load %arg6[%get3A_983, %get3A_984] {strides = array<i32>} : memref<32x2048xf32, #tpu.memory_space<vmem>>, vector<1x16xf32>,
      %get3A_986 = vector.shape_cast %get3A_985 : vector<1x16xf32> to vector<16xf32>
      %mul3A_987 = arith.constant 45.2548332 : f32
      %mul3A_988 = vector.broadcast %mul3A_987 : f32 to vector<16xf32>
      %mul3A_989 = arith.mulf %get3A_986, %mul3A_988 : vector<16xf32>
      %swap3A_990 = arith.index_cast %scan3A_36 : i32 to index
      %swap3A_991 = arith.constant 1264 : index
      %swap3A_992 = tpu.vector_load %arg6[%swap3A_990, %swap3A_991] {strides = array<i32>} : memref<32x2048xf32, #tpu.memory_space<vmem>>, vector<1x16xf32>,
      %swap3A_993 = vector.shape_cast %swap3A_992 : vector<1x16xf32> to vector<16xf32>
      %swap3A_994 = vector.shape_cast %mul3A_989 : vector<16xf32> to vector<1x16xf32>
      tpu.vector_store %arg6[%swap3A_990, %swap3A_991], %swap3A_994 {strides = array<i32>} : memref<32x2048xf32, #tpu.memory_space<vmem>>, vector<1x16xf32>,
      %get3A_995 = arith.index_cast %scan3A_36 : i32 to index
      %get3A_996 = arith.constant 1280 : index
      %get3A_997 = tpu.vector_load %arg6[%get3A_995, %get3A_996] {strides = array<i32>} : memref<32x2048xf32, #tpu.memory_space<vmem>>, vector<1x16xf32>,
      %get3A_998 = vector.shape_cast %get3A_997 : vector<1x16xf32> to vector<16xf32>
      %mul3A_999 = arith.constant 45.2548332 : f32
      %mul3A_1000 = vector.broadcast %mul3A_999 : f32 to vector<16xf32>
      %mul3A_1001 = arith.mulf %get3A_998, %mul3A_1000 : vector<16xf32>
      %swap3A_1002 = arith.index_cast %scan3A_36 : i32 to index
      %swap3A_1003 = arith.constant 1280 : index
      %swap3A_1004 = tpu.vector_load %arg6[%swap3A_1002, %swap3A_1003] {strides = array<i32>} : memref<32x2048xf32, #tpu.memory_space<vmem>>, vector<1x16xf32>,
      %swap3A_1005 = vector.shape_cast %swap3A_1004 : vector<1x16xf32> to vector<16xf32>
      %swap3A_1006 = vector.shape_cast %mul3A_1001 : vector<16xf32> to vector<1x16xf32>
      tpu.vector_store %arg6[%swap3A_1002, %swap3A_1003], %swap3A_1006 {strides = array<i32>} : memref<32x2048xf32, #tpu.memory_space<vmem>>, vector<1x16xf32>,
      %get3A_1007 = arith.index_cast %scan3A_36 : i32 to index
      %get3A_1008 = arith.constant 1296 : index
      %get3A_1009 = tpu.vector_load %arg6[%get3A_1007, %get3A_1008] {strides = array<i32>} : memref<32x2048xf32, #tpu.memory_space<vmem>>, vector<1x16xf32>,
      %get3A_1010 = vector.shape_cast %get3A_1009 : vector<1x16xf32> to vector<16xf32>
      %mul3A_1011 = arith.constant 45.2548332 : f32
      %mul3A_1012 = vector.broadcast %mul3A_1011 : f32 to vector<16xf32>
      %mul3A_1013 = arith.mulf %get3A_1010, %mul3A_1012 : vector<16xf32>
      %swap3A_1014 = arith.index_cast %scan3A_36 : i32 to index
      %swap3A_1015 = arith.constant 1296 : index
      %swap3A_1016 = tpu.vector_load %arg6[%swap3A_1014, %swap3A_1015] {strides = array<i32>} : memref<32x2048xf32, #tpu.memory_space<vmem>>, vector<1x16xf32>,
      %swap3A_1017 = vector.shape_cast %swap3A_1016 : vector<1x16xf32> to vector<16xf32>
      %swap3A_1018 = vector.shape_cast %mul3A_1013 : vector<16xf32> to vector<1x16xf32>
      tpu.vector_store %arg6[%swap3A_1014, %swap3A_1015], %swap3A_1018 {strides = array<i32>} : memref<32x2048xf32, #tpu.memory_space<vmem>>, vector<1x16xf32>,
      %get3A_1019 = arith.index_cast %scan3A_36 : i32 to index
      %get3A_1020 = arith.constant 1312 : index
      %get3A_1021 = tpu.vector_load %arg6[%get3A_1019, %get3A_1020] {strides = array<i32>} : memref<32x2048xf32, #tpu.memory_space<vmem>>, vector<1x16xf32>,
      %get3A_1022 = vector.shape_cast %get3A_1021 : vector<1x16xf32> to vector<16xf32>
      %mul3A_1023 = arith.constant 45.2548332 : f32
      %mul3A_1024 = vector.broadcast %mul3A_1023 : f32 to vector<16xf32>
      %mul3A_1025 = arith.mulf %get3A_1022, %mul3A_1024 : vector<16xf32>
      %swap3A_1026 = arith.index_cast %scan3A_36 : i32 to index
      %swap3A_1027 = arith.constant 1312 : index
      %swap3A_1028 = tpu.vector_load %arg6[%swap3A_1026, %swap3A_1027] {strides = array<i32>} : memref<32x2048xf32, #tpu.memory_space<vmem>>, vector<1x16xf32>,
      %swap3A_1029 = vector.shape_cast %swap3A_1028 : vector<1x16xf32> to vector<16xf32>
      %swap3A_1030 = vector.shape_cast %mul3A_1025 : vector<16xf32> to vector<1x16xf32>
      tpu.vector_store %arg6[%swap3A_1026, %swap3A_1027], %swap3A_1030 {strides = array<i32>} : memref<32x2048xf32, #tpu.memory_space<vmem>>, vector<1x16xf32>,
      %get3A_1031 = arith.index_cast %scan3A_36 : i32 to index
      %get3A_1032 = arith.constant 1328 : index
      %get3A_1033 = tpu.vector_load %arg6[%get3A_1031, %get3A_1032] {strides = array<i32>} : memref<32x2048xf32, #tpu.memory_space<vmem>>, vector<1x16xf32>,
      %get3A_1034 = vector.shape_cast %get3A_1033 : vector<1x16xf32> to vector<16xf32>
      %mul3A_1035 = arith.constant 45.2548332 : f32
      %mul3A_1036 = vector.broadcast %mul3A_1035 : f32 to vector<16xf32>
      %mul3A_1037 = arith.mulf %get3A_1034, %mul3A_1036 : vector<16xf32>
      %swap3A_1038 = arith.index_cast %scan3A_36 : i32 to index
      %swap3A_1039 = arith.constant 1328 : index
      %swap3A_1040 = tpu.vector_load %arg6[%swap3A_1038, %swap3A_1039] {strides = array<i32>} : memref<32x2048xf32, #tpu.memory_space<vmem>>, vector<1x16xf32>,
      %swap3A_1041 = vector.shape_cast %swap3A_1040 : vector<1x16xf32> to vector<16xf32>
      %swap3A_1042 = vector.shape_cast %mul3A_1037 : vector<16xf32> to vector<1x16xf32>
      tpu.vector_store %arg6[%swap3A_1038, %swap3A_1039], %swap3A_1042 {strides = array<i32>} : memref<32x2048xf32, #tpu.memory_space<vmem>>, vector<1x16xf32>,
      %get3A_1043 = arith.index_cast %scan3A_36 : i32 to index
      %get3A_1044 = arith.constant 1344 : index
      %get3A_1045 = tpu.vector_load %arg6[%get3A_1043, %get3A_1044] {strides = array<i32>} : memref<32x2048xf32, #tpu.memory_space<vmem>>, vector<1x16xf32>,
      %get3A_1046 = vector.shape_cast %get3A_1045 : vector<1x16xf32> to vector<16xf32>
      %mul3A_1047 = arith.constant 45.2548332 : f32
      %mul3A_1048 = vector.broadcast %mul3A_1047 : f32 to vector<16xf32>
      %mul3A_1049 = arith.mulf %get3A_1046, %mul3A_1048 : vector<16xf32>
      %swap3A_1050 = arith.index_cast %scan3A_36 : i32 to index
      %swap3A_1051 = arith.constant 1344 : index
      %swap3A_1052 = tpu.vector_load %arg6[%swap3A_1050, %swap3A_1051] {strides = array<i32>} : memref<32x2048xf32, #tpu.memory_space<vmem>>, vector<1x16xf32>,
      %swap3A_1053 = vector.shape_cast %swap3A_1052 : vector<1x16xf32> to vector<16xf32>
      %swap3A_1054 = vector.shape_cast %mul3A_1049 : vector<16xf32> to vector<1x16xf32>
      tpu.vector_store %arg6[%swap3A_1050, %swap3A_1051], %swap3A_1054 {strides = array<i32>} : memref<32x2048xf32, #tpu.memory_space<vmem>>, vector<1x16xf32>,
      %get3A_1055 = arith.index_cast %scan3A_36 : i32 to index
      %get3A_1056 = arith.constant 1360 : index
      %get3A_1057 = tpu.vector_load %arg6[%get3A_1055, %get3A_1056] {strides = array<i32>} : memref<32x2048xf32, #tpu.memory_space<vmem>>, vector<1x16xf32>,
      %get3A_1058 = vector.shape_cast %get3A_1057 : vector<1x16xf32> to vector<16xf32>
      %mul3A_1059 = arith.constant 45.2548332 : f32
      %mul3A_1060 = vector.broadcast %mul3A_1059 : f32 to vector<16xf32>
      %mul3A_1061 = arith.mulf %get3A_1058, %mul3A_1060 : vector<16xf32>
      %swap3A_1062 = arith.index_cast %scan3A_36 : i32 to index
      %swap3A_1063 = arith.constant 1360 : index
      %swap3A_1064 = tpu.vector_load %arg6[%swap3A_1062, %swap3A_1063] {strides = array<i32>} : memref<32x2048xf32, #tpu.memory_space<vmem>>, vector<1x16xf32>,
      %swap3A_1065 = vector.shape_cast %swap3A_1064 : vector<1x16xf32> to vector<16xf32>
      %swap3A_1066 = vector.shape_cast %mul3A_1061 : vector<16xf32> to vector<1x16xf32>
      tpu.vector_store %arg6[%swap3A_1062, %swap3A_1063], %swap3A_1066 {strides = array<i32>} : memref<32x2048xf32, #tpu.memory_space<vmem>>, vector<1x16xf32>,
      %get3A_1067 = arith.index_cast %scan3A_36 : i32 to index
      %get3A_1068 = arith.constant 1376 : index
      %get3A_1069 = tpu.vector_load %arg6[%get3A_1067, %get3A_1068] {strides = array<i32>} : memref<32x2048xf32, #tpu.memory_space<vmem>>, vector<1x16xf32>,
      %get3A_1070 = vector.shape_cast %get3A_1069 : vector<1x16xf32> to vector<16xf32>
      %mul3A_1071 = arith.constant 45.2548332 : f32
      %mul3A_1072 = vector.broadcast %mul3A_1071 : f32 to vector<16xf32>
      %mul3A_1073 = arith.mulf %get3A_1070, %mul3A_1072 : vector<16xf32>
      %swap3A_1074 = arith.index_cast %scan3A_36 : i32 to index
      %swap3A_1075 = arith.constant 1376 : index
      %swap3A_1076 = tpu.vector_load %arg6[%swap3A_1074, %swap3A_1075] {strides = array<i32>} : memref<32x2048xf32, #tpu.memory_space<vmem>>, vector<1x16xf32>,
      %swap3A_1077 = vector.shape_cast %swap3A_1076 : vector<1x16xf32> to vector<16xf32>
      %swap3A_1078 = vector.shape_cast %mul3A_1073 : vector<16xf32> to vector<1x16xf32>
      tpu.vector_store %arg6[%swap3A_1074, %swap3A_1075], %swap3A_1078 {strides = array<i32>} : memref<32x2048xf32, #tpu.memory_space<vmem>>, vector<1x16xf32>,
      %get3A_1079 = arith.index_cast %scan3A_36 : i32 to index
      %get3A_1080 = arith.constant 1392 : index
      %get3A_1081 = tpu.vector_load %arg6[%get3A_1079, %get3A_1080] {strides = array<i32>} : memref<32x2048xf32, #tpu.memory_space<vmem>>, vector<1x16xf32>,
      %get3A_1082 = vector.shape_cast %get3A_1081 : vector<1x16xf32> to vector<16xf32>
      %mul3A_1083 = arith.constant 45.2548332 : f32
      %mul3A_1084 = vector.broadcast %mul3A_1083 : f32 to vector<16xf32>
      %mul3A_1085 = arith.mulf %get3A_1082, %mul3A_1084 : vector<16xf32>
      %swap3A_1086 = arith.index_cast %scan3A_36 : i32 to index
      %swap3A_1087 = arith.constant 1392 : index
      %swap3A_1088 = tpu.vector_load %arg6[%swap3A_1086, %swap3A_1087] {strides = array<i32>} : memref<32x2048xf32, #tpu.memory_space<vmem>>, vector<1x16xf32>,
      %swap3A_1089 = vector.shape_cast %swap3A_1088 : vector<1x16xf32> to vector<16xf32>
      %swap3A_1090 = vector.shape_cast %mul3A_1085 : vector<16xf32> to vector<1x16xf32>
      tpu.vector_store %arg6[%swap3A_1086, %swap3A_1087], %swap3A_1090 {strides = array<i32>} : memref<32x2048xf32, #tpu.memory_space<vmem>>, vector<1x16xf32>,
      %get3A_1091 = arith.index_cast %scan3A_36 : i32 to index
      %get3A_1092 = arith.constant 1408 : index
      %get3A_1093 = tpu.vector_load %arg6[%get3A_1091, %get3A_1092] {strides = array<i32>} : memref<32x2048xf32, #tpu.memory_space<vmem>>, vector<1x16xf32>,
      %get3A_1094 = vector.shape_cast %get3A_1093 : vector<1x16xf32> to vector<16xf32>
      %mul3A_1095 = arith.constant 45.2548332 : f32
      %mul3A_1096 = vector.broadcast %mul3A_1095 : f32 to vector<16xf32>
      %mul3A_1097 = arith.mulf %get3A_1094, %mul3A_1096 : vector<16xf32>
      %swap3A_1098 = arith.index_cast %scan3A_36 : i32 to index
      %swap3A_1099 = arith.constant 1408 : index
      %swap3A_1100 = tpu.vector_load %arg6[%swap3A_1098, %swap3A_1099] {strides = array<i32>} : memref<32x2048xf32, #tpu.memory_space<vmem>>, vector<1x16xf32>,
      %swap3A_1101 = vector.shape_cast %swap3A_1100 : vector<1x16xf32> to vector<16xf32>
      %swap3A_1102 = vector.shape_cast %mul3A_1097 : vector<16xf32> to vector<1x16xf32>
      tpu.vector_store %arg6[%swap3A_1098, %swap3A_1099], %swap3A_1102 {strides = array<i32>} : memref<32x2048xf32, #tpu.memory_space<vmem>>, vector<1x16xf32>,
      %get3A_1103 = arith.index_cast %scan3A_36 : i32 to index
      %get3A_1104 = arith.constant 1424 : index
      %get3A_1105 = tpu.vector_load %arg6[%get3A_1103, %get3A_1104] {strides = array<i32>} : memref<32x2048xf32, #tpu.memory_space<vmem>>, vector<1x16xf32>,
      %get3A_1106 = vector.shape_cast %get3A_1105 : vector<1x16xf32> to vector<16xf32>
      %mul3A_1107 = arith.constant 45.2548332 : f32
      %mul3A_1108 = vector.broadcast %mul3A_1107 : f32 to vector<16xf32>
      %mul3A_1109 = arith.mulf %get3A_1106, %mul3A_1108 : vector<16xf32>
      %swap3A_1110 = arith.index_cast %scan3A_36 : i32 to index
      %swap3A_1111 = arith.constant 1424 : index
      %swap3A_1112 = tpu.vector_load %arg6[%swap3A_1110, %swap3A_1111] {strides = array<i32>} : memref<32x2048xf32, #tpu.memory_space<vmem>>, vector<1x16xf32>,
      %swap3A_1113 = vector.shape_cast %swap3A_1112 : vector<1x16xf32> to vector<16xf32>
      %swap3A_1114 = vector.shape_cast %mul3A_1109 : vector<16xf32> to vector<1x16xf32>
      tpu.vector_store %arg6[%swap3A_1110, %swap3A_1111], %swap3A_1114 {strides = array<i32>} : memref<32x2048xf32, #tpu.memory_space<vmem>>, vector<1x16xf32>,
      %get3A_1115 = arith.index_cast %scan3A_36 : i32 to index
      %get3A_1116 = arith.constant 1440 : index
      %get3A_1117 = tpu.vector_load %arg6[%get3A_1115, %get3A_1116] {strides = array<i32>} : memref<32x2048xf32, #tpu.memory_space<vmem>>, vector<1x16xf32>,
      %get3A_1118 = vector.shape_cast %get3A_1117 : vector<1x16xf32> to vector<16xf32>
      %mul3A_1119 = arith.constant 45.2548332 : f32
      %mul3A_1120 = vector.broadcast %mul3A_1119 : f32 to vector<16xf32>
      %mul3A_1121 = arith.mulf %get3A_1118, %mul3A_1120 : vector<16xf32>
      %swap3A_1122 = arith.index_cast %scan3A_36 : i32 to index
      %swap3A_1123 = arith.constant 1440 : index
      %swap3A_1124 = tpu.vector_load %arg6[%swap3A_1122, %swap3A_1123] {strides = array<i32>} : memref<32x2048xf32, #tpu.memory_space<vmem>>, vector<1x16xf32>,
      %swap3A_1125 = vector.shape_cast %swap3A_1124 : vector<1x16xf32> to vector<16xf32>
      %swap3A_1126 = vector.shape_cast %mul3A_1121 : vector<16xf32> to vector<1x16xf32>
      tpu.vector_store %arg6[%swap3A_1122, %swap3A_1123], %swap3A_1126 {strides = array<i32>} : memref<32x2048xf32, #tpu.memory_space<vmem>>, vector<1x16xf32>,
      %get3A_1127 = arith.index_cast %scan3A_36 : i32 to index
      %get3A_1128 = arith.constant 1456 : index
      %get3A_1129 = tpu.vector_load %arg6[%get3A_1127, %get3A_1128] {strides = array<i32>} : memref<32x2048xf32, #tpu.memory_space<vmem>>, vector<1x16xf32>,
      %get3A_1130 = vector.shape_cast %get3A_1129 : vector<1x16xf32> to vector<16xf32>
      %mul3A_1131 = arith.constant 45.2548332 : f32
      %mul3A_1132 = vector.broadcast %mul3A_1131 : f32 to vector<16xf32>
      %mul3A_1133 = arith.mulf %get3A_1130, %mul3A_1132 : vector<16xf32>
      %swap3A_1134 = arith.index_cast %scan3A_36 : i32 to index
      %swap3A_1135 = arith.constant 1456 : index
      %swap3A_1136 = tpu.vector_load %arg6[%swap3A_1134, %swap3A_1135] {strides = array<i32>} : memref<32x2048xf32, #tpu.memory_space<vmem>>, vector<1x16xf32>,
      %swap3A_1137 = vector.shape_cast %swap3A_1136 : vector<1x16xf32> to vector<16xf32>
      %swap3A_1138 = vector.shape_cast %mul3A_1133 : vector<16xf32> to vector<1x16xf32>
      tpu.vector_store %arg6[%swap3A_1134, %swap3A_1135], %swap3A_1138 {strides = array<i32>} : memref<32x2048xf32, #tpu.memory_space<vmem>>, vector<1x16xf32>,
      %get3A_1139 = arith.index_cast %scan3A_36 : i32 to index
      %get3A_1140 = arith.constant 1472 : index
      %get3A_1141 = tpu.vector_load %arg6[%get3A_1139, %get3A_1140] {strides = array<i32>} : memref<32x2048xf32, #tpu.memory_space<vmem>>, vector<1x16xf32>,
      %get3A_1142 = vector.shape_cast %get3A_1141 : vector<1x16xf32> to vector<16xf32>
      %mul3A_1143 = arith.constant 45.2548332 : f32
      %mul3A_1144 = vector.broadcast %mul3A_1143 : f32 to vector<16xf32>
      %mul3A_1145 = arith.mulf %get3A_1142, %mul3A_1144 : vector<16xf32>
      %swap3A_1146 = arith.index_cast %scan3A_36 : i32 to index
      %swap3A_1147 = arith.constant 1472 : index
      %swap3A_1148 = tpu.vector_load %arg6[%swap3A_1146, %swap3A_1147] {strides = array<i32>} : memref<32x2048xf32, #tpu.memory_space<vmem>>, vector<1x16xf32>,
      %swap3A_1149 = vector.shape_cast %swap3A_1148 : vector<1x16xf32> to vector<16xf32>
      %swap3A_1150 = vector.shape_cast %mul3A_1145 : vector<16xf32> to vector<1x16xf32>
      tpu.vector_store %arg6[%swap3A_1146, %swap3A_1147], %swap3A_1150 {strides = array<i32>} : memref<32x2048xf32, #tpu.memory_space<vmem>>, vector<1x16xf32>,
      %get3A_1151 = arith.index_cast %scan3A_36 : i32 to index
      %get3A_1152 = arith.constant 1488 : index
      %get3A_1153 = tpu.vector_load %arg6[%get3A_1151, %get3A_1152] {strides = array<i32>} : memref<32x2048xf32, #tpu.memory_space<vmem>>, vector<1x16xf32>,
      %get3A_1154 = vector.shape_cast %get3A_1153 : vector<1x16xf32> to vector<16xf32>
      %mul3A_1155 = arith.constant 45.2548332 : f32
      %mul3A_1156 = vector.broadcast %mul3A_1155 : f32 to vector<16xf32>
      %mul3A_1157 = arith.mulf %get3A_1154, %mul3A_1156 : vector<16xf32>
      %swap3A_1158 = arith.index_cast %scan3A_36 : i32 to index
      %swap3A_1159 = arith.constant 1488 : index
      %swap3A_1160 = tpu.vector_load %arg6[%swap3A_1158, %swap3A_1159] {strides = array<i32>} : memref<32x2048xf32, #tpu.memory_space<vmem>>, vector<1x16xf32>,
      %swap3A_1161 = vector.shape_cast %swap3A_1160 : vector<1x16xf32> to vector<16xf32>
      %swap3A_1162 = vector.shape_cast %mul3A_1157 : vector<16xf32> to vector<1x16xf32>
      tpu.vector_store %arg6[%swap3A_1158, %swap3A_1159], %swap3A_1162 {strides = array<i32>} : memref<32x2048xf32, #tpu.memory_space<vmem>>, vector<1x16xf32>,
      %get3A_1163 = arith.index_cast %scan3A_36 : i32 to index
      %get3A_1164 = arith.constant 1504 : index
      %get3A_1165 = tpu.vector_load %arg6[%get3A_1163, %get3A_1164] {strides = array<i32>} : memref<32x2048xf32, #tpu.memory_space<vmem>>, vector<1x16xf32>,
      %get3A_1166 = vector.shape_cast %get3A_1165 : vector<1x16xf32> to vector<16xf32>
      %mul3A_1167 = arith.constant 45.2548332 : f32
      %mul3A_1168 = vector.broadcast %mul3A_1167 : f32 to vector<16xf32>
      %mul3A_1169 = arith.mulf %get3A_1166, %mul3A_1168 : vector<16xf32>
      %swap3A_1170 = arith.index_cast %scan3A_36 : i32 to index
      %swap3A_1171 = arith.constant 1504 : index
      %swap3A_1172 = tpu.vector_load %arg6[%swap3A_1170, %swap3A_1171] {strides = array<i32>} : memref<32x2048xf32, #tpu.memory_space<vmem>>, vector<1x16xf32>,
      %swap3A_1173 = vector.shape_cast %swap3A_1172 : vector<1x16xf32> to vector<16xf32>
      %swap3A_1174 = vector.shape_cast %mul3A_1169 : vector<16xf32> to vector<1x16xf32>
      tpu.vector_store %arg6[%swap3A_1170, %swap3A_1171], %swap3A_1174 {strides = array<i32>} : memref<32x2048xf32, #tpu.memory_space<vmem>>, vector<1x16xf32>,
      %get3A_1175 = arith.index_cast %scan3A_36 : i32 to index
      %get3A_1176 = arith.constant 1520 : index
      %get3A_1177 = tpu.vector_load %arg6[%get3A_1175, %get3A_1176] {strides = array<i32>} : memref<32x2048xf32, #tpu.memory_space<vmem>>, vector<1x16xf32>,
      %get3A_1178 = vector.shape_cast %get3A_1177 : vector<1x16xf32> to vector<16xf32>
      %mul3A_1179 = arith.constant 45.2548332 : f32
      %mul3A_1180 = vector.broadcast %mul3A_1179 : f32 to vector<16xf32>
      %mul3A_1181 = arith.mulf %get3A_1178, %mul3A_1180 : vector<16xf32>
      %swap3A_1182 = arith.index_cast %scan3A_36 : i32 to index
      %swap3A_1183 = arith.constant 1520 : index
      %swap3A_1184 = tpu.vector_load %arg6[%swap3A_1182, %swap3A_1183] {strides = array<i32>} : memref<32x2048xf32, #tpu.memory_space<vmem>>, vector<1x16xf32>,
      %swap3A_1185 = vector.shape_cast %swap3A_1184 : vector<1x16xf32> to vector<16xf32>
      %swap3A_1186 = vector.shape_cast %mul3A_1181 : vector<16xf32> to vector<1x16xf32>
      tpu.vector_store %arg6[%swap3A_1182, %swap3A_1183], %swap3A_1186 {strides = array<i32>} : memref<32x2048xf32, #tpu.memory_space<vmem>>, vector<1x16xf32>,
      %get3A_1187 = arith.index_cast %scan3A_36 : i32 to index
      %get3A_1188 = arith.constant 1536 : index
      %get3A_1189 = tpu.vector_load %arg6[%get3A_1187, %get3A_1188] {strides = array<i32>} : memref<32x2048xf32, #tpu.memory_space<vmem>>, vector<1x16xf32>,
      %get3A_1190 = vector.shape_cast %get3A_1189 : vector<1x16xf32> to vector<16xf32>
      %mul3A_1191 = arith.constant 45.2548332 : f32
      %mul3A_1192 = vector.broadcast %mul3A_1191 : f32 to vector<16xf32>
      %mul3A_1193 = arith.mulf %get3A_1190, %mul3A_1192 : vector<16xf32>
      %swap3A_1194 = arith.index_cast %scan3A_36 : i32 to index
      %swap3A_1195 = arith.constant 1536 : index
      %swap3A_1196 = tpu.vector_load %arg6[%swap3A_1194, %swap3A_1195] {strides = array<i32>} : memref<32x2048xf32, #tpu.memory_space<vmem>>, vector<1x16xf32>,
      %swap3A_1197 = vector.shape_cast %swap3A_1196 : vector<1x16xf32> to vector<16xf32>
      %swap3A_1198 = vector.shape_cast %mul3A_1193 : vector<16xf32> to vector<1x16xf32>
      tpu.vector_store %arg6[%swap3A_1194, %swap3A_1195], %swap3A_1198 {strides = array<i32>} : memref<32x2048xf32, #tpu.memory_space<vmem>>, vector<1x16xf32>,
      %get3A_1199 = arith.index_cast %scan3A_36 : i32 to index
      %get3A_1200 = arith.constant 1552 : index
      %get3A_1201 = tpu.vector_load %arg6[%get3A_1199, %get3A_1200] {strides = array<i32>} : memref<32x2048xf32, #tpu.memory_space<vmem>>, vector<1x16xf32>,
      %get3A_1202 = vector.shape_cast %get3A_1201 : vector<1x16xf32> to vector<16xf32>
      %mul3A_1203 = arith.constant 45.2548332 : f32
      %mul3A_1204 = vector.broadcast %mul3A_1203 : f32 to vector<16xf32>
      %mul3A_1205 = arith.mulf %get3A_1202, %mul3A_1204 : vector<16xf32>
      %swap3A_1206 = arith.index_cast %scan3A_36 : i32 to index
      %swap3A_1207 = arith.constant 1552 : index
      %swap3A_1208 = tpu.vector_load %arg6[%swap3A_1206, %swap3A_1207] {strides = array<i32>} : memref<32x2048xf32, #tpu.memory_space<vmem>>, vector<1x16xf32>,
      %swap3A_1209 = vector.shape_cast %swap3A_1208 : vector<1x16xf32> to vector<16xf32>
      %swap3A_1210 = vector.shape_cast %mul3A_1205 : vector<16xf32> to vector<1x16xf32>
      tpu.vector_store %arg6[%swap3A_1206, %swap3A_1207], %swap3A_1210 {strides = array<i32>} : memref<32x2048xf32, #tpu.memory_space<vmem>>, vector<1x16xf32>,
      %get3A_1211 = arith.index_cast %scan3A_36 : i32 to index
      %get3A_1212 = arith.constant 1568 : index
      %get3A_1213 = tpu.vector_load %arg6[%get3A_1211, %get3A_1212] {strides = array<i32>} : memref<32x2048xf32, #tpu.memory_space<vmem>>, vector<1x16xf32>,
      %get3A_1214 = vector.shape_cast %get3A_1213 : vector<1x16xf32> to vector<16xf32>
      %mul3A_1215 = arith.constant 45.2548332 : f32
      %mul3A_1216 = vector.broadcast %mul3A_1215 : f32 to vector<16xf32>
      %mul3A_1217 = arith.mulf %get3A_1214, %mul3A_1216 : vector<16xf32>
      %swap3A_1218 = arith.index_cast %scan3A_36 : i32 to index
      %swap3A_1219 = arith.constant 1568 : index
      %swap3A_1220 = tpu.vector_load %arg6[%swap3A_1218, %swap3A_1219] {strides = array<i32>} : memref<32x2048xf32, #tpu.memory_space<vmem>>, vector<1x16xf32>,
      %swap3A_1221 = vector.shape_cast %swap3A_1220 : vector<1x16xf32> to vector<16xf32>
      %swap3A_1222 = vector.shape_cast %mul3A_1217 : vector<16xf32> to vector<1x16xf32>
      tpu.vector_store %arg6[%swap3A_1218, %swap3A_1219], %swap3A_1222 {strides = array<i32>} : memref<32x2048xf32, #tpu.memory_space<vmem>>, vector<1x16xf32>,
      %get3A_1223 = arith.index_cast %scan3A_36 : i32 to index
      %get3A_1224 = arith.constant 1584 : index
      %get3A_1225 = tpu.vector_load %arg6[%get3A_1223, %get3A_1224] {strides = array<i32>} : memref<32x2048xf32, #tpu.memory_space<vmem>>, vector<1x16xf32>,
      %get3A_1226 = vector.shape_cast %get3A_1225 : vector<1x16xf32> to vector<16xf32>
      %mul3A_1227 = arith.constant 45.2548332 : f32
      %mul3A_1228 = vector.broadcast %mul3A_1227 : f32 to vector<16xf32>
      %mul3A_1229 = arith.mulf %get3A_1226, %mul3A_1228 : vector<16xf32>
      %swap3A_1230 = arith.index_cast %scan3A_36 : i32 to index
      %swap3A_1231 = arith.constant 1584 : index
      %swap3A_1232 = tpu.vector_load %arg6[%swap3A_1230, %swap3A_1231] {strides = array<i32>} : memref<32x2048xf32, #tpu.memory_space<vmem>>, vector<1x16xf32>,
      %swap3A_1233 = vector.shape_cast %swap3A_1232 : vector<1x16xf32> to vector<16xf32>
      %swap3A_1234 = vector.shape_cast %mul3A_1229 : vector<16xf32> to vector<1x16xf32>
      tpu.vector_store %arg6[%swap3A_1230, %swap3A_1231], %swap3A_1234 {strides = array<i32>} : memref<32x2048xf32, #tpu.memory_space<vmem>>, vector<1x16xf32>,
      %get3A_1235 = arith.index_cast %scan3A_36 : i32 to index
      %get3A_1236 = arith.constant 1600 : index
      %get3A_1237 = tpu.vector_load %arg6[%get3A_1235, %get3A_1236] {strides = array<i32>} : memref<32x2048xf32, #tpu.memory_space<vmem>>, vector<1x16xf32>,
      %get3A_1238 = vector.shape_cast %get3A_1237 : vector<1x16xf32> to vector<16xf32>
      %mul3A_1239 = arith.constant 45.2548332 : f32
      %mul3A_1240 = vector.broadcast %mul3A_1239 : f32 to vector<16xf32>
      %mul3A_1241 = arith.mulf %get3A_1238, %mul3A_1240 : vector<16xf32>
      %swap3A_1242 = arith.index_cast %scan3A_36 : i32 to index
      %swap3A_1243 = arith.constant 1600 : index
      %swap3A_1244 = tpu.vector_load %arg6[%swap3A_1242, %swap3A_1243] {strides = array<i32>} : memref<32x2048xf32, #tpu.memory_space<vmem>>, vector<1x16xf32>,
      %swap3A_1245 = vector.shape_cast %swap3A_1244 : vector<1x16xf32> to vector<16xf32>
      %swap3A_1246 = vector.shape_cast %mul3A_1241 : vector<16xf32> to vector<1x16xf32>
      tpu.vector_store %arg6[%swap3A_1242, %swap3A_1243], %swap3A_1246 {strides = array<i32>} : memref<32x2048xf32, #tpu.memory_space<vmem>>, vector<1x16xf32>,
      %get3A_1247 = arith.index_cast %scan3A_36 : i32 to index
      %get3A_1248 = arith.constant 1616 : index
      %get3A_1249 = tpu.vector_load %arg6[%get3A_1247, %get3A_1248] {strides = array<i32>} : memref<32x2048xf32, #tpu.memory_space<vmem>>, vector<1x16xf32>,
      %get3A_1250 = vector.shape_cast %get3A_1249 : vector<1x16xf32> to vector<16xf32>
      %mul3A_1251 = arith.constant 45.2548332 : f32
      %mul3A_1252 = vector.broadcast %mul3A_1251 : f32 to vector<16xf32>
      %mul3A_1253 = arith.mulf %get3A_1250, %mul3A_1252 : vector<16xf32>
      %swap3A_1254 = arith.index_cast %scan3A_36 : i32 to index
      %swap3A_1255 = arith.constant 1616 : index
      %swap3A_1256 = tpu.vector_load %arg6[%swap3A_1254, %swap3A_1255] {strides = array<i32>} : memref<32x2048xf32, #tpu.memory_space<vmem>>, vector<1x16xf32>,
      %swap3A_1257 = vector.shape_cast %swap3A_1256 : vector<1x16xf32> to vector<16xf32>
      %swap3A_1258 = vector.shape_cast %mul3A_1253 : vector<16xf32> to vector<1x16xf32>
      tpu.vector_store %arg6[%swap3A_1254, %swap3A_1255], %swap3A_1258 {strides = array<i32>} : memref<32x2048xf32, #tpu.memory_space<vmem>>, vector<1x16xf32>,
      %get3A_1259 = arith.index_cast %scan3A_36 : i32 to index
      %get3A_1260 = arith.constant 1632 : index
      %get3A_1261 = tpu.vector_load %arg6[%get3A_1259, %get3A_1260] {strides = array<i32>} : memref<32x2048xf32, #tpu.memory_space<vmem>>, vector<1x16xf32>,
      %get3A_1262 = vector.shape_cast %get3A_1261 : vector<1x16xf32> to vector<16xf32>
      %mul3A_1263 = arith.constant 45.2548332 : f32
      %mul3A_1264 = vector.broadcast %mul3A_1263 : f32 to vector<16xf32>
      %mul3A_1265 = arith.mulf %get3A_1262, %mul3A_1264 : vector<16xf32>
      %swap3A_1266 = arith.index_cast %scan3A_36 : i32 to index
      %swap3A_1267 = arith.constant 1632 : index
      %swap3A_1268 = tpu.vector_load %arg6[%swap3A_1266, %swap3A_1267] {strides = array<i32>} : memref<32x2048xf32, #tpu.memory_space<vmem>>, vector<1x16xf32>,
      %swap3A_1269 = vector.shape_cast %swap3A_1268 : vector<1x16xf32> to vector<16xf32>
      %swap3A_1270 = vector.shape_cast %mul3A_1265 : vector<16xf32> to vector<1x16xf32>
      tpu.vector_store %arg6[%swap3A_1266, %swap3A_1267], %swap3A_1270 {strides = array<i32>} : memref<32x2048xf32, #tpu.memory_space<vmem>>, vector<1x16xf32>,
      %get3A_1271 = arith.index_cast %scan3A_36 : i32 to index
      %get3A_1272 = arith.constant 1648 : index
      %get3A_1273 = tpu.vector_load %arg6[%get3A_1271, %get3A_1272] {strides = array<i32>} : memref<32x2048xf32, #tpu.memory_space<vmem>>, vector<1x16xf32>,
      %get3A_1274 = vector.shape_cast %get3A_1273 : vector<1x16xf32> to vector<16xf32>
      %mul3A_1275 = arith.constant 45.2548332 : f32
      %mul3A_1276 = vector.broadcast %mul3A_1275 : f32 to vector<16xf32>
      %mul3A_1277 = arith.mulf %get3A_1274, %mul3A_1276 : vector<16xf32>
      %swap3A_1278 = arith.index_cast %scan3A_36 : i32 to index
      %swap3A_1279 = arith.constant 1648 : index
      %swap3A_1280 = tpu.vector_load %arg6[%swap3A_1278, %swap3A_1279] {strides = array<i32>} : memref<32x2048xf32, #tpu.memory_space<vmem>>, vector<1x16xf32>,
      %swap3A_1281 = vector.shape_cast %swap3A_1280 : vector<1x16xf32> to vector<16xf32>
      %swap3A_1282 = vector.shape_cast %mul3A_1277 : vector<16xf32> to vector<1x16xf32>
      tpu.vector_store %arg6[%swap3A_1278, %swap3A_1279], %swap3A_1282 {strides = array<i32>} : memref<32x2048xf32, #tpu.memory_space<vmem>>, vector<1x16xf32>,
      %get3A_1283 = arith.index_cast %scan3A_36 : i32 to index
      %get3A_1284 = arith.constant 1664 : index
      %get3A_1285 = tpu.vector_load %arg6[%get3A_1283, %get3A_1284] {strides = array<i32>} : memref<32x2048xf32, #tpu.memory_space<vmem>>, vector<1x16xf32>,
      %get3A_1286 = vector.shape_cast %get3A_1285 : vector<1x16xf32> to vector<16xf32>
      %mul3A_1287 = arith.constant 45.2548332 : f32
      %mul3A_1288 = vector.broadcast %mul3A_1287 : f32 to vector<16xf32>
      %mul3A_1289 = arith.mulf %get3A_1286, %mul3A_1288 : vector<16xf32>
      %swap3A_1290 = arith.index_cast %scan3A_36 : i32 to index
      %swap3A_1291 = arith.constant 1664 : index
      %swap3A_1292 = tpu.vector_load %arg6[%swap3A_1290, %swap3A_1291] {strides = array<i32>} : memref<32x2048xf32, #tpu.memory_space<vmem>>, vector<1x16xf32>,
      %swap3A_1293 = vector.shape_cast %swap3A_1292 : vector<1x16xf32> to vector<16xf32>
      %swap3A_1294 = vector.shape_cast %mul3A_1289 : vector<16xf32> to vector<1x16xf32>
      tpu.vector_store %arg6[%swap3A_1290, %swap3A_1291], %swap3A_1294 {strides = array<i32>} : memref<32x2048xf32, #tpu.memory_space<vmem>>, vector<1x16xf32>,
      %get3A_1295 = arith.index_cast %scan3A_36 : i32 to index
      %get3A_1296 = arith.constant 1680 : index
      %get3A_1297 = tpu.vector_load %arg6[%get3A_1295, %get3A_1296] {strides = array<i32>} : memref<32x2048xf32, #tpu.memory_space<vmem>>, vector<1x16xf32>,
      %get3A_1298 = vector.shape_cast %get3A_1297 : vector<1x16xf32> to vector<16xf32>
      %mul3A_1299 = arith.constant 45.2548332 : f32
      %mul3A_1300 = vector.broadcast %mul3A_1299 : f32 to vector<16xf32>
      %mul3A_1301 = arith.mulf %get3A_1298, %mul3A_1300 : vector<16xf32>
      %swap3A_1302 = arith.index_cast %scan3A_36 : i32 to index
      %swap3A_1303 = arith.constant 1680 : index
      %swap3A_1304 = tpu.vector_load %arg6[%swap3A_1302, %swap3A_1303] {strides = array<i32>} : memref<32x2048xf32, #tpu.memory_space<vmem>>, vector<1x16xf32>,
      %swap3A_1305 = vector.shape_cast %swap3A_1304 : vector<1x16xf32> to vector<16xf32>
      %swap3A_1306 = vector.shape_cast %mul3A_1301 : vector<16xf32> to vector<1x16xf32>
      tpu.vector_store %arg6[%swap3A_1302, %swap3A_1303], %swap3A_1306 {strides = array<i32>} : memref<32x2048xf32, #tpu.memory_space<vmem>>, vector<1x16xf32>,
      %get3A_1307 = arith.index_cast %scan3A_36 : i32 to index
      %get3A_1308 = arith.constant 1696 : index
      %get3A_1309 = tpu.vector_load %arg6[%get3A_1307, %get3A_1308] {strides = array<i32>} : memref<32x2048xf32, #tpu.memory_space<vmem>>, vector<1x16xf32>,
      %get3A_1310 = vector.shape_cast %get3A_1309 : vector<1x16xf32> to vector<16xf32>
      %mul3A_1311 = arith.constant 45.2548332 : f32
      %mul3A_1312 = vector.broadcast %mul3A_1311 : f32 to vector<16xf32>
      %mul3A_1313 = arith.mulf %get3A_1310, %mul3A_1312 : vector<16xf32>
      %swap3A_1314 = arith.index_cast %scan3A_36 : i32 to index
      %swap3A_1315 = arith.constant 1696 : index
      %swap3A_1316 = tpu.vector_load %arg6[%swap3A_1314, %swap3A_1315] {strides = array<i32>} : memref<32x2048xf32, #tpu.memory_space<vmem>>, vector<1x16xf32>,
      %swap3A_1317 = vector.shape_cast %swap3A_1316 : vector<1x16xf32> to vector<16xf32>
      %swap3A_1318 = vector.shape_cast %mul3A_1313 : vector<16xf32> to vector<1x16xf32>
      tpu.vector_store %arg6[%swap3A_1314, %swap3A_1315], %swap3A_1318 {strides = array<i32>} : memref<32x2048xf32, #tpu.memory_space<vmem>>, vector<1x16xf32>,
      %get3A_1319 = arith.index_cast %scan3A_36 : i32 to index
      %get3A_1320 = arith.constant 1712 : index
      %get3A_1321 = tpu.vector_load %arg6[%get3A_1319, %get3A_1320] {strides = array<i32>} : memref<32x2048xf32, #tpu.memory_space<vmem>>, vector<1x16xf32>,
      %get3A_1322 = vector.shape_cast %get3A_1321 : vector<1x16xf32> to vector<16xf32>
      %mul3A_1323 = arith.constant 45.2548332 : f32
      %mul3A_1324 = vector.broadcast %mul3A_1323 : f32 to vector<16xf32>
      %mul3A_1325 = arith.mulf %get3A_1322, %mul3A_1324 : vector<16xf32>
      %swap3A_1326 = arith.index_cast %scan3A_36 : i32 to index
      %swap3A_1327 = arith.constant 1712 : index
      %swap3A_1328 = tpu.vector_load %arg6[%swap3A_1326, %swap3A_1327] {strides = array<i32>} : memref<32x2048xf32, #tpu.memory_space<vmem>>, vector<1x16xf32>,
      %swap3A_1329 = vector.shape_cast %swap3A_1328 : vector<1x16xf32> to vector<16xf32>
      %swap3A_1330 = vector.shape_cast %mul3A_1325 : vector<16xf32> to vector<1x16xf32>
      tpu.vector_store %arg6[%swap3A_1326, %swap3A_1327], %swap3A_1330 {strides = array<i32>} : memref<32x2048xf32, #tpu.memory_space<vmem>>, vector<1x16xf32>,
      %get3A_1331 = arith.index_cast %scan3A_36 : i32 to index
      %get3A_1332 = arith.constant 1728 : index
      %get3A_1333 = tpu.vector_load %arg6[%get3A_1331, %get3A_1332] {strides = array<i32>} : memref<32x2048xf32, #tpu.memory_space<vmem>>, vector<1x16xf32>,
      %get3A_1334 = vector.shape_cast %get3A_1333 : vector<1x16xf32> to vector<16xf32>
      %mul3A_1335 = arith.constant 45.2548332 : f32
      %mul3A_1336 = vector.broadcast %mul3A_1335 : f32 to vector<16xf32>
      %mul3A_1337 = arith.mulf %get3A_1334, %mul3A_1336 : vector<16xf32>
      %swap3A_1338 = arith.index_cast %scan3A_36 : i32 to index
      %swap3A_1339 = arith.constant 1728 : index
      %swap3A_1340 = tpu.vector_load %arg6[%swap3A_1338, %swap3A_1339] {strides = array<i32>} : memref<32x2048xf32, #tpu.memory_space<vmem>>, vector<1x16xf32>,
      %swap3A_1341 = vector.shape_cast %swap3A_1340 : vector<1x16xf32> to vector<16xf32>
      %swap3A_1342 = vector.shape_cast %mul3A_1337 : vector<16xf32> to vector<1x16xf32>
      tpu.vector_store %arg6[%swap3A_1338, %swap3A_1339], %swap3A_1342 {strides = array<i32>} : memref<32x2048xf32, #tpu.memory_space<vmem>>, vector<1x16xf32>,
      %get3A_1343 = arith.index_cast %scan3A_36 : i32 to index
      %get3A_1344 = arith.constant 1744 : index
      %get3A_1345 = tpu.vector_load %arg6[%get3A_1343, %get3A_1344] {strides = array<i32>} : memref<32x2048xf32, #tpu.memory_space<vmem>>, vector<1x16xf32>,
      %get3A_1346 = vector.shape_cast %get3A_1345 : vector<1x16xf32> to vector<16xf32>
      %mul3A_1347 = arith.constant 45.2548332 : f32
      %mul3A_1348 = vector.broadcast %mul3A_1347 : f32 to vector<16xf32>
      %mul3A_1349 = arith.mulf %get3A_1346, %mul3A_1348 : vector<16xf32>
      %swap3A_1350 = arith.index_cast %scan3A_36 : i32 to index
      %swap3A_1351 = arith.constant 1744 : index
      %swap3A_1352 = tpu.vector_load %arg6[%swap3A_1350, %swap3A_1351] {strides = array<i32>} : memref<32x2048xf32, #tpu.memory_space<vmem>>, vector<1x16xf32>,
      %swap3A_1353 = vector.shape_cast %swap3A_1352 : vector<1x16xf32> to vector<16xf32>
      %swap3A_1354 = vector.shape_cast %mul3A_1349 : vector<16xf32> to vector<1x16xf32>
      tpu.vector_store %arg6[%swap3A_1350, %swap3A_1351], %swap3A_1354 {strides = array<i32>} : memref<32x2048xf32, #tpu.memory_space<vmem>>, vector<1x16xf32>,
      %get3A_1355 = arith.index_cast %scan3A_36 : i32 to index
      %get3A_1356 = arith.constant 1760 : index
      %get3A_1357 = tpu.vector_load %arg6[%get3A_1355, %get3A_1356] {strides = array<i32>} : memref<32x2048xf32, #tpu.memory_space<vmem>>, vector<1x16xf32>,
      %get3A_1358 = vector.shape_cast %get3A_1357 : vector<1x16xf32> to vector<16xf32>
      %mul3A_1359 = arith.constant 45.2548332 : f32
      %mul3A_1360 = vector.broadcast %mul3A_1359 : f32 to vector<16xf32>
      %mul3A_1361 = arith.mulf %get3A_1358, %mul3A_1360 : vector<16xf32>
      %swap3A_1362 = arith.index_cast %scan3A_36 : i32 to index
      %swap3A_1363 = arith.constant 1760 : index
      %swap3A_1364 = tpu.vector_load %arg6[%swap3A_1362, %swap3A_1363] {strides = array<i32>} : memref<32x2048xf32, #tpu.memory_space<vmem>>, vector<1x16xf32>,
      %swap3A_1365 = vector.shape_cast %swap3A_1364 : vector<1x16xf32> to vector<16xf32>
      %swap3A_1366 = vector.shape_cast %mul3A_1361 : vector<16xf32> to vector<1x16xf32>
      tpu.vector_store %arg6[%swap3A_1362, %swap3A_1363], %swap3A_1366 {strides = array<i32>} : memref<32x2048xf32, #tpu.memory_space<vmem>>, vector<1x16xf32>,
      %get3A_1367 = arith.index_cast %scan3A_36 : i32 to index
      %get3A_1368 = arith.constant 1776 : index
      %get3A_1369 = tpu.vector_load %arg6[%get3A_1367, %get3A_1368] {strides = array<i32>} : memref<32x2048xf32, #tpu.memory_space<vmem>>, vector<1x16xf32>,
      %get3A_1370 = vector.shape_cast %get3A_1369 : vector<1x16xf32> to vector<16xf32>
      %mul3A_1371 = arith.constant 45.2548332 : f32
      %mul3A_1372 = vector.broadcast %mul3A_1371 : f32 to vector<16xf32>
      %mul3A_1373 = arith.mulf %get3A_1370, %mul3A_1372 : vector<16xf32>
      %swap3A_1374 = arith.index_cast %scan3A_36 : i32 to index
      %swap3A_1375 = arith.constant 1776 : index
      %swap3A_1376 = tpu.vector_load %arg6[%swap3A_1374, %swap3A_1375] {strides = array<i32>} : memref<32x2048xf32, #tpu.memory_space<vmem>>, vector<1x16xf32>,
      %swap3A_1377 = vector.shape_cast %swap3A_1376 : vector<1x16xf32> to vector<16xf32>
      %swap3A_1378 = vector.shape_cast %mul3A_1373 : vector<16xf32> to vector<1x16xf32>
      tpu.vector_store %arg6[%swap3A_1374, %swap3A_1375], %swap3A_1378 {strides = array<i32>} : memref<32x2048xf32, #tpu.memory_space<vmem>>, vector<1x16xf32>,
      %get3A_1379 = arith.index_cast %scan3A_36 : i32 to index
      %get3A_1380 = arith.constant 1792 : index
      %get3A_1381 = tpu.vector_load %arg6[%get3A_1379, %get3A_1380] {strides = array<i32>} : memref<32x2048xf32, #tpu.memory_space<vmem>>, vector<1x16xf32>,
      %get3A_1382 = vector.shape_cast %get3A_1381 : vector<1x16xf32> to vector<16xf32>
      %mul3A_1383 = arith.constant 45.2548332 : f32
      %mul3A_1384 = vector.broadcast %mul3A_1383 : f32 to vector<16xf32>
      %mul3A_1385 = arith.mulf %get3A_1382, %mul3A_1384 : vector<16xf32>
      %swap3A_1386 = arith.index_cast %scan3A_36 : i32 to index
      %swap3A_1387 = arith.constant 1792 : index
      %swap3A_1388 = tpu.vector_load %arg6[%swap3A_1386, %swap3A_1387] {strides = array<i32>} : memref<32x2048xf32, #tpu.memory_space<vmem>>, vector<1x16xf32>,
      %swap3A_1389 = vector.shape_cast %swap3A_1388 : vector<1x16xf32> to vector<16xf32>
      %swap3A_1390 = vector.shape_cast %mul3A_1385 : vector<16xf32> to vector<1x16xf32>
      tpu.vector_store %arg6[%swap3A_1386, %swap3A_1387], %swap3A_1390 {strides = array<i32>} : memref<32x2048xf32, #tpu.memory_space<vmem>>, vector<1x16xf32>,
      %get3A_1391 = arith.index_cast %scan3A_36 : i32 to index
      %get3A_1392 = arith.constant 1808 : index
      %get3A_1393 = tpu.vector_load %arg6[%get3A_1391, %get3A_1392] {strides = array<i32>} : memref<32x2048xf32, #tpu.memory_space<vmem>>, vector<1x16xf32>,
      %get3A_1394 = vector.shape_cast %get3A_1393 : vector<1x16xf32> to vector<16xf32>
      %mul3A_1395 = arith.constant 45.2548332 : f32
      %mul3A_1396 = vector.broadcast %mul3A_1395 : f32 to vector<16xf32>
      %mul3A_1397 = arith.mulf %get3A_1394, %mul3A_1396 : vector<16xf32>
      %swap3A_1398 = arith.index_cast %scan3A_36 : i32 to index
      %swap3A_1399 = arith.constant 1808 : index
      %swap3A_1400 = tpu.vector_load %arg6[%swap3A_1398, %swap3A_1399] {strides = array<i32>} : memref<32x2048xf32, #tpu.memory_space<vmem>>, vector<1x16xf32>,
      %swap3A_1401 = vector.shape_cast %swap3A_1400 : vector<1x16xf32> to vector<16xf32>
      %swap3A_1402 = vector.shape_cast %mul3A_1397 : vector<16xf32> to vector<1x16xf32>
      tpu.vector_store %arg6[%swap3A_1398, %swap3A_1399], %swap3A_1402 {strides = array<i32>} : memref<32x2048xf32, #tpu.memory_space<vmem>>, vector<1x16xf32>,
      %get3A_1403 = arith.index_cast %scan3A_36 : i32 to index
      %get3A_1404 = arith.constant 1824 : index
      %get3A_1405 = tpu.vector_load %arg6[%get3A_1403, %get3A_1404] {strides = array<i32>} : memref<32x2048xf32, #tpu.memory_space<vmem>>, vector<1x16xf32>,
      %get3A_1406 = vector.shape_cast %get3A_1405 : vector<1x16xf32> to vector<16xf32>
      %mul3A_1407 = arith.constant 45.2548332 : f32
      %mul3A_1408 = vector.broadcast %mul3A_1407 : f32 to vector<16xf32>
      %mul3A_1409 = arith.mulf %get3A_1406, %mul3A_1408 : vector<16xf32>
      %swap3A_1410 = arith.index_cast %scan3A_36 : i32 to index
      %swap3A_1411 = arith.constant 1824 : index
      %swap3A_1412 = tpu.vector_load %arg6[%swap3A_1410, %swap3A_1411] {strides = array<i32>} : memref<32x2048xf32, #tpu.memory_space<vmem>>, vector<1x16xf32>,
      %swap3A_1413 = vector.shape_cast %swap3A_1412 : vector<1x16xf32> to vector<16xf32>
      %swap3A_1414 = vector.shape_cast %mul3A_1409 : vector<16xf32> to vector<1x16xf32>
      tpu.vector_store %arg6[%swap3A_1410, %swap3A_1411], %swap3A_1414 {strides = array<i32>} : memref<32x2048xf32, #tpu.memory_space<vmem>>, vector<1x16xf32>,
      %get3A_1415 = arith.index_cast %scan3A_36 : i32 to index
      %get3A_1416 = arith.constant 1840 : index
      %get3A_1417 = tpu.vector_load %arg6[%get3A_1415, %get3A_1416] {strides = array<i32>} : memref<32x2048xf32, #tpu.memory_space<vmem>>, vector<1x16xf32>,
      %get3A_1418 = vector.shape_cast %get3A_1417 : vector<1x16xf32> to vector<16xf32>
      %mul3A_1419 = arith.constant 45.2548332 : f32
      %mul3A_1420 = vector.broadcast %mul3A_1419 : f32 to vector<16xf32>
      %mul3A_1421 = arith.mulf %get3A_1418, %mul3A_1420 : vector<16xf32>
      %swap3A_1422 = arith.index_cast %scan3A_36 : i32 to index
      %swap3A_1423 = arith.constant 1840 : index
      %swap3A_1424 = tpu.vector_load %arg6[%swap3A_1422, %swap3A_1423] {strides = array<i32>} : memref<32x2048xf32, #tpu.memory_space<vmem>>, vector<1x16xf32>,
      %swap3A_1425 = vector.shape_cast %swap3A_1424 : vector<1x16xf32> to vector<16xf32>
      %swap3A_1426 = vector.shape_cast %mul3A_1421 : vector<16xf32> to vector<1x16xf32>
      tpu.vector_store %arg6[%swap3A_1422, %swap3A_1423], %swap3A_1426 {strides = array<i32>} : memref<32x2048xf32, #tpu.memory_space<vmem>>, vector<1x16xf32>,
      %get3A_1427 = arith.index_cast %scan3A_36 : i32 to index
      %get3A_1428 = arith.constant 1856 : index
      %get3A_1429 = tpu.vector_load %arg6[%get3A_1427, %get3A_1428] {strides = array<i32>} : memref<32x2048xf32, #tpu.memory_space<vmem>>, vector<1x16xf32>,
      %get3A_1430 = vector.shape_cast %get3A_1429 : vector<1x16xf32> to vector<16xf32>
      %mul3A_1431 = arith.constant 45.2548332 : f32
      %mul3A_1432 = vector.broadcast %mul3A_1431 : f32 to vector<16xf32>
      %mul3A_1433 = arith.mulf %get3A_1430, %mul3A_1432 : vector<16xf32>
      %swap3A_1434 = arith.index_cast %scan3A_36 : i32 to index
      %swap3A_1435 = arith.constant 1856 : index
      %swap3A_1436 = tpu.vector_load %arg6[%swap3A_1434, %swap3A_1435] {strides = array<i32>} : memref<32x2048xf32, #tpu.memory_space<vmem>>, vector<1x16xf32>,
      %swap3A_1437 = vector.shape_cast %swap3A_1436 : vector<1x16xf32> to vector<16xf32>
      %swap3A_1438 = vector.shape_cast %mul3A_1433 : vector<16xf32> to vector<1x16xf32>
      tpu.vector_store %arg6[%swap3A_1434, %swap3A_1435], %swap3A_1438 {strides = array<i32>} : memref<32x2048xf32, #tpu.memory_space<vmem>>, vector<1x16xf32>,
      %get3A_1439 = arith.index_cast %scan3A_36 : i32 to index
      %get3A_1440 = arith.constant 1872 : index
      %get3A_1441 = tpu.vector_load %arg6[%get3A_1439, %get3A_1440] {strides = array<i32>} : memref<32x2048xf32, #tpu.memory_space<vmem>>, vector<1x16xf32>,
      %get3A_1442 = vector.shape_cast %get3A_1441 : vector<1x16xf32> to vector<16xf32>
      %mul3A_1443 = arith.constant 45.2548332 : f32
      %mul3A_1444 = vector.broadcast %mul3A_1443 : f32 to vector<16xf32>
      %mul3A_1445 = arith.mulf %get3A_1442, %mul3A_1444 : vector<16xf32>
      %swap3A_1446 = arith.index_cast %scan3A_36 : i32 to index
      %swap3A_1447 = arith.constant 1872 : index
      %swap3A_1448 = tpu.vector_load %arg6[%swap3A_1446, %swap3A_1447] {strides = array<i32>} : memref<32x2048xf32, #tpu.memory_space<vmem>>, vector<1x16xf32>,
      %swap3A_1449 = vector.shape_cast %swap3A_1448 : vector<1x16xf32> to vector<16xf32>
      %swap3A_1450 = vector.shape_cast %mul3A_1445 : vector<16xf32> to vector<1x16xf32>
      tpu.vector_store %arg6[%swap3A_1446, %swap3A_1447], %swap3A_1450 {strides = array<i32>} : memref<32x2048xf32, #tpu.memory_space<vmem>>, vector<1x16xf32>,
      %get3A_1451 = arith.index_cast %scan3A_36 : i32 to index
      %get3A_1452 = arith.constant 1888 : index
      %get3A_1453 = tpu.vector_load %arg6[%get3A_1451, %get3A_1452] {strides = array<i32>} : memref<32x2048xf32, #tpu.memory_space<vmem>>, vector<1x16xf32>,
      %get3A_1454 = vector.shape_cast %get3A_1453 : vector<1x16xf32> to vector<16xf32>
      %mul3A_1455 = arith.constant 45.2548332 : f32
      %mul3A_1456 = vector.broadcast %mul3A_1455 : f32 to vector<16xf32>
      %mul3A_1457 = arith.mulf %get3A_1454, %mul3A_1456 : vector<16xf32>
      %swap3A_1458 = arith.index_cast %scan3A_36 : i32 to index
      %swap3A_1459 = arith.constant 1888 : index
      %swap3A_1460 = tpu.vector_load %arg6[%swap3A_1458, %swap3A_1459] {strides = array<i32>} : memref<32x2048xf32, #tpu.memory_space<vmem>>, vector<1x16xf32>,
      %swap3A_1461 = vector.shape_cast %swap3A_1460 : vector<1x16xf32> to vector<16xf32>
      %swap3A_1462 = vector.shape_cast %mul3A_1457 : vector<16xf32> to vector<1x16xf32>
      tpu.vector_store %arg6[%swap3A_1458, %swap3A_1459], %swap3A_1462 {strides = array<i32>} : memref<32x2048xf32, #tpu.memory_space<vmem>>, vector<1x16xf32>,
      %get3A_1463 = arith.index_cast %scan3A_36 : i32 to index
      %get3A_1464 = arith.constant 1904 : index
      %get3A_1465 = tpu.vector_load %arg6[%get3A_1463, %get3A_1464] {strides = array<i32>} : memref<32x2048xf32, #tpu.memory_space<vmem>>, vector<1x16xf32>,
      %get3A_1466 = vector.shape_cast %get3A_1465 : vector<1x16xf32> to vector<16xf32>
      %mul3A_1467 = arith.constant 45.2548332 : f32
      %mul3A_1468 = vector.broadcast %mul3A_1467 : f32 to vector<16xf32>
      %mul3A_1469 = arith.mulf %get3A_1466, %mul3A_1468 : vector<16xf32>
      %swap3A_1470 = arith.index_cast %scan3A_36 : i32 to index
      %swap3A_1471 = arith.constant 1904 : index
      %swap3A_1472 = tpu.vector_load %arg6[%swap3A_1470, %swap3A_1471] {strides = array<i32>} : memref<32x2048xf32, #tpu.memory_space<vmem>>, vector<1x16xf32>,
      %swap3A_1473 = vector.shape_cast %swap3A_1472 : vector<1x16xf32> to vector<16xf32>
      %swap3A_1474 = vector.shape_cast %mul3A_1469 : vector<16xf32> to vector<1x16xf32>
      tpu.vector_store %arg6[%swap3A_1470, %swap3A_1471], %swap3A_1474 {strides = array<i32>} : memref<32x2048xf32, #tpu.memory_space<vmem>>, vector<1x16xf32>,
      %get3A_1475 = arith.index_cast %scan3A_36 : i32 to index
      %get3A_1476 = arith.constant 1920 : index
      %get3A_1477 = tpu.vector_load %arg6[%get3A_1475, %get3A_1476] {strides = array<i32>} : memref<32x2048xf32, #tpu.memory_space<vmem>>, vector<1x16xf32>,
      %get3A_1478 = vector.shape_cast %get3A_1477 : vector<1x16xf32> to vector<16xf32>
      %mul3A_1479 = arith.constant 45.2548332 : f32
      %mul3A_1480 = vector.broadcast %mul3A_1479 : f32 to vector<16xf32>
      %mul3A_1481 = arith.mulf %get3A_1478, %mul3A_1480 : vector<16xf32>
      %swap3A_1482 = arith.index_cast %scan3A_36 : i32 to index
      %swap3A_1483 = arith.constant 1920 : index
      %swap3A_1484 = tpu.vector_load %arg6[%swap3A_1482, %swap3A_1483] {strides = array<i32>} : memref<32x2048xf32, #tpu.memory_space<vmem>>, vector<1x16xf32>,
      %swap3A_1485 = vector.shape_cast %swap3A_1484 : vector<1x16xf32> to vector<16xf32>
      %swap3A_1486 = vector.shape_cast %mul3A_1481 : vector<16xf32> to vector<1x16xf32>
      tpu.vector_store %arg6[%swap3A_1482, %swap3A_1483], %swap3A_1486 {strides = array<i32>} : memref<32x2048xf32, #tpu.memory_space<vmem>>, vector<1x16xf32>,
      %get3A_1487 = arith.index_cast %scan3A_36 : i32 to index
      %get3A_1488 = arith.constant 1936 : index
      %get3A_1489 = tpu.vector_load %arg6[%get3A_1487, %get3A_1488] {strides = array<i32>} : memref<32x2048xf32, #tpu.memory_space<vmem>>, vector<1x16xf32>,
      %get3A_1490 = vector.shape_cast %get3A_1489 : vector<1x16xf32> to vector<16xf32>
      %mul3A_1491 = arith.constant 45.2548332 : f32
      %mul3A_1492 = vector.broadcast %mul3A_1491 : f32 to vector<16xf32>
      %mul3A_1493 = arith.mulf %get3A_1490, %mul3A_1492 : vector<16xf32>
      %swap3A_1494 = arith.index_cast %scan3A_36 : i32 to index
      %swap3A_1495 = arith.constant 1936 : index
      %swap3A_1496 = tpu.vector_load %arg6[%swap3A_1494, %swap3A_1495] {strides = array<i32>} : memref<32x2048xf32, #tpu.memory_space<vmem>>, vector<1x16xf32>,
      %swap3A_1497 = vector.shape_cast %swap3A_1496 : vector<1x16xf32> to vector<16xf32>
      %swap3A_1498 = vector.shape_cast %mul3A_1493 : vector<16xf32> to vector<1x16xf32>
      tpu.vector_store %arg6[%swap3A_1494, %swap3A_1495], %swap3A_1498 {strides = array<i32>} : memref<32x2048xf32, #tpu.memory_space<vmem>>, vector<1x16xf32>,
      %get3A_1499 = arith.index_cast %scan3A_36 : i32 to index
      %get3A_1500 = arith.constant 1952 : index
      %get3A_1501 = tpu.vector_load %arg6[%get3A_1499, %get3A_1500] {strides = array<i32>} : memref<32x2048xf32, #tpu.memory_space<vmem>>, vector<1x16xf32>,
      %get3A_1502 = vector.shape_cast %get3A_1501 : vector<1x16xf32> to vector<16xf32>
      %mul3A_1503 = arith.constant 45.2548332 : f32
      %mul3A_1504 = vector.broadcast %mul3A_1503 : f32 to vector<16xf32>
      %mul3A_1505 = arith.mulf %get3A_1502, %mul3A_1504 : vector<16xf32>
      %swap3A_1506 = arith.index_cast %scan3A_36 : i32 to index
      %swap3A_1507 = arith.constant 1952 : index
      %swap3A_1508 = tpu.vector_load %arg6[%swap3A_1506, %swap3A_1507] {strides = array<i32>} : memref<32x2048xf32, #tpu.memory_space<vmem>>, vector<1x16xf32>,
      %swap3A_1509 = vector.shape_cast %swap3A_1508 : vector<1x16xf32> to vector<16xf32>
      %swap3A_1510 = vector.shape_cast %mul3A_1505 : vector<16xf32> to vector<1x16xf32>
      tpu.vector_store %arg6[%swap3A_1506, %swap3A_1507], %swap3A_1510 {strides = array<i32>} : memref<32x2048xf32, #tpu.memory_space<vmem>>, vector<1x16xf32>,
      %get3A_1511 = arith.index_cast %scan3A_36 : i32 to index
      %get3A_1512 = arith.constant 1968 : index
      %get3A_1513 = tpu.vector_load %arg6[%get3A_1511, %get3A_1512] {strides = array<i32>} : memref<32x2048xf32, #tpu.memory_space<vmem>>, vector<1x16xf32>,
      %get3A_1514 = vector.shape_cast %get3A_1513 : vector<1x16xf32> to vector<16xf32>
      %mul3A_1515 = arith.constant 45.2548332 : f32
      %mul3A_1516 = vector.broadcast %mul3A_1515 : f32 to vector<16xf32>
      %mul3A_1517 = arith.mulf %get3A_1514, %mul3A_1516 : vector<16xf32>
      %swap3A_1518 = arith.index_cast %scan3A_36 : i32 to index
      %swap3A_1519 = arith.constant 1968 : index
      %swap3A_1520 = tpu.vector_load %arg6[%swap3A_1518, %swap3A_1519] {strides = array<i32>} : memref<32x2048xf32, #tpu.memory_space<vmem>>, vector<1x16xf32>,
      %swap3A_1521 = vector.shape_cast %swap3A_1520 : vector<1x16xf32> to vector<16xf32>
      %swap3A_1522 = vector.shape_cast %mul3A_1517 : vector<16xf32> to vector<1x16xf32>
      tpu.vector_store %arg6[%swap3A_1518, %swap3A_1519], %swap3A_1522 {strides = array<i32>} : memref<32x2048xf32, #tpu.memory_space<vmem>>, vector<1x16xf32>,
      %get3A_1523 = arith.index_cast %scan3A_36 : i32 to index
      %get3A_1524 = arith.constant 1984 : index
      %get3A_1525 = tpu.vector_load %arg6[%get3A_1523, %get3A_1524] {strides = array<i32>} : memref<32x2048xf32, #tpu.memory_space<vmem>>, vector<1x16xf32>,
      %get3A_1526 = vector.shape_cast %get3A_1525 : vector<1x16xf32> to vector<16xf32>
      %mul3A_1527 = arith.constant 45.2548332 : f32
      %mul3A_1528 = vector.broadcast %mul3A_1527 : f32 to vector<16xf32>
      %mul3A_1529 = arith.mulf %get3A_1526, %mul3A_1528 : vector<16xf32>
      %swap3A_1530 = arith.index_cast %scan3A_36 : i32 to index
      %swap3A_1531 = arith.constant 1984 : index
      %swap3A_1532 = tpu.vector_load %arg6[%swap3A_1530, %swap3A_1531] {strides = array<i32>} : memref<32x2048xf32, #tpu.memory_space<vmem>>, vector<1x16xf32>,
      %swap3A_1533 = vector.shape_cast %swap3A_1532 : vector<1x16xf32> to vector<16xf32>
      %swap3A_1534 = vector.shape_cast %mul3A_1529 : vector<16xf32> to vector<1x16xf32>
      tpu.vector_store %arg6[%swap3A_1530, %swap3A_1531], %swap3A_1534 {strides = array<i32>} : memref<32x2048xf32, #tpu.memory_space<vmem>>, vector<1x16xf32>,
      %get3A_1535 = arith.index_cast %scan3A_36 : i32 to index
      %get3A_1536 = arith.constant 2000 : index
      %get3A_1537 = tpu.vector_load %arg6[%get3A_1535, %get3A_1536] {strides = array<i32>} : memref<32x2048xf32, #tpu.memory_space<vmem>>, vector<1x16xf32>,
      %get3A_1538 = vector.shape_cast %get3A_1537 : vector<1x16xf32> to vector<16xf32>
      %mul3A_1539 = arith.constant 45.2548332 : f32
      %mul3A_1540 = vector.broadcast %mul3A_1539 : f32 to vector<16xf32>
      %mul3A_1541 = arith.mulf %get3A_1538, %mul3A_1540 : vector<16xf32>
      %swap3A_1542 = arith.index_cast %scan3A_36 : i32 to index
      %swap3A_1543 = arith.constant 2000 : index
      %swap3A_1544 = tpu.vector_load %arg6[%swap3A_1542, %swap3A_1543] {strides = array<i32>} : memref<32x2048xf32, #tpu.memory_space<vmem>>, vector<1x16xf32>,
      %swap3A_1545 = vector.shape_cast %swap3A_1544 : vector<1x16xf32> to vector<16xf32>
      %swap3A_1546 = vector.shape_cast %mul3A_1541 : vector<16xf32> to vector<1x16xf32>
      tpu.vector_store %arg6[%swap3A_1542, %swap3A_1543], %swap3A_1546 {strides = array<i32>} : memref<32x2048xf32, #tpu.memory_space<vmem>>, vector<1x16xf32>,
      %get3A_1547 = arith.index_cast %scan3A_36 : i32 to index
      %get3A_1548 = arith.constant 2016 : index
      %get3A_1549 = tpu.vector_load %arg6[%get3A_1547, %get3A_1548] {strides = array<i32>} : memref<32x2048xf32, #tpu.memory_space<vmem>>, vector<1x16xf32>,
      %get3A_1550 = vector.shape_cast %get3A_1549 : vector<1x16xf32> to vector<16xf32>
      %mul3A_1551 = arith.constant 45.2548332 : f32
      %mul3A_1552 = vector.broadcast %mul3A_1551 : f32 to vector<16xf32>
      %mul3A_1553 = arith.mulf %get3A_1550, %mul3A_1552 : vector<16xf32>
      %swap3A_1554 = arith.index_cast %scan3A_36 : i32 to index
      %swap3A_1555 = arith.constant 2016 : index
      %swap3A_1556 = tpu.vector_load %arg6[%swap3A_1554, %swap3A_1555] {strides = array<i32>} : memref<32x2048xf32, #tpu.memory_space<vmem>>, vector<1x16xf32>,
      %swap3A_1557 = vector.shape_cast %swap3A_1556 : vector<1x16xf32> to vector<16xf32>
      %swap3A_1558 = vector.shape_cast %mul3A_1553 : vector<16xf32> to vector<1x16xf32>
      tpu.vector_store %arg6[%swap3A_1554, %swap3A_1555], %swap3A_1558 {strides = array<i32>} : memref<32x2048xf32, #tpu.memory_space<vmem>>, vector<1x16xf32>,
      %get3A_1559 = arith.index_cast %scan3A_36 : i32 to index
      %get3A_1560 = arith.constant 2032 : index
      %get3A_1561 = tpu.vector_load %arg6[%get3A_1559, %get3A_1560] {strides = array<i32>} : memref<32x2048xf32, #tpu.memory_space<vmem>>, vector<1x16xf32>,
      %get3A_1562 = vector.shape_cast %get3A_1561 : vector<1x16xf32> to vector<16xf32>
      %mul3A_1563 = arith.constant 45.2548332 : f32
      %mul3A_1564 = vector.broadcast %mul3A_1563 : f32 to vector<16xf32>
      %mul3A_1565 = arith.mulf %get3A_1562, %mul3A_1564 : vector<16xf32>
      %swap3A_1566 = arith.index_cast %scan3A_36 : i32 to index
      %swap3A_1567 = arith.constant 2032 : index
      %swap3A_1568 = tpu.vector_load %arg6[%swap3A_1566, %swap3A_1567] {strides = array<i32>} : memref<32x2048xf32, #tpu.memory_space<vmem>>, vector<1x16xf32>,
      %swap3A_1569 = vector.shape_cast %swap3A_1568 : vector<1x16xf32> to vector<16xf32>
      %swap3A_1570 = vector.shape_cast %mul3A_1565 : vector<16xf32> to vector<1x16xf32>
      tpu.vector_store %arg6[%swap3A_1566, %swap3A_1567], %swap3A_1570 {strides = array<i32>} : memref<32x2048xf32, #tpu.memory_space<vmem>>, vector<1x16xf32>,
    }
    %scan3A_28 = arith.constant 25 : i32
    %mul3A_29 = arith.constant 968 : i32
    %mul3A_30 = arith.muli %select_n3A, %mul3A_29 : i32
    %add3A_31 = arith.constant 768 : i32
    %add3A_32 = arith.addi %mul3A_30, %add3A_31 : i32
    %mul3A_33 = arith.constant 25 : i32
    %mul3A_34 = arith.muli %sub3A_19, %mul3A_33 : i32
    %add3A_35 = arith.addi %add3A_32, %mul3A_34 : i32
    "tpu.region"() ({
      %run_scoped3A = tpu.sem_alloc : memref<!tpu.dma_semaphore, #tpu.memory_space<semaphore_mem>>
      %dma_start3A_36 = arith.constant 0 : i32
      %dma_start3A_37 = arith.constant 0 : i32
      %dma_start3A_38 = tpu.memref_slice %arg6[%dma_start3A_36, %dma_start3A_37] : memref<32x2048xf32, #tpu.memory_space<vmem>> -> memref<25x2048xf32, #tpu.memory_space<vmem>>
      %dma_start3A_39 = arith.constant 0 : i32
      %dma_start3A_40 = tpu.memref_slice %arg4[%add3A_35, %dma_start3A_39] : memref<3872x2048xf32, #tpu.memory_space<hbm>> -> memref<25x2048xf32, #tpu.memory_space<hbm>>
      %dma_start3A_41 = arith.constant 0 : i32
      %dma_start3A_42 = tpu.memref_slice %arg4[%add3A_35, %dma_start3A_41] : memref<3872x2048xf32, #tpu.memory_space<hbm>> -> memref<25x2048xf32, #tpu.memory_space<hbm>>
      %dma_start3A_43 = arith.constant 0 : i32
      %dma_start3A_44 = arith.constant 0 : i32
      %dma_start3A_45 = tpu.memref_slice %arg6[%dma_start3A_43, %dma_start3A_44] : memref<32x2048xf32, #tpu.memory_space<vmem>> -> memref<25x2048xf32, #tpu.memory_space<vmem>>
      tpu.enqueue_dma source(%dma_start3A_45 : memref<25x2048xf32, #tpu.memory_space<vmem>>) target(%dma_start3A_42 : memref<25x2048xf32, #tpu.memory_space<hbm>>) target_semaphore(%run_scoped3A : memref<!tpu.dma_semaphore, #tpu.memory_space<semaphore_mem>>)
      %dma_wait3A_46 = arith.constant 0 : i32
      %dma_wait3A_47 = arith.constant 0 : i32
      %dma_wait3A_48 = tpu.memref_slice %arg6[%dma_wait3A_46, %dma_wait3A_47] : memref<32x2048xf32, #tpu.memory_space<vmem>> -> memref<25x2048xf32, #tpu.memory_space<vmem>>
      %dma_wait3A_49 = arith.constant 0 : i32
      %dma_wait3A_50 = tpu.memref_slice %arg4[%add3A_35, %dma_wait3A_49] : memref<3872x2048xf32, #tpu.memory_space<hbm>> -> memref<25x2048xf32, #tpu.memory_space<hbm>>
      %dma_wait3A_51 = arith.constant 0 : i32
      %dma_wait3A_52 = tpu.memref_slice %arg4[%add3A_35, %dma_wait3A_51] : memref<3872x2048xf32, #tpu.memory_space<hbm>> -> memref<25x2048xf32, #tpu.memory_space<hbm>>
      %dma_wait3A_53 = arith.constant 0 : i32
      %dma_wait3A_54 = arith.constant 0 : i32
      %dma_wait3A_55 = tpu.memref_slice %arg6[%dma_wait3A_53, %dma_wait3A_54] : memref<32x2048xf32, #tpu.memory_space<vmem>> -> memref<25x2048xf32, #tpu.memory_space<vmem>>
      tpu.wait_dma2 semaphore(%run_scoped3A : memref<!tpu.dma_semaphore, #tpu.memory_space<semaphore_mem>>) src(%dma_wait3A_55 : memref<25x2048xf32, #tpu.memory_space<vmem>>) dst(%dma_wait3A_52 : memref<25x2048xf32, #tpu.memory_space<hbm>>)
      tpu.yield
    }) : () -> ()
    return
  }
}

</mosaic_0001>

<sc_bundles>
// kernel: _sc_gather.3.cloned.1.call-start
scs
__scs_entry_jumppad:
0x0: {  	(pc) =	sbr.rel $0x88, $3  }
0x1: {  	(tag) =	ssettag $0x0;
	lr =	simm.s32 $0x1  }
0x2: {  	[smem:$0x3F9F] =	sst lr;
	_ =	strace $0xD0000000  }
0x3: {  	_ = 	snop  }
0x4: {  	_ = 	snop  }
0x5: {  	_ = 	snop  }
0x6: {  	_ = 	snop  }
0x7: {  	_ = 	snop  }
__scs_overlays_trampoline_lowered:
0x8: {  	[smem:$0x3FAE] =	sst s0  }
0x9: {  	[smem:$0x3FAF] =	sst s1  }
0xa: {  	[smem:$0x3FB0] =	sst s2  }
0xb: {  	[smem:$0x3FB1] =	sst s3  }
0xc: {  	[smem:$0x3FB2] =	sst s4  }
0xd: {  	[smem:$0x3FB3] =	sst s5  }
0xe: {  	[smem:$0x3FB4] =	sst s6  }
0xf: {  	[smem:$0x3FB5] =	sst s7  }
0x10: {  	[smem:$0x3FB6] =	sst s8  }
0x11: {  	[smem:$0x3FB7] =	sst s9;
	s0 =	simm.s32 @!p0 $0x0  }
0x12: {  	s1 =	sld [smem:$0x3F9D];
	s0 =	simm.s32 @p0 $0x1  }
0x13: {  	[smem:$0x3FB8] =	sst s0;
	s0 =	simm.s32 @!p1 $0x0  }
0x14: {  	s2 =	sld [smem:$0x3F9C];
	s0 =	simm.s32 @p1 $0x1  }
0x15: {  	[smem:$0x3FB9] =	sst s0;
	s0 =	simm.s32 @!p2 $0x0  }
0x16: {  	s3 =	sld [smem:$0x3FDB];
	s0 =	simm.s32 @p2 $0x1  }
0x17: {  	s4 =	simm.s32 $0x1BF5;
	[smem:$0x3FBB] =	sst s0  }
0x18: {  	s0 =	sld [smem:$0x3F9E];
	_ =	swait.ge [sflag:s4], $0x0  }
0x19: {  	s7 =	sld [smem:$0x3F9F]  }
0x1a: {  	s8 =	sadd.s32 $0xFFFFE003, lr  }
0x1b: {  	s9 =	sadd.s32 $0xFFFFFEF7, lr;
	s5 =	simm.s32 $0xFFFFFFFF;
	p2 =	slt.u32 s8, $0xFFFFF086  }
0x1c: {  	p1 =	slt.u32 s9, $0xF7A;
	s5 =	simm.s32 @!p2 $0x0  }
0x1d: {  	s5 =	simm.s32 @p1 $0x1;
	p0 =	seq.s32 s7, s2  }
0x1e: {  	s7 =	smul.u32 @!p0 $0xF7A, s2;
	p2 =	seq.s32 @!p0 s5, $0x0  }
0x1f: {  	s9 =	smul.u32 $0xF7A, s1;
	s8 =	simm.s32 @!p0 $0x1BF5;
	p2 =	por !p2, p0  }
0x20: {  	[sflag:s8] =	ssyncset.s32 @!p0 $0xFFFFF086;
	s6 =	sadd.s32 @!p0 s3, s7;
	s7 =	simm.s32 @!p0 $0x108  }
0x21: {  	s3 =	sadd.s32 s3, s9;
	s6 =	sadd.s32 @!p0 $0x88, s6;
	s7 =	simm.s32 @p2 $0x1082  }
0x22: {  	[simem:s7], [sflag:s8] =	dma.local @!p0 [hbm:s6], $0xF7A  }
0x23: {  	s9 =	sor.u32 $0xD0000000, s2;
	s6 =	simm.s32 $0x108;
	_ =	swait.ge @!p0 [sflag:s8], $0x0  }
0x24: {  	s3 =	sadd.s32 $0x88, s3;
	s6 =	simm.s32 @!p1 $0x1082;
	[sflag:s4] =	ssyncset.s32 $0xFFFFF086  }
0x25: {  	[simem:s6], [sflag:s4] =	dma.local [hbm:s3], $0xF7A  }
0x26: {  	[smem:$0x3F9F] =	sst s1;
	(tag) =	ssettag s2;
	_ =	strace s9  }
0x27: {  	s1 =	sld [smem:$0x3FAF]  }
0x28: {  	s2 =	sld [smem:$0x3FB0]  }
0x29: {  	s4 =	sld [smem:$0x3FB2]  }
0x2a: {  	p0 =	seq.s32 s5, $0x0;
	s5 =	sld [smem:$0x3FB3]  }
0x2b: {  	s6 =	sld [smem:$0x3FB4]  }
0x2c: {  	s7 =	sld [smem:$0x3FB5]  }
0x2d: {  	s3 =	simm.s32 $0x108;
	s8 =	sld [smem:$0x3FB6]  }
0x2e: {  	s3 =	simm.s32 @!p0 $0x1082;
	s9 =	sld [smem:$0x3FB7]  }
0x2f: {  	lr =	sadd.s32 s0, s3;
	s0 =	sld [smem:$0x3FAE]  }
0x30: {  	s3 =	sld [smem:$0x3FB1]  }
0x31: {  	[smem:$0x3FBA] =	sst s10  }
0x32: {  	s10 =	sld [smem:$0x3FB8];
	_ =	sdelay $0x3  }
0x33: {  	p0 =	seq.s32 s10, $0x1;
	s10 =	sld [smem:$0x3FBA];
	_ =	sdelay $0x3  }
0x34: {  	[smem:$0x3FBA] =	sst s10  }
0x35: {  	s10 =	sld [smem:$0x3FB9];
	_ =	sdelay $0x3  }
0x36: {  	p1 =	seq.s32 s10, $0x1;
	s10 =	sld [smem:$0x3FBA];
	_ =	sdelay $0x3  }
0x37: {  	[smem:$0x3FBA] =	sst s10  }
0x38: {  	s10 =	sld [smem:$0x3FBB]  }
0x39: {  	_ = 	snop;
	(pc) =	sbr.ind lr, $3  }
0x3a: {  	_ = 	snop  }
0x3b: {  	_ = 	snop  }
0x3c: {  	p2 =	seq.s32 s10, $0x1;
	s10 =	sld [smem:$0x3FBA]  }
0x3d: {  	_ =	shalt  }
0x3e: {  	_ =	shalt  }
0x3f: {  	_ =	shalt  }
0x40: {  	_ =	shalt  }
0x41: {  	_ =	shalt  }
0x42: {  	_ =	shalt  }
0x43: {  	_ =	shalt  }
0x44: {  	_ =	shalt  }
0x45: {  	_ =	shalt  }
0x46: {  	_ =	shalt  }
0x47: {  	_ =	shalt  }
0x48: {  	_ =	shalt  }
0x49: {  	_ =	shalt  }
0x4a: {  	_ =	shalt  }
0x4b: {  	_ =	shalt  }
0x4c: {  	_ =	shalt  }
0x4d: {  	_ =	shalt  }
0x4e: {  	_ =	shalt  }
0x4f: {  	_ =	shalt  }
0x50: {  	_ =	shalt  }
0x51: {  	_ =	shalt  }
0x52: {  	_ =	shalt  }
0x53: {  	_ =	shalt  }
0x54: {  	_ =	shalt  }
0x55: {  	_ =	shalt  }
0x56: {  	_ =	shalt  }
0x57: {  	_ =	shalt  }
0x58: {  	_ =	shalt  }
0x59: {  	_ =	shalt  }
0x5a: {  	_ =	shalt  }
0x5b: {  	_ =	shalt  }
0x5c: {  	_ =	shalt  }
0x5d: {  	_ =	shalt  }
0x5e: {  	_ =	shalt  }
0x5f: {  	_ =	shalt  }
0x60: {  	_ =	shalt  }
0x61: {  	_ =	shalt  }
0x62: {  	_ =	shalt  }
0x63: {  	_ =	shalt  }
0x64: {  	_ =	shalt  }
0x65: {  	_ =	shalt  }
0x66: {  	_ =	shalt  }
0x67: {  	_ =	shalt  }
0x68: {  	_ =	shalt  }
0x69: {  	_ =	shalt  }
0x6a: {  	_ =	shalt  }
0x6b: {  	_ =	shalt  }
0x6c: {  	_ =	shalt  }
0x6d: {  	_ =	shalt  }
0x6e: {  	_ =	shalt  }
0x6f: {  	_ =	shalt  }
0x70: {  	_ =	shalt  }
0x71: {  	_ =	shalt  }
0x72: {  	_ =	shalt  }
0x73: {  	_ =	shalt  }
0x74: {  	_ =	shalt  }
0x75: {  	_ =	shalt  }
0x76: {  	_ =	shalt  }
0x77: {  	_ =	shalt  }
0x78: {  	_ =	shalt  }
0x79: {  	_ =	shalt  }
0x7a: {  	_ =	shalt  }
0x7b: {  	_ =	shalt  }
0x7c: {  	_ =	shalt  }
0x7d: {  	_ =	shalt  }
0x7e: {  	_ =	shalt  }
0x7f: {  	_ =	shalt  }
0x80: {  	_ =	shalt  }
0x81: {  	_ =	shalt  }
0x82: {  	_ =	shalt  }
0x83: {  	_ =	shalt  }
0x84: {  	_ =	shalt  }
0x85: {  	_ =	shalt  }
0x86: {  	_ =	shalt  }
0x87: {  	_ =	shalt  }
.Lfunc_end0:
.L_simem_size_0:
called_computation.1_lowered:
.L_overlay_start_0:
0x88: {  	s2 =	sld [smem:$0x3FD9]  }
0x89: {  	s3 =	sld [smem:$0x3FFE];
	_ =	sdelay $0x1  }
0x8a: {  	s1 =	srdreg.scid  }
0x8b: {  	s0 =	sand.u32 $0x1, s1  }
0x8c: {  	s17 =	sshll.u32 s0, $0xA;
	s2 =	sadd.s32 s3, s2  }
0x8d: {  	s2 =	sadd.s32 s2, s17  }
0x8e: {  	[smem:$0x3FC6] =	sst s2  }
0x8f: {  	_ = 	snop  }
0x90: {  	s2 =	sld [smem:$0x3FD0];
	(tm) =	ssettm $0x1  }
0x91: {  	s18 =	sld [smem:$0x3FFB];
	_ =	sdelay $0x3  }
0x92: {  	_ =	strace s18  }
0x93: {  	s3 =	sld [smem:$0x3FFC];
	_ =	sdelay $0x3  }
0x94: {  	_ =	strace s3  }
0x95: {  	s3 =	sld [smem:$0x3FFD];
	_ =	sdelay $0x3  }
0x96: {  	_ =	strace s3  }
0x97: {  	_ =	strace $0x8FFFFFFF  }
0x98: {  	s19 =	sld [smem:$0x3FDB];
	_ =	sdelay $0x1  }
0x99: {  	s4 =	simm.s32 $_scs_section_size  }
0x9a: {  	s5 =	simm.s32 $_size__tile_overlayer_lowered;
	s6 =	simm.s32 $_tile_overlayer_lowered  }
0x9b: {  	s22 =	simm.s32 $0x1BFF;
	s21 =	sshll.u32 s6, $0x1;
	s3 =	sadd.s32 s4, s19  }
0x9c: {  	s7 =	simm.s32 $0x0;
	s20 =	sshll.u32 s5, $0x1;
	s5 =	sadd.s32 s21, s3  }
0x9d: {  	[timem:s7], [sflag:s22] =	dma.local [hbm:s5], s20  }
0x9e: {  	_ =	swait.ge [sflag:s22], s20  }
0x9f: {  	s4 =	ssub.s32 $0x0, s20;
	[sflag:s22] =	ssyncset.done $0x0  }
0xa0: {  	[sflag:s22] =	ssyncadd.s32 s4;
	_ =	sdelay $0x1  }
0xa1: {  	s23 =	simm.s32 $0x1B8B  }
0xa2: {  	_ =	swait.ge [sflag:s23], $0x1  }
0xa3: {  	[sflag:s23] =	ssyncset.done $0x0  }
0xa4: {  	s25 =	simm.s32 $0x1B8E;
	s24 =	sld [smem:$0x3FFE];
	[sflag:s23] =	ssyncadd.s32 $0xFFFFFFFF  }
0xa5: {  	s26 =	simm.s32 $execute0_lowered;
	[smem:$0x3FD2] =	sst s25  }
0xa6: {  	s5 =	sshll.u32 s26, $0x1;
	_ =	strace $0x80000049;
	[dreg:$0x1] =	wrdreg $0xFFFFFFFF  }
0xa7: {  	s28 =	simm.s32 $_size_execute0_lowered;
	s3 =	sadd.s32 s3, s5;
	[dreg:$0x0] =	wrdreg $0x0  }
0xa8: {  	s5 =	sshll.u32 s28, $0x1;
	[dreg:$0x2] =	wrdreg s3  }
0xa9: {  	[dreg:$0x3] =	wrdreg s5  }
0xaa: {  	[dreg:$0x4] =	wrdreg $0xC0  }
0xab: {  	_ =	task [dreg:s7], $0x5FFFF  }
0xac: {  	[dreg:$0x1] =	wrdreg $0xFFFFFFFF  }
0xad: {  	[dreg:$0x0] =	wrdreg $0x60  }
0xae: {  	[dreg:$0x2] =	wrdreg s2  }
0xaf: {  	[dreg:$0x3] =	wrdreg s24  }
0xb0: {  	[dreg:$0x4] =	wrdreg $0x9  }
0xb1: {  	_ =	task.clear_ibuf [dreg:s7], $0x5FFFF;
	_ =	strace $0x90000049  }
0xb2: {  	s29 =	simm.s32 $0x9;
	_ =	strace $0x8000004B  }
0xb3: {  	_ =	swait.ge [sflag:s29], $0x1  }
0xb4: {  	[sflag:s29] =	ssyncadd.s32 $0xFFFFFFFF  }
0xb5: {  	_ =	strace $0x9000004B  }
0xb6: {  	_ =	sfence  }
0xb7: {  	s30 =	sld [smem:$0x0];
	_ =	sdelay $0x2  }
0xb8: {  	s31 =	sshll.u32 s1, $0xD;
	s1 =	sshrl.u32 s1, $0x2  }
0xb9: {  	s3 =	sand.u32 $0x4000, s31;
	s1 =	sadd.s32 s1, s30  }
0xba: {  	s0 =	sor.u32 s3, s0;
	s1 =	sshll.u32 s1, $0x11  }
0xbb: {  	s0 =	sor.u32 s1, s0  }
0xbc: {  	s0 =	sadd.s32 $0x8F2B, s0  }
0xbd: {  	[sflag:s0] =	ssyncadd.remote.s32 $0x1  }
0xbe: {  	_ =	sfence.sel $0xFFFF  }
0xbf: {  	[dreg:$0x0] =	wrdreg $0xFFFFFFFF;
	(pc) =	sbr.abs _section_cstart, $3  }
0xc0: {  	[dreg:$0x1] =	wrdreg $0xFFFFFFFF  }
0xc1: {  	_ =	task.clear_ibuf [dreg:s7], $0x2FFFF;
	_ =	strace $0x9FFFFFFF  }
0xc2: {  	(tm) =	ssettm $0x7FFFFFFF  }
0xc3: {  	_ =	shalt  }
tec
execute0_lowered:
.L_overlay_start_1:
0x0: {  	(tag) =	ssettag $0x1  }
0x1: {  	s1 =	srdreg.scid;
	s0 =	stileid.u32  }
0x2: {  	s4 =	sand.u32 $0x1, s1;
	s29 =	sshll.u32 s0, $0x1;
	s2 =	sshrl.u32 s0, $0x2  }
0x3: {  	s5 =	sor.u32 s4, s29;
	s30 =	sshll.u32 s2, $0x3  }
0x4: {  	s6 =	rddreg [dreg:$0x0];
	s3 =	smul.u32 $0x3C8, s2;
	s1 =	ssub.s32 s5, s30  }
0x5: {  	s7 =	rddreg [dreg:$0x1];
	s8 =	smul.u32 $0x19, s1  }
0x6: {  	s10 =	simm.s32 $0x0;
	s2 =	simm.s32 $0x0;
	s4 =	ssub.s32 $0x2, s4  }
0x7: {  	[smem:$0x7FF] =	sst s2;
	s9 =	sshrl.u32 s4, $0x1;
	s3 =	sadd.s32 s8, s3  }
0x8: {  	s5 =	sshll.u32 s5, $0x2;
	s1 =	rddreg [dreg:$0x2];
	s8 =	sshll.u32 s3, $0x8  }
0x9: {  	_ =	strace $0x8000004A;
	s31 =	ssub.s32 s4, s9;
	s8 =	sadd.s32 $0x30000, s8  }
0xa: {  	s4 =	sadd.s32 s6, s5;
	s9 =	simm.s32 $0x1;
	s8 =	sand.u32 $0x1FFFFF00, s8  }
0xb: {  	s6 =	smax.u32 s31, $0x1;
	s3 =	sadd.s32 $0xA00, s7;
	s7 =	sadd.s32 s8, s7  }
0xc: {  	s8 =	simm.s32 $0x20;
	s5 =	sadd.s32 $0x186AA00, s7;
	s7 =	simm.s32 $0x2  }
.LBB2_1:
0xd: {  	[tilespmem:s2], [sflag:$0x2] =	stream.linear.gather [hbm4b:s4+s2], $0x20, $0x38;
	[tilespmem:$0x10020] =	vst v63  }
0xe: {  	_ =	swait.ge [sflag:s7], $0x20  }
0xf: {  	[sflag:s7] =	ssyncset.done $0x0  }
0x10: {  	[sflag:s7] =	ssyncadd.s32 $0xFFFFFFE0  }
0x11: {  	[tilespmem:s8], [sflag:$0x1] =	stream.indirect.gather [hbm4b:s3+s8], $0x800, s2, s8, $0xb8;
	[tilespmem:$0x10020] =	vst v63  }
0x12: {  	_ =	swait.ge [sflag:s9], $0x10000  }
0x13: {  	s11 =	simm.s32 $0x0;
	[sflag:s9] =	ssyncset.done $0x0  }
0x14: {  	s11 =	sand.u32 $0x3FFFF800, s11;
	[sflag:s9] =	ssyncadd.s32 $0xFFFF0000  }
0x15: {  	v0 =	vld [tilespmem:s11+$0x20]  }
0x16: {  	v1 =	vld [tilespmem:s11+$0x30]  }
0x17: {  	v2 =	vld [tilespmem:s11+$0x40]  }
0x18: {  	v3 =	vld [tilespmem:s11+$0x50]  }
0x19: {  	v4 =	vld [tilespmem:s11+$0x60]  }
0x1a: {  	v5 =	vld [tilespmem:s11+$0x70];
	v0 =	vmul.f32 $4.525483320e+01, v0  }
0x1b: {  	v6 =	vld [tilespmem:s11+$0x80];
	v1 =	vmul.f32 $4.525483320e+01, v1  }
0x1c: {  	v2 =	vmul.f32 $4.525483320e+01, v2;
	[tilespmem:s11+$0x20] =	vst v0;
	v0 =	vld [tilespmem:s11+$0x90]  }
0x1d: {  	v3 =	vmul.f32 $4.525483320e+01, v3;
	[tilespmem:s11+$0x30] =	vst v1;
	v1 =	vld [tilespmem:s11+$0xA0]  }
0x1e: {  	v4 =	vmul.f32 $4.525483320e+01, v4;
	[tilespmem:s11+$0x40] =	vst v2;
	v2 =	vld [tilespmem:s11+$0xB0]  }
0x1f: {  	v5 =	vmul.f32 $4.525483320e+01, v5;
	[tilespmem:s11+$0x50] =	vst v3;
	v3 =	vld [tilespmem:s11+$0xC0]  }
0x20: {  	v6 =	vmul.f32 $4.525483320e+01, v6;
	[tilespmem:s11+$0x60] =	vst v4;
	v4 =	vld [tilespmem:s11+$0xD0]  }
0x21: {  	[tilespmem:s11+$0x70] =	vst v5;
	v5 =	vld [tilespmem:s11+$0xE0];
	v0 =	vmul.f32 $4.525483320e+01, v0  }
0x22: {  	[tilespmem:s11+$0x80] =	vst v6;
	v6 =	vld [tilespmem:s11+$0xF0];
	v1 =	vmul.f32 $4.525483320e+01, v1  }
0x23: {  	v2 =	vmul.f32 $4.525483320e+01, v2;
	[tilespmem:s11+$0x90] =	vst v0;
	v0 =	vld [tilespmem:s11+$0x100]  }
0x24: {  	v3 =	vmul.f32 $4.525483320e+01, v3;
	[tilespmem:s11+$0xA0] =	vst v1;
	v1 =	vld [tilespmem:s11+$0x110]  }
0x25: {  	v4 =	vmul.f32 $4.525483320e+01, v4;
	[tilespmem:s11+$0xB0] =	vst v2;
	v2 =	vld [tilespmem:s11+$0x120]  }
0x26: {  	v5 =	vmul.f32 $4.525483320e+01, v5;
	[tilespmem:s11+$0xC0] =	vst v3;
	v3 =	vld [tilespmem:s11+$0x130]  }
0x27: {  	v6 =	vmul.f32 $4.525483320e+01, v6;
	[tilespmem:s11+$0xD0] =	vst v4;
	v4 =	vld [tilespmem:s11+$0x140]  }
0x28: {  	[tilespmem:s11+$0xE0] =	vst v5;
	v5 =	vld [tilespmem:s11+$0x150];
	v0 =	vmul.f32 $4.525483320e+01, v0  }
0x29: {  	[tilespmem:s11+$0xF0] =	vst v6;
	v6 =	vld [tilespmem:s11+$0x160];
	v1 =	vmul.f32 $4.525483320e+01, v1  }
0x2a: {  	v2 =	vmul.f32 $4.525483320e+01, v2;
	[tilespmem:s11+$0x100] =	vst v0;
	v0 =	vld [tilespmem:s11+$0x170]  }
0x2b: {  	v3 =	vmul.f32 $4.525483320e+01, v3;
	[tilespmem:s11+$0x110] =	vst v1;
	v1 =	vld [tilespmem:s11+$0x180]  }
0x2c: {  	v4 =	vmul.f32 $4.525483320e+01, v4;
	[tilespmem:s11+$0x120] =	vst v2;
	v2 =	vld [tilespmem:s11+$0x190]  }
0x2d: {  	v5 =	vmul.f32 $4.525483320e+01, v5;
	[tilespmem:s11+$0x130] =	vst v3;
	v3 =	vld [tilespmem:s11+$0x1A0]  }
0x2e: {  	v6 =	vmul.f32 $4.525483320e+01, v6;
	[tilespmem:s11+$0x140] =	vst v4;
	v4 =	vld [tilespmem:s11+$0x1B0]  }
0x2f: {  	[tilespmem:s11+$0x150] =	vst v5;
	v5 =	vld [tilespmem:s11+$0x1C0];
	v0 =	vmul.f32 $4.525483320e+01, v0  }
0x30: {  	[tilespmem:s11+$0x160] =	vst v6;
	v6 =	vld [tilespmem:s11+$0x1D0];
	v1 =	vmul.f32 $4.525483320e+01, v1  }
0x31: {  	v2 =	vmul.f32 $4.525483320e+01, v2;
	[tilespmem:s11+$0x170] =	vst v0;
	v0 =	vld [tilespmem:s11+$0x1E0]  }
0x32: {  	v3 =	vmul.f32 $4.525483320e+01, v3;
	[tilespmem:s11+$0x180] =	vst v1;
	v1 =	vld [tilespmem:s11+$0x1F0]  }
0x33: {  	v4 =	vmul.f32 $4.525483320e+01, v4;
	[tilespmem:s11+$0x190] =	vst v2;
	v2 =	vld [tilespmem:s11+$0x200]  }
0x34: {  	v5 =	vmul.f32 $4.525483320e+01, v5;
	[tilespmem:s11+$0x1A0] =	vst v3;
	v3 =	vld [tilespmem:s11+$0x210]  }
0x35: {  	v6 =	vmul.f32 $4.525483320e+01, v6;
	[tilespmem:s11+$0x1B0] =	vst v4;
	v4 =	vld [tilespmem:s11+$0x220]  }
0x36: {  	[tilespmem:s11+$0x1C0] =	vst v5;
	v5 =	vld [tilespmem:s11+$0x230];
	v0 =	vmul.f32 $4.525483320e+01, v0  }
0x37: {  	[tilespmem:s11+$0x1D0] =	vst v6;
	v6 =	vld [tilespmem:s11+$0x240];
	v1 =	vmul.f32 $4.525483320e+01, v1  }
0x38: {  	v2 =	vmul.f32 $4.525483320e+01, v2;
	[tilespmem:s11+$0x1E0] =	vst v0;
	v0 =	vld [tilespmem:s11+$0x250]  }
0x39: {  	v3 =	vmul.f32 $4.525483320e+01, v3;
	[tilespmem:s11+$0x1F0] =	vst v1;
	v1 =	vld [tilespmem:s11+$0x260]  }
0x3a: {  	v4 =	vmul.f32 $4.525483320e+01, v4;
	[tilespmem:s11+$0x200] =	vst v2;
	v2 =	vld [tilespmem:s11+$0x270]  }
0x3b: {  	v5 =	vmul.f32 $4.525483320e+01, v5;
	[tilespmem:s11+$0x210] =	vst v3;
	v3 =	vld [tilespmem:s11+$0x280]  }
0x3c: {  	v6 =	vmul.f32 $4.525483320e+01, v6;
	[tilespmem:s11+$0x220] =	vst v4;
	v4 =	vld [tilespmem:s11+$0x290]  }
0x3d: {  	[tilespmem:s11+$0x230] =	vst v5;
	v5 =	vld [tilespmem:s11+$0x2A0];
	v0 =	vmul.f32 $4.525483320e+01, v0  }
0x3e: {  	[tilespmem:s11+$0x240] =	vst v6;
	v6 =	vld [tilespmem:s11+$0x2B0];
	v1 =	vmul.f32 $4.525483320e+01, v1  }
0x3f: {  	v2 =	vmul.f32 $4.525483320e+01, v2;
	[tilespmem:s11+$0x250] =	vst v0;
	v0 =	vld [tilespmem:s11+$0x2C0]  }
0x40: {  	v3 =	vmul.f32 $4.525483320e+01, v3;
	[tilespmem:s11+$0x260] =	vst v1;
	v1 =	vld [tilespmem:s11+$0x2D0]  }
0x41: {  	v4 =	vmul.f32 $4.525483320e+01, v4;
	[tilespmem:s11+$0x270] =	vst v2;
	v2 =	vld [tilespmem:s11+$0x2E0]  }
0x42: {  	v5 =	vmul.f32 $4.525483320e+01, v5;
	[tilespmem:s11+$0x280] =	vst v3;
	v3 =	vld [tilespmem:s11+$0x2F0]  }
0x43: {  	v6 =	vmul.f32 $4.525483320e+01, v6;
	[tilespmem:s11+$0x290] =	vst v4;
	v4 =	vld [tilespmem:s11+$0x300]  }
0x44: {  	[tilespmem:s11+$0x2A0] =	vst v5;
	v5 =	vld [tilespmem:s11+$0x310];
	v0 =	vmul.f32 $4.525483320e+01, v0  }
0x45: {  	[tilespmem:s11+$0x2B0] =	vst v6;
	v6 =	vld [tilespmem:s11+$0x320];
	v1 =	vmul.f32 $4.525483320e+01, v1  }
0x46: {  	v2 =	vmul.f32 $4.525483320e+01, v2;
	[tilespmem:s11+$0x2C0] =	vst v0;
	v0 =	vld [tilespmem:s11+$0x330]  }
0x47: {  	v3 =	vmul.f32 $4.525483320e+01, v3;
	[tilespmem:s11+$0x2D0] =	vst v1;
	v1 =	vld [tilespmem:s11+$0x340]  }
0x48: {  	v4 =	vmul.f32 $4.525483320e+01, v4;
	[tilespmem:s11+$0x2E0] =	vst v2;
	v2 =	vld [tilespmem:s11+$0x350]  }
0x49: {  	v5 =	vmul.f32 $4.525483320e+01, v5;
	[tilespmem:s11+$0x2F0] =	vst v3;
	v3 =	vld [tilespmem:s11+$0x360]  }
0x4a: {  	v6 =	vmul.f32 $4.525483320e+01, v6;
	[tilespmem:s11+$0x300] =	vst v4;
	v4 =	vld [tilespmem:s11+$0x370]  }
0x4b: {  	[tilespmem:s11+$0x310] =	vst v5;
	v5 =	vld [tilespmem:s11+$0x380];
	v0 =	vmul.f32 $4.525483320e+01, v0  }
0x4c: {  	[tilespmem:s11+$0x320] =	vst v6;
	v6 =	vld [tilespmem:s11+$0x390];
	v1 =	vmul.f32 $4.525483320e+01, v1  }
0x4d: {  	v2 =	vmul.f32 $4.525483320e+01, v2;
	[tilespmem:s11+$0x330] =	vst v0;
	v0 =	vld [tilespmem:s11+$0x3A0]  }
0x4e: {  	v3 =	vmul.f32 $4.525483320e+01, v3;
	[tilespmem:s11+$0x340] =	vst v1;
	v1 =	vld [tilespmem:s11+$0x3B0]  }
0x4f: {  	v4 =	vmul.f32 $4.525483320e+01, v4;
	[tilespmem:s11+$0x350] =	vst v2;
	v2 =	vld [tilespmem:s11+$0x3C0]  }
0x50: {  	v5 =	vmul.f32 $4.525483320e+01, v5;
	[tilespmem:s11+$0x360] =	vst v3;
	v3 =	vld [tilespmem:s11+$0x3D0]  }
0x51: {  	v6 =	vmul.f32 $4.525483320e+01, v6;
	[tilespmem:s11+$0x370] =	vst v4;
	v4 =	vld [tilespmem:s11+$0x3E0]  }
0x52: {  	[tilespmem:s11+$0x380] =	vst v5;
	v5 =	vld [tilespmem:s11+$0x3F0];
	v0 =	vmul.f32 $4.525483320e+01, v0  }
0x53: {  	[tilespmem:s11+$0x390] =	vst v6;
	v6 =	vld [tilespmem:s11+$0x400];
	v1 =	vmul.f32 $4.525483320e+01, v1  }
0x54: {  	v2 =	vmul.f32 $4.525483320e+01, v2;
	[tilespmem:s11+$0x3A0] =	vst v0;
	v0 =	vld [tilespmem:s11+$0x410]  }
0x55: {  	v3 =	vmul.f32 $4.525483320e+01, v3;
	[tilespmem:s11+$0x3B0] =	vst v1;
	v1 =	vld [tilespmem:s11+$0x420]  }
0x56: {  	v4 =	vmul.f32 $4.525483320e+01, v4;
	[tilespmem:s11+$0x3C0] =	vst v2;
	v2 =	vld [tilespmem:s11+$0x430]  }
0x57: {  	v5 =	vmul.f32 $4.525483320e+01, v5;
	[tilespmem:s11+$0x3D0] =	vst v3;
	v3 =	vld [tilespmem:s11+$0x440]  }
0x58: {  	v6 =	vmul.f32 $4.525483320e+01, v6;
	[tilespmem:s11+$0x3E0] =	vst v4;
	v4 =	vld [tilespmem:s11+$0x450]  }
0x59: {  	[tilespmem:s11+$0x3F0] =	vst v5;
	v5 =	vld [tilespmem:s11+$0x460];
	v0 =	vmul.f32 $4.525483320e+01, v0  }
0x5a: {  	[tilespmem:s11+$0x400] =	vst v6;
	v6 =	vld [tilespmem:s11+$0x470];
	v1 =	vmul.f32 $4.525483320e+01, v1  }
0x5b: {  	v2 =	vmul.f32 $4.525483320e+01, v2;
	[tilespmem:s11+$0x410] =	vst v0;
	v0 =	vld [tilespmem:s11+$0x480]  }
0x5c: {  	v3 =	vmul.f32 $4.525483320e+01, v3;
	[tilespmem:s11+$0x420] =	vst v1;
	v1 =	vld [tilespmem:s11+$0x490]  }
0x5d: {  	v4 =	vmul.f32 $4.525483320e+01, v4;
	[tilespmem:s11+$0x430] =	vst v2;
	v2 =	vld [tilespmem:s11+$0x4A0]  }
0x5e: {  	v5 =	vmul.f32 $4.525483320e+01, v5;
	[tilespmem:s11+$0x440] =	vst v3;
	v3 =	vld [tilespmem:s11+$0x4B0]  }
0x5f: {  	v6 =	vmul.f32 $4.525483320e+01, v6;
	[tilespmem:s11+$0x450] =	vst v4;
	v4 =	vld [tilespmem:s11+$0x4C0]  }
0x60: {  	[tilespmem:s11+$0x460] =	vst v5;
	v5 =	vld [tilespmem:s11+$0x4D0];
	v0 =	vmul.f32 $4.525483320e+01, v0  }
0x61: {  	[tilespmem:s11+$0x470] =	vst v6;
	v6 =	vld [tilespmem:s11+$0x4E0];
	v1 =	vmul.f32 $4.525483320e+01, v1  }
0x62: {  	v2 =	vmul.f32 $4.525483320e+01, v2;
	[tilespmem:s11+$0x480] =	vst v0;
	v0 =	vld [tilespmem:s11+$0x4F0]  }
0x63: {  	v3 =	vmul.f32 $4.525483320e+01, v3;
	[tilespmem:s11+$0x490] =	vst v1;
	v1 =	vld [tilespmem:s11+$0x500]  }
0x64: {  	v4 =	vmul.f32 $4.525483320e+01, v4;
	[tilespmem:s11+$0x4A0] =	vst v2;
	v2 =	vld [tilespmem:s11+$0x510]  }
0x65: {  	v5 =	vmul.f32 $4.525483320e+01, v5;
	[tilespmem:s11+$0x4B0] =	vst v3;
	v3 =	vld [tilespmem:s11+$0x520]  }
0x66: {  	v6 =	vmul.f32 $4.525483320e+01, v6;
	[tilespmem:s11+$0x4C0] =	vst v4;
	v4 =	vld [tilespmem:s11+$0x530]  }
0x67: {  	[tilespmem:s11+$0x4D0] =	vst v5;
	v5 =	vld [tilespmem:s11+$0x540];
	v0 =	vmul.f32 $4.525483320e+01, v0  }
0x68: {  	[tilespmem:s11+$0x4E0] =	vst v6;
	v6 =	vld [tilespmem:s11+$0x550];
	v1 =	vmul.f32 $4.525483320e+01, v1  }
0x69: {  	v2 =	vmul.f32 $4.525483320e+01, v2;
	[tilespmem:s11+$0x4F0] =	vst v0;
	v0 =	vld [tilespmem:s11+$0x560]  }
0x6a: {  	v3 =	vmul.f32 $4.525483320e+01, v3;
	[tilespmem:s11+$0x500] =	vst v1;
	v1 =	vld [tilespmem:s11+$0x570]  }
0x6b: {  	v4 =	vmul.f32 $4.525483320e+01, v4;
	[tilespmem:s11+$0x510] =	vst v2;
	v2 =	vld [tilespmem:s11+$0x580]  }
0x6c: {  	v5 =	vmul.f32 $4.525483320e+01, v5;
	[tilespmem:s11+$0x520] =	vst v3;
	v3 =	vld [tilespmem:s11+$0x590]  }
0x6d: {  	v6 =	vmul.f32 $4.525483320e+01, v6;
	[tilespmem:s11+$0x530] =	vst v4;
	v4 =	vld [tilespmem:s11+$0x5A0]  }
0x6e: {  	[tilespmem:s11+$0x540] =	vst v5;
	v5 =	vld [tilespmem:s11+$0x5B0];
	v0 =	vmul.f32 $4.525483320e+01, v0  }
0x6f: {  	[tilespmem:s11+$0x550] =	vst v6;
	v6 =	vld [tilespmem:s11+$0x5C0];
	v1 =	vmul.f32 $4.525483320e+01, v1  }
0x70: {  	v2 =	vmul.f32 $4.525483320e+01, v2;
	[tilespmem:s11+$0x560] =	vst v0;
	v0 =	vld [tilespmem:s11+$0x5D0]  }
0x71: {  	v3 =	vmul.f32 $4.525483320e+01, v3;
	[tilespmem:s11+$0x570] =	vst v1;
	v1 =	vld [tilespmem:s11+$0x5E0]  }
0x72: {  	v4 =	vmul.f32 $4.525483320e+01, v4;
	[tilespmem:s11+$0x580] =	vst v2;
	v2 =	vld [tilespmem:s11+$0x5F0]  }
0x73: {  	v5 =	vmul.f32 $4.525483320e+01, v5;
	[tilespmem:s11+$0x590] =	vst v3;
	v3 =	vld [tilespmem:s11+$0x600]  }
0x74: {  	v6 =	vmul.f32 $4.525483320e+01, v6;
	[tilespmem:s11+$0x5A0] =	vst v4;
	v4 =	vld [tilespmem:s11+$0x610]  }
0x75: {  	[tilespmem:s11+$0x5B0] =	vst v5;
	v5 =	vld [tilespmem:s11+$0x620];
	v0 =	vmul.f32 $4.525483320e+01, v0  }
0x76: {  	[tilespmem:s11+$0x5C0] =	vst v6;
	v6 =	vld [tilespmem:s11+$0x630];
	v1 =	vmul.f32 $4.525483320e+01, v1  }
0x77: {  	v2 =	vmul.f32 $4.525483320e+01, v2;
	[tilespmem:s11+$0x5D0] =	vst v0;
	v0 =	vld [tilespmem:s11+$0x640]  }
0x78: {  	v3 =	vmul.f32 $4.525483320e+01, v3;
	[tilespmem:s11+$0x5E0] =	vst v1;
	v1 =	vld [tilespmem:s11+$0x650]  }
0x79: {  	v4 =	vmul.f32 $4.525483320e+01, v4;
	[tilespmem:s11+$0x5F0] =	vst v2;
	v2 =	vld [tilespmem:s11+$0x660]  }
0x7a: {  	v5 =	vmul.f32 $4.525483320e+01, v5;
	[tilespmem:s11+$0x600] =	vst v3;
	v3 =	vld [tilespmem:s11+$0x670]  }
0x7b: {  	v6 =	vmul.f32 $4.525483320e+01, v6;
	[tilespmem:s11+$0x610] =	vst v4;
	v4 =	vld [tilespmem:s11+$0x680]  }
0x7c: {  	[tilespmem:s11+$0x620] =	vst v5;
	v5 =	vld [tilespmem:s11+$0x690];
	v0 =	vmul.f32 $4.525483320e+01, v0  }
0x7d: {  	[tilespmem:s11+$0x630] =	vst v6;
	v6 =	vld [tilespmem:s11+$0x6A0];
	v1 =	vmul.f32 $4.525483320e+01, v1  }
0x7e: {  	v2 =	vmul.f32 $4.525483320e+01, v2;
	[tilespmem:s11+$0x640] =	vst v0;
	v0 =	vld [tilespmem:s11+$0x6B0]  }
0x7f: {  	v3 =	vmul.f32 $4.525483320e+01, v3;
	[tilespmem:s11+$0x650] =	vst v1;
	v1 =	vld [tilespmem:s11+$0x6C0]  }
0x80: {  	v4 =	vmul.f32 $4.525483320e+01, v4;
	[tilespmem:s11+$0x660] =	vst v2;
	v2 =	vld [tilespmem:s11+$0x6D0]  }
0x81: {  	v5 =	vmul.f32 $4.525483320e+01, v5;
	[tilespmem:s11+$0x670] =	vst v3;
	v3 =	vld [tilespmem:s11+$0x6E0]  }
0x82: {  	v6 =	vmul.f32 $4.525483320e+01, v6;
	[tilespmem:s11+$0x680] =	vst v4;
	v4 =	vld [tilespmem:s11+$0x6F0]  }
0x83: {  	[tilespmem:s11+$0x690] =	vst v5;
	v5 =	vld [tilespmem:s11+$0x700];
	v0 =	vmul.f32 $4.525483320e+01, v0  }
0x84: {  	[tilespmem:s11+$0x6A0] =	vst v6;
	v6 =	vld [tilespmem:s11+$0x710];
	v1 =	vmul.f32 $4.525483320e+01, v1  }
0x85: {  	v2 =	vmul.f32 $4.525483320e+01, v2;
	[tilespmem:s11+$0x6B0] =	vst v0;
	v0 =	vld [tilespmem:s11+$0x720]  }
0x86: {  	v3 =	vmul.f32 $4.525483320e+01, v3;
	[tilespmem:s11+$0x6C0] =	vst v1;
	v1 =	vld [tilespmem:s11+$0x730]  }
0x87: {  	v4 =	vmul.f32 $4.525483320e+01, v4;
	[tilespmem:s11+$0x6D0] =	vst v2;
	v2 =	vld [tilespmem:s11+$0x740]  }
0x88: {  	v5 =	vmul.f32 $4.525483320e+01, v5;
	[tilespmem:s11+$0x6E0] =	vst v3;
	v3 =	vld [tilespmem:s11+$0x750]  }
0x89: {  	v6 =	vmul.f32 $4.525483320e+01, v6;
	[tilespmem:s11+$0x6F0] =	vst v4;
	v4 =	vld [tilespmem:s11+$0x760]  }
0x8a: {  	[tilespmem:s11+$0x700] =	vst v5;
	v5 =	vld [tilespmem:s11+$0x770];
	v0 =	vmul.f32 $4.525483320e+01, v0  }
0x8b: {  	[tilespmem:s11+$0x710] =	vst v6;
	v6 =	vld [tilespmem:s11+$0x780];
	v1 =	vmul.f32 $4.525483320e+01, v1  }
0x8c: {  	v7 =	vld [tilespmem:s11+$0x790];
	[tilespmem:s11+$0x720] =	vst v0;
	v0 =	vmul.f32 $4.525483320e+01, v2  }
0x8d: {  	v8 =	vld [tilespmem:s11+$0x7A0];
	[tilespmem:s11+$0x730] =	vst v1;
	v2 =	vmul.f32 $4.525483320e+01, v3  }
0x8e: {  	v1 =	vld [tilespmem:s11+$0x7B0];
	[tilespmem:s11+$0x740] =	vst v0;
	v0 =	vmul.f32 $4.525483320e+01, v4  }
0x8f: {  	v3 =	vmul.f32 $4.525483320e+01, v5;
	[tilespmem:s11+$0x750] =	vst v2;
	v2 =	vld [tilespmem:s11+$0x7C0]  }
0x90: {  	v4 =	vmul.f32 $4.525483320e+01, v6;
	[tilespmem:s11+$0x760] =	vst v0;
	v0 =	vld [tilespmem:s11+$0x7D0]  }
0x91: {  	[tilespmem:s11+$0x770] =	vst v3;
	v3 =	vld [tilespmem:s11+$0x7E0];
	v6 =	vmul.f32 $4.525483320e+01, v7  }
0x92: {  	s12 =	simm.s32 $0x1;
	v5 =	vmul.f32 $4.525483320e+01, v8;
	[tilespmem:s11+$0x780] =	vst v4;
	v4 =	vld [tilespmem:s11+$0x7F0]  }
.LBB2_2:
0x93: {  	s13 =	sshll.u32 s12, $0xB;
	p0 =	sne.s32 s12, $0x18;
	[tilespmem:s11+$0x790] =	vst v6;
	v1 =	vmul.f32 $4.525483320e+01, v1;
	v6 =	vld [tilespmem:s11+$0x800]  }
0x94: {  	s13 =	sand.u32 $0x3FFFF800, s13;
	[tilespmem:s11+$0x7A0] =	vst v5;
	v2 =	vmul.f32 $4.525483320e+01, v2;
	v5 =	vld [tilespmem:s11+$0x810]  }
0x95: {  	v7 =	vld [tilespmem:s13+$0x20];
	[tilespmem:s11+$0x7B0] =	vst v1;
	v0 =	vmul.f32 $4.525483320e+01, v0  }
0x96: {  	v1 =	vld [tilespmem:s13+$0x30];
	[tilespmem:s11+$0x7C0] =	vst v2;
	v2 =	vmul.f32 $4.525483320e+01, v3  }
0x97: {  	v3 =	vld [tilespmem:s13+$0x40];
	[tilespmem:s11+$0x7D0] =	vst v0;
	v0 =	vmul.f32 $4.525483320e+01, v4  }
0x98: {  	v4 =	vld [tilespmem:s13+$0x50];
	[tilespmem:s11+$0x7E0] =	vst v2;
	v2 =	vmul.f32 $4.525483320e+01, v6  }
0x99: {  	v6 =	vld [tilespmem:s13+$0x60];
	[tilespmem:s11+$0x7F0] =	vst v0;
	v0 =	vmul.f32 $4.525483320e+01, v5  }
0x9a: {  	v5 =	vmul.f32 $4.525483320e+01, v7;
	v7 =	vld [tilespmem:s13+$0x70];
	[tilespmem:s11+$0x800] =	vst v2  }
0x9b: {  	v1 =	vmul.f32 $4.525483320e+01, v1;
	v2 =	vld [tilespmem:s13+$0x80];
	[tilespmem:s11+$0x810] =	vst v0;
	s11 =	smov.u32 s13  }
0x9c: {  	[tilespmem:s11+$0x20] =	vst v5;
	v0 =	vmul.f32 $4.525483320e+01, v3;
	v3 =	vld [tilespmem:s11+$0x90]  }
0x9d: {  	[tilespmem:s11+$0x30] =	vst v1;
	v1 =	vmul.f32 $4.525483320e+01, v4;
	v4 =	vld [tilespmem:s11+$0xA0]  }
0x9e: {  	[tilespmem:s11+$0x40] =	vst v0;
	v0 =	vmul.f32 $4.525483320e+01, v6;
	v5 =	vld [tilespmem:s11+$0xB0]  }
0x9f: {  	[tilespmem:s11+$0x50] =	vst v1;
	v1 =	vmul.f32 $4.525483320e+01, v7;
	v6 =	vld [tilespmem:s11+$0xC0]  }
0xa0: {  	[tilespmem:s11+$0x60] =	vst v0;
	v0 =	vmul.f32 $4.525483320e+01, v2;
	v2 =	vld [tilespmem:s11+$0xD0]  }
0xa1: {  	[tilespmem:s11+$0x70] =	vst v1;
	v1 =	vmul.f32 $4.525483320e+01, v3;
	v3 =	vld [tilespmem:s11+$0xE0]  }
0xa2: {  	[tilespmem:s11+$0x80] =	vst v0;
	v0 =	vmul.f32 $4.525483320e+01, v4;
	v4 =	vld [tilespmem:s11+$0xF0]  }
0xa3: {  	[tilespmem:s11+$0x90] =	vst v1;
	v1 =	vmul.f32 $4.525483320e+01, v5;
	v5 =	vld [tilespmem:s11+$0x100]  }
0xa4: {  	[tilespmem:s11+$0xA0] =	vst v0;
	v0 =	vmul.f32 $4.525483320e+01, v6;
	v6 =	vld [tilespmem:s11+$0x110]  }
0xa5: {  	[tilespmem:s11+$0xB0] =	vst v1;
	v1 =	vmul.f32 $4.525483320e+01, v2;
	v2 =	vld [tilespmem:s11+$0x120]  }
0xa6: {  	[tilespmem:s11+$0xC0] =	vst v0;
	v0 =	vmul.f32 $4.525483320e+01, v3;
	v3 =	vld [tilespmem:s11+$0x130]  }
0xa7: {  	[tilespmem:s11+$0xD0] =	vst v1;
	v1 =	vmul.f32 $4.525483320e+01, v4;
	v4 =	vld [tilespmem:s11+$0x140]  }
0xa8: {  	[tilespmem:s11+$0xE0] =	vst v0;
	v0 =	vmul.f32 $4.525483320e+01, v5;
	v5 =	vld [tilespmem:s11+$0x150]  }
0xa9: {  	[tilespmem:s11+$0xF0] =	vst v1;
	v1 =	vmul.f32 $4.525483320e+01, v6;
	v6 =	vld [tilespmem:s11+$0x160]  }
0xaa: {  	[tilespmem:s11+$0x100] =	vst v0;
	v0 =	vmul.f32 $4.525483320e+01, v2;
	v2 =	vld [tilespmem:s11+$0x170]  }
0xab: {  	[tilespmem:s11+$0x110] =	vst v1;
	v1 =	vmul.f32 $4.525483320e+01, v3;
	v3 =	vld [tilespmem:s11+$0x180]  }
0xac: {  	[tilespmem:s11+$0x120] =	vst v0;
	v0 =	vmul.f32 $4.525483320e+01, v4;
	v4 =	vld [tilespmem:s11+$0x190]  }
0xad: {  	[tilespmem:s11+$0x130] =	vst v1;
	v1 =	vmul.f32 $4.525483320e+01, v5;
	v5 =	vld [tilespmem:s11+$0x1A0]  }
0xae: {  	[tilespmem:s11+$0x140] =	vst v0;
	v0 =	vmul.f32 $4.525483320e+01, v6;
	v6 =	vld [tilespmem:s11+$0x1B0]  }
0xaf: {  	[tilespmem:s11+$0x150] =	vst v1;
	v1 =	vmul.f32 $4.525483320e+01, v2;
	v2 =	vld [tilespmem:s11+$0x1C0]  }
0xb0: {  	[tilespmem:s11+$0x160] =	vst v0;
	v0 =	vmul.f32 $4.525483320e+01, v3;
	v3 =	vld [tilespmem:s11+$0x1D0]  }
0xb1: {  	[tilespmem:s11+$0x170] =	vst v1;
	v1 =	vmul.f32 $4.525483320e+01, v4;
	v4 =	vld [tilespmem:s11+$0x1E0]  }
0xb2: {  	[tilespmem:s11+$0x180] =	vst v0;
	v0 =	vmul.f32 $4.525483320e+01, v5;
	v5 =	vld [tilespmem:s11+$0x1F0]  }
0xb3: {  	[tilespmem:s11+$0x190] =	vst v1;
	v1 =	vmul.f32 $4.525483320e+01, v6;
	v6 =	vld [tilespmem:s11+$0x200]  }
0xb4: {  	[tilespmem:s11+$0x1A0] =	vst v0;
	v0 =	vmul.f32 $4.525483320e+01, v2;
	v2 =	vld [tilespmem:s11+$0x210]  }
0xb5: {  	[tilespmem:s11+$0x1B0] =	vst v1;
	v1 =	vmul.f32 $4.525483320e+01, v3;
	v3 =	vld [tilespmem:s11+$0x220]  }
0xb6: {  	[tilespmem:s11+$0x1C0] =	vst v0;
	v0 =	vmul.f32 $4.525483320e+01, v4;
	v4 =	vld [tilespmem:s11+$0x230]  }
0xb7: {  	[tilespmem:s11+$0x1D0] =	vst v1;
	v1 =	vmul.f32 $4.525483320e+01, v5;
	v5 =	vld [tilespmem:s11+$0x240]  }
0xb8: {  	[tilespmem:s11+$0x1E0] =	vst v0;
	v0 =	vmul.f32 $4.525483320e+01, v6;
	v6 =	vld [tilespmem:s11+$0x250]  }
0xb9: {  	[tilespmem:s11+$0x1F0] =	vst v1;
	v1 =	vmul.f32 $4.525483320e+01, v2;
	v2 =	vld [tilespmem:s11+$0x260]  }
0xba: {  	[tilespmem:s11+$0x200] =	vst v0;
	v0 =	vmul.f32 $4.525483320e+01, v3;
	v3 =	vld [tilespmem:s11+$0x270]  }
0xbb: {  	[tilespmem:s11+$0x210] =	vst v1;
	v1 =	vmul.f32 $4.525483320e+01, v4;
	v4 =	vld [tilespmem:s11+$0x280]  }
0xbc: {  	[tilespmem:s11+$0x220] =	vst v0;
	v0 =	vmul.f32 $4.525483320e+01, v5;
	v5 =	vld [tilespmem:s11+$0x290]  }
0xbd: {  	[tilespmem:s11+$0x230] =	vst v1;
	v1 =	vmul.f32 $4.525483320e+01, v6;
	v6 =	vld [tilespmem:s11+$0x2A0]  }
0xbe: {  	[tilespmem:s11+$0x240] =	vst v0;
	v0 =	vmul.f32 $4.525483320e+01, v2;
	v2 =	vld [tilespmem:s11+$0x2B0]  }
0xbf: {  	[tilespmem:s11+$0x250] =	vst v1;
	v1 =	vmul.f32 $4.525483320e+01, v3;
	v3 =	vld [tilespmem:s11+$0x2C0]  }
0xc0: {  	[tilespmem:s11+$0x260] =	vst v0;
	v0 =	vmul.f32 $4.525483320e+01, v4;
	v4 =	vld [tilespmem:s11+$0x2D0]  }
0xc1: {  	[tilespmem:s11+$0x270] =	vst v1;
	v1 =	vmul.f32 $4.525483320e+01, v5;
	v5 =	vld [tilespmem:s11+$0x2E0]  }
0xc2: {  	[tilespmem:s11+$0x280] =	vst v0;
	v0 =	vmul.f32 $4.525483320e+01, v6;
	v6 =	vld [tilespmem:s11+$0x2F0]  }
0xc3: {  	[tilespmem:s11+$0x290] =	vst v1;
	v1 =	vmul.f32 $4.525483320e+01, v2;
	v2 =	vld [tilespmem:s11+$0x300]  }
0xc4: {  	[tilespmem:s11+$0x2A0] =	vst v0;
	v0 =	vmul.f32 $4.525483320e+01, v3;
	v3 =	vld [tilespmem:s11+$0x310]  }
0xc5: {  	[tilespmem:s11+$0x2B0] =	vst v1;
	v1 =	vmul.f32 $4.525483320e+01, v4;
	v4 =	vld [tilespmem:s11+$0x320]  }
0xc6: {  	[tilespmem:s11+$0x2C0] =	vst v0;
	v0 =	vmul.f32 $4.525483320e+01, v5;
	v5 =	vld [tilespmem:s11+$0x330]  }
0xc7: {  	[tilespmem:s11+$0x2D0] =	vst v1;
	v1 =	vmul.f32 $4.525483320e+01, v6;
	v6 =	vld [tilespmem:s11+$0x340]  }
0xc8: {  	[tilespmem:s11+$0x2E0] =	vst v0;
	v0 =	vmul.f32 $4.525483320e+01, v2;
	v2 =	vld [tilespmem:s11+$0x350]  }
0xc9: {  	[tilespmem:s11+$0x2F0] =	vst v1;
	v1 =	vmul.f32 $4.525483320e+01, v3;
	v3 =	vld [tilespmem:s11+$0x360]  }
0xca: {  	[tilespmem:s11+$0x300] =	vst v0;
	v0 =	vmul.f32 $4.525483320e+01, v4;
	v4 =	vld [tilespmem:s11+$0x370]  }
0xcb: {  	[tilespmem:s11+$0x310] =	vst v1;
	v1 =	vmul.f32 $4.525483320e+01, v5;
	v5 =	vld [tilespmem:s11+$0x380]  }
0xcc: {  	[tilespmem:s11+$0x320] =	vst v0;
	v0 =	vmul.f32 $4.525483320e+01, v6;
	v6 =	vld [tilespmem:s11+$0x390]  }
0xcd: {  	[tilespmem:s11+$0x330] =	vst v1;
	v1 =	vmul.f32 $4.525483320e+01, v2;
	v2 =	vld [tilespmem:s11+$0x3A0]  }
0xce: {  	[tilespmem:s11+$0x340] =	vst v0;
	v0 =	vmul.f32 $4.525483320e+01, v3;
	v3 =	vld [tilespmem:s11+$0x3B0]  }
0xcf: {  	[tilespmem:s11+$0x350] =	vst v1;
	v1 =	vmul.f32 $4.525483320e+01, v4;
	v4 =	vld [tilespmem:s11+$0x3C0]  }
0xd0: {  	[tilespmem:s11+$0x360] =	vst v0;
	v0 =	vmul.f32 $4.525483320e+01, v5;
	v5 =	vld [tilespmem:s11+$0x3D0]  }
0xd1: {  	[tilespmem:s11+$0x370] =	vst v1;
	v1 =	vmul.f32 $4.525483320e+01, v6;
	v6 =	vld [tilespmem:s11+$0x3E0]  }
0xd2: {  	[tilespmem:s11+$0x380] =	vst v0;
	v0 =	vmul.f32 $4.525483320e+01, v2;
	v2 =	vld [tilespmem:s11+$0x3F0]  }
0xd3: {  	[tilespmem:s11+$0x390] =	vst v1;
	v1 =	vmul.f32 $4.525483320e+01, v3;
	v3 =	vld [tilespmem:s11+$0x400]  }
0xd4: {  	[tilespmem:s11+$0x3A0] =	vst v0;
	v0 =	vmul.f32 $4.525483320e+01, v4;
	v4 =	vld [tilespmem:s11+$0x410]  }
0xd5: {  	[tilespmem:s11+$0x3B0] =	vst v1;
	v1 =	vmul.f32 $4.525483320e+01, v5;
	v5 =	vld [tilespmem:s11+$0x420]  }
0xd6: {  	[tilespmem:s11+$0x3C0] =	vst v0;
	v0 =	vmul.f32 $4.525483320e+01, v6;
	v6 =	vld [tilespmem:s11+$0x430]  }
0xd7: {  	[tilespmem:s11+$0x3D0] =	vst v1;
	v1 =	vmul.f32 $4.525483320e+01, v2;
	v2 =	vld [tilespmem:s11+$0x440]  }
0xd8: {  	[tilespmem:s11+$0x3E0] =	vst v0;
	v0 =	vmul.f32 $4.525483320e+01, v3;
	v3 =	vld [tilespmem:s11+$0x450]  }
0xd9: {  	[tilespmem:s11+$0x3F0] =	vst v1;
	v1 =	vmul.f32 $4.525483320e+01, v4;
	v4 =	vld [tilespmem:s11+$0x460]  }
0xda: {  	[tilespmem:s11+$0x400] =	vst v0;
	v0 =	vmul.f32 $4.525483320e+01, v5;
	v5 =	vld [tilespmem:s11+$0x470]  }
0xdb: {  	[tilespmem:s11+$0x410] =	vst v1;
	v1 =	vmul.f32 $4.525483320e+01, v6;
	v6 =	vld [tilespmem:s11+$0x480]  }
0xdc: {  	[tilespmem:s11+$0x420] =	vst v0;
	v0 =	vmul.f32 $4.525483320e+01, v2;
	v2 =	vld [tilespmem:s11+$0x490]  }
0xdd: {  	[tilespmem:s11+$0x430] =	vst v1;
	v1 =	vmul.f32 $4.525483320e+01, v3;
	v3 =	vld [tilespmem:s11+$0x4A0]  }
0xde: {  	[tilespmem:s11+$0x440] =	vst v0;
	v0 =	vmul.f32 $4.525483320e+01, v4;
	v4 =	vld [tilespmem:s11+$0x4B0]  }
0xdf: {  	[tilespmem:s11+$0x450] =	vst v1;
	v1 =	vmul.f32 $4.525483320e+01, v5;
	v5 =	vld [tilespmem:s11+$0x4C0]  }
0xe0: {  	[tilespmem:s11+$0x460] =	vst v0;
	v0 =	vmul.f32 $4.525483320e+01, v6;
	v6 =	vld [tilespmem:s11+$0x4D0]  }
0xe1: {  	[tilespmem:s11+$0x470] =	vst v1;
	v1 =	vmul.f32 $4.525483320e+01, v2;
	v2 =	vld [tilespmem:s11+$0x4E0]  }
0xe2: {  	[tilespmem:s11+$0x480] =	vst v0;
	v0 =	vmul.f32 $4.525483320e+01, v3;
	v3 =	vld [tilespmem:s11+$0x4F0]  }
0xe3: {  	[tilespmem:s11+$0x490] =	vst v1;
	v1 =	vmul.f32 $4.525483320e+01, v4;
	v4 =	vld [tilespmem:s11+$0x500]  }
0xe4: {  	[tilespmem:s11+$0x4A0] =	vst v0;
	v0 =	vmul.f32 $4.525483320e+01, v5;
	v5 =	vld [tilespmem:s11+$0x510]  }
0xe5: {  	[tilespmem:s11+$0x4B0] =	vst v1;
	v1 =	vmul.f32 $4.525483320e+01, v6;
	v6 =	vld [tilespmem:s11+$0x520]  }
0xe6: {  	[tilespmem:s11+$0x4C0] =	vst v0;
	v0 =	vmul.f32 $4.525483320e+01, v2;
	v2 =	vld [tilespmem:s11+$0x530]  }
0xe7: {  	[tilespmem:s11+$0x4D0] =	vst v1;
	v1 =	vmul.f32 $4.525483320e+01, v3;
	v3 =	vld [tilespmem:s11+$0x540]  }
0xe8: {  	[tilespmem:s11+$0x4E0] =	vst v0;
	v0 =	vmul.f32 $4.525483320e+01, v4;
	v4 =	vld [tilespmem:s11+$0x550]  }
0xe9: {  	[tilespmem:s11+$0x4F0] =	vst v1;
	v1 =	vmul.f32 $4.525483320e+01, v5;
	v5 =	vld [tilespmem:s11+$0x560]  }
0xea: {  	[tilespmem:s11+$0x500] =	vst v0;
	v0 =	vmul.f32 $4.525483320e+01, v6;
	v6 =	vld [tilespmem:s11+$0x570]  }
0xeb: {  	[tilespmem:s11+$0x510] =	vst v1;
	v1 =	vmul.f32 $4.525483320e+01, v2;
	v2 =	vld [tilespmem:s11+$0x580]  }
0xec: {  	[tilespmem:s11+$0x520] =	vst v0;
	v0 =	vmul.f32 $4.525483320e+01, v3;
	v3 =	vld [tilespmem:s11+$0x590]  }
0xed: {  	[tilespmem:s11+$0x530] =	vst v1;
	v1 =	vmul.f32 $4.525483320e+01, v4;
	v4 =	vld [tilespmem:s11+$0x5A0]  }
0xee: {  	[tilespmem:s11+$0x540] =	vst v0;
	v0 =	vmul.f32 $4.525483320e+01, v5;
	v5 =	vld [tilespmem:s11+$0x5B0]  }
0xef: {  	[tilespmem:s11+$0x550] =	vst v1;
	v1 =	vmul.f32 $4.525483320e+01, v6;
	v6 =	vld [tilespmem:s11+$0x5C0]  }
0xf0: {  	[tilespmem:s11+$0x560] =	vst v0;
	v0 =	vmul.f32 $4.525483320e+01, v2;
	v2 =	vld [tilespmem:s11+$0x5D0]  }
0xf1: {  	[tilespmem:s11+$0x570] =	vst v1;
	v1 =	vmul.f32 $4.525483320e+01, v3;
	v3 =	vld [tilespmem:s11+$0x5E0]  }
0xf2: {  	[tilespmem:s11+$0x580] =	vst v0;
	v0 =	vmul.f32 $4.525483320e+01, v4;
	v4 =	vld [tilespmem:s11+$0x5F0]  }
0xf3: {  	[tilespmem:s11+$0x590] =	vst v1;
	v1 =	vmul.f32 $4.525483320e+01, v5;
	v5 =	vld [tilespmem:s11+$0x600]  }
0xf4: {  	[tilespmem:s11+$0x5A0] =	vst v0;
	v0 =	vmul.f32 $4.525483320e+01, v6;
	v6 =	vld [tilespmem:s11+$0x610]  }
0xf5: {  	[tilespmem:s11+$0x5B0] =	vst v1;
	v1 =	vmul.f32 $4.525483320e+01, v2;
	v2 =	vld [tilespmem:s11+$0x620]  }
0xf6: {  	[tilespmem:s11+$0x5C0] =	vst v0;
	v0 =	vmul.f32 $4.525483320e+01, v3;
	v3 =	vld [tilespmem:s11+$0x630]  }
0xf7: {  	[tilespmem:s11+$0x5D0] =	vst v1;
	v1 =	vmul.f32 $4.525483320e+01, v4;
	v4 =	vld [tilespmem:s11+$0x640]  }
0xf8: {  	[tilespmem:s11+$0x5E0] =	vst v0;
	v0 =	vmul.f32 $4.525483320e+01, v5;
	v5 =	vld [tilespmem:s11+$0x650]  }
0xf9: {  	[tilespmem:s11+$0x5F0] =	vst v1;
	v1 =	vmul.f32 $4.525483320e+01, v6;
	v6 =	vld [tilespmem:s11+$0x660]  }
0xfa: {  	[tilespmem:s11+$0x600] =	vst v0;
	v0 =	vmul.f32 $4.525483320e+01, v2;
	v2 =	vld [tilespmem:s11+$0x670]  }
0xfb: {  	[tilespmem:s11+$0x610] =	vst v1;
	v1 =	vmul.f32 $4.525483320e+01, v3;
	v3 =	vld [tilespmem:s11+$0x680]  }
0xfc: {  	[tilespmem:s11+$0x620] =	vst v0;
	v0 =	vmul.f32 $4.525483320e+01, v4;
	v4 =	vld [tilespmem:s11+$0x690]  }
0xfd: {  	[tilespmem:s11+$0x630] =	vst v1;
	v1 =	vmul.f32 $4.525483320e+01, v5;
	v5 =	vld [tilespmem:s11+$0x6A0]  }
0xfe: {  	[tilespmem:s11+$0x640] =	vst v0;
	v0 =	vmul.f32 $4.525483320e+01, v6;
	v6 =	vld [tilespmem:s11+$0x6B0]  }
0xff: {  	[tilespmem:s11+$0x650] =	vst v1;
	v1 =	vmul.f32 $4.525483320e+01, v2;
	v2 =	vld [tilespmem:s11+$0x6C0]  }
0x100: {  	[tilespmem:s11+$0x660] =	vst v0;
	v0 =	vmul.f32 $4.525483320e+01, v3;
	v3 =	vld [tilespmem:s11+$0x6D0]  }
0x101: {  	[tilespmem:s11+$0x670] =	vst v1;
	v1 =	vmul.f32 $4.525483320e+01, v4;
	v4 =	vld [tilespmem:s11+$0x6E0]  }
0x102: {  	[tilespmem:s11+$0x680] =	vst v0;
	v0 =	vmul.f32 $4.525483320e+01, v5;
	v5 =	vld [tilespmem:s11+$0x6F0]  }
0x103: {  	[tilespmem:s11+$0x690] =	vst v1;
	v1 =	vmul.f32 $4.525483320e+01, v6;
	v6 =	vld [tilespmem:s11+$0x700]  }
0x104: {  	[tilespmem:s11+$0x6A0] =	vst v0;
	v0 =	vmul.f32 $4.525483320e+01, v2;
	v2 =	vld [tilespmem:s11+$0x710]  }
0x105: {  	[tilespmem:s11+$0x6B0] =	vst v1;
	v1 =	vmul.f32 $4.525483320e+01, v3;
	v3 =	vld [tilespmem:s11+$0x720]  }
0x106: {  	[tilespmem:s11+$0x6C0] =	vst v0;
	v0 =	vmul.f32 $4.525483320e+01, v4;
	v4 =	vld [tilespmem:s11+$0x730]  }
0x107: {  	[tilespmem:s11+$0x6D0] =	vst v1;
	v1 =	vmul.f32 $4.525483320e+01, v5;
	v5 =	vld [tilespmem:s11+$0x740]  }
0x108: {  	[tilespmem:s11+$0x6E0] =	vst v0;
	v0 =	vmul.f32 $4.525483320e+01, v6;
	v6 =	vld [tilespmem:s11+$0x750]  }
0x109: {  	[tilespmem:s11+$0x6F0] =	vst v1;
	v1 =	vmul.f32 $4.525483320e+01, v2;
	v2 =	vld [tilespmem:s11+$0x760]  }
0x10a: {  	[tilespmem:s11+$0x700] =	vst v0;
	v0 =	vmul.f32 $4.525483320e+01, v3;
	v3 =	vld [tilespmem:s11+$0x770]  }
0x10b: {  	[tilespmem:s11+$0x710] =	vst v1;
	v1 =	vmul.f32 $4.525483320e+01, v4;
	v4 =	vld [tilespmem:s11+$0x780]  }
0x10c: {  	[tilespmem:s11+$0x720] =	vst v0;
	v0 =	vmul.f32 $4.525483320e+01, v5;
	v5 =	vld [tilespmem:s11+$0x790]  }
0x10d: {  	[tilespmem:s11+$0x730] =	vst v1;
	v6 =	vmul.f32 $4.525483320e+01, v6;
	v7 =	vld [tilespmem:s11+$0x7A0]  }
.Ltmp0:
0x10e: {  	[tilespmem:s11+$0x740] =	vst v0;
	v0 =	vmul.f32 $4.525483320e+01, v2;
	v1 =	vld [tilespmem:s11+$0x7B0];
	(pc) =	sbr.rel @p0 .LBB2_2-.Ltmp0, $4  }
0x10f: {  	[tilespmem:s11+$0x750] =	vst v6;
	v3 =	vmul.f32 $4.525483320e+01, v3;
	v2 =	vld [tilespmem:s11+$0x7C0]  }
0x110: {  	[tilespmem:s11+$0x760] =	vst v0;
	v4 =	vmul.f32 $4.525483320e+01, v4;
	v0 =	vld [tilespmem:s11+$0x7D0]  }
0x111: {  	[tilespmem:s11+$0x770] =	vst v3;
	v6 =	vmul.f32 $4.525483320e+01, v5;
	v3 =	vld [tilespmem:s11+$0x7E0]  }
0x112: {  	s12 =	sadd.s32 $0x1, s12;
	[tilespmem:s11+$0x780] =	vst v4;
	v5 =	vmul.f32 $4.525483320e+01, v7;
	v4 =	vld [tilespmem:s11+$0x7F0]  }
0x113: {  	[tilespmem:s11+$0x790] =	vst v6;
	v58 =	vld [tilespmem:s11+$0x800];
	v1 =	vmul.f32 $4.525483320e+01, v1  }
0x114: {  	v59 =	vld [tilespmem:s11+$0x810];
	[tilespmem:s11+$0x7A0] =	vst v5;
	v2 =	vmul.f32 $4.525483320e+01, v2  }
0x115: {  	[tilespmem:s11+$0x7B0] =	vst v1;
	v0 =	vmul.f32 $4.525483320e+01, v0  }
0x116: {  	[tilespmem:s11+$0x7C0] =	vst v2;
	v60 =	vmul.f32 $4.525483320e+01, v3  }
0x117: {  	[tilespmem:s11+$0x7D0] =	vst v0;
	v61 =	vmul.f32 $4.525483320e+01, v4  }
0x118: {  	[tilespmem:s11+$0x7E0] =	vst v60;
	v62 =	vmul.f32 $4.525483320e+01, v58  }
0x119: {  	s10 =	sadd.s32 $0x1, s10;
	v63 =	vmul.f32 $4.525483320e+01, v59;
	[tilespmem:s11+$0x7F0] =	vst v61  }
0x11a: {  	p0 =	sne.s32 s10, s6;
	[tilespmem:s11+$0x800] =	vst v62  }
.Ltmp1:
0x11b: {  	[tilespmem:s11+$0x810] =	vst v63;
	(pc) =	sbr.rel @p0 .LBB2_1-.Ltmp1, $4  }
0x11c: {  	[hbm4b:s5+s2] =	stream.linear.scatter [tilespmem:s8], [sflag:$0x2], $0xC800, $0x38;
	[tilespmem:$0x10020] =	vst v63  }
0x11d: {  	_ =	swait.ge [sflag:s7], $0xC800  }
0x11e: {  	[sflag:s7] =	ssyncset.done $0x0  }
0x11f: {  	[sflag:s7] =	ssyncadd.s32 $0xFFFF3800  }
0x120: {  	_ =	sfence.sel $0x180000  }
0x121: {  	[bflag:$0x0] =	sbarrier.arrive $0xFFFF  }
0x122: {  	p0 =	sne.s32 s0, $0x0;
	_ =	strace $0x9000004A  }
0x123: {  	s0 =	sadd.s32 @!p0 $0x100000, s1;
	[bflag:$0x2] =	sbarrier.arrive $0xFFFF  }
0x124: {  	[sflag:s0] =	ssyncadd.tile.s32 @!p0 $0x1;
	_ =	shalt  }
.Lfunc_end2:
_tile_overlayer_lowered:
.L_overlay_start_2:
0x125: {  	(tag) =	ssettag $0x2  }
0x126: {  	s0 =	rddreg [dreg:$0x0];
	s2 =	stileid.u32  }
0x127: {  	s1 =	rddreg [dreg:$0x1];
	p0 =	sne.s32 s2, $0x0  }
0x128: {  	s3 =	rddreg [dreg:$0x2];
	[bflag:$0x3] =	sbarrier.arrive $0xFFFF;
	s2 =	simm.s32 @!p0 $0x1C02  }
0x129: {  	[timem:s3], [sflag:s2] =	dma.local @!p0 [hbm:s0], s1  }
0x12a: {  	s0 =	simm.s32 @!p0 $0x2  }
0x12b: {  	_ =	swait.ge @!p0 [sflag:s0], s1  }
0x12c: {  	s1 =	ssub.s32 @!p0 $0x0, s1;
	[sflag:s0] =	ssyncset.done @!p0 $0x0  }
0x12d: {  	[sflag:s0] =	ssyncadd.s32 @!p0 s1  }
0x12e: {  	[bflag:$0x3] =	sbarrier.arrive $0xFFFF  }
0x12f: {  	_ =	shalt  }

// kernel: sparse-core-data-format-call.cloned.1.call-start
scs
called_computation_lowered:
.L_overlay_start_0:
0x0: {  	s2 =	sld [smem:$0x3FD9]  }
0x1: {  	s3 =	sld [smem:$0x3FFE];
	_ =	sdelay $0x1  }
0x2: {  	s1 =	srdreg.scid  }
0x3: {  	s0 =	sand.u32 $0x1, s1  }
0x4: {  	s18 =	sshll.u32 s0, $0xA;
	s2 =	sadd.s32 s3, s2  }
0x5: {  	s2 =	sadd.s32 s2, s18  }
0x6: {  	[smem:$0x3FC6] =	sst s2  }
0x7: {  	_ = 	snop  }
0x8: {  	s2 =	sld [smem:$0x3FC8];
	(tm) =	ssettm $0x1  }
0x9: {  	s19 =	sld [smem:$0x3FFB];
	_ =	sdelay $0x3  }
0xa: {  	_ =	strace s19  }
0xb: {  	s3 =	sld [smem:$0x3FFC];
	_ =	sdelay $0x3  }
0xc: {  	_ =	strace s3  }
0xd: {  	s3 =	sld [smem:$0x3FFD];
	_ =	sdelay $0x3  }
0xe: {  	_ =	strace s3  }
0xf: {  	_ =	strace $0x8FFFFFFF  }
0x10: {  	s20 =	sld [smem:$0x3FDB];
	_ =	sdelay $0x1  }
0x11: {  	s4 =	simm.s32 $_scs_section_size  }
0x12: {  	s5 =	simm.s32 $_size__tile_overlayer_lowered;
	s6 =	simm.s32 $_tile_overlayer_lowered  }
0x13: {  	s23 =	simm.s32 $0x1BFF;
	s22 =	sshll.u32 s6, $0x1;
	s3 =	sadd.s32 s4, s20  }
0x14: {  	s7 =	simm.s32 $0x0;
	s21 =	sshll.u32 s5, $0x1;
	s5 =	sadd.s32 s22, s3  }
0x15: {  	[timem:s7], [sflag:s23] =	dma.local [hbm:s5], s21  }
0x16: {  	_ =	swait.ge [sflag:s23], s21  }
0x17: {  	s4 =	ssub.s32 $0x0, s21;
	[sflag:s23] =	ssyncset.done $0x0  }
0x18: {  	[sflag:s23] =	ssyncadd.s32 s4;
	_ =	sdelay $0x1  }
0x19: {  	s24 =	simm.s32 $0x1B8B  }
0x1a: {  	_ =	swait.ge [sflag:s24], $0x1  }
0x1b: {  	[sflag:s24] =	ssyncset.done $0x0  }
0x1c: {  	s26 =	simm.s32 $0x1B8E;
	s25 =	sld [smem:$0x3FFE];
	[sflag:s24] =	ssyncadd.s32 $0xFFFFFFFF  }
0x1d: {  	s27 =	simm.s32 $execute0_lowered;
	[smem:$0x3FD2] =	sst s26  }
0x1e: {  	s5 =	sshll.u32 s27, $0x1;
	_ =	strace $0x80000046;
	[dreg:$0x1] =	wrdreg $0xFFFFFFFF  }
0x1f: {  	s28 =	simm.s32 $_size_execute0_lowered;
	s3 =	sadd.s32 s3, s5;
	[dreg:$0x0] =	wrdreg $0x0  }
0x20: {  	s5 =	sshll.u32 s28, $0x1;
	[dreg:$0x2] =	wrdreg s3  }
0x21: {  	[dreg:$0x3] =	wrdreg s5  }
0x22: {  	[dreg:$0x4] =	wrdreg $0xC0  }
0x23: {  	_ =	task [dreg:s7], $0x5FFFF  }
0x24: {  	[dreg:$0x1] =	wrdreg $0xFFFFFFFF  }
0x25: {  	[dreg:$0x0] =	wrdreg $0x60  }
0x26: {  	[dreg:$0x2] =	wrdreg s2  }
0x27: {  	[dreg:$0x3] =	wrdreg s25  }
0x28: {  	[dreg:$0x4] =	wrdreg $0x9  }
0x29: {  	_ =	task.clear_ibuf [dreg:s7], $0x5FFFF;
	_ =	strace $0x90000046  }
0x2a: {  	s29 =	simm.s32 $0x9;
	_ =	strace $0x80000048  }
0x2b: {  	_ =	swait.ge [sflag:s29], $0x1  }
0x2c: {  	[sflag:s29] =	ssyncadd.s32 $0xFFFFFFFF  }
0x2d: {  	_ =	strace $0x90000048  }
0x2e: {  	_ =	sfence  }
0x2f: {  	s30 =	sld [smem:$0x0];
	_ =	sdelay $0x2  }
0x30: {  	s31 =	sshll.u32 s1, $0xD;
	s1 =	sshrl.u32 s1, $0x2  }
0x31: {  	s3 =	sand.u32 $0x4000, s31;
	s1 =	sadd.s32 s1, s30  }
0x32: {  	s0 =	sor.u32 s3, s0;
	s1 =	sshll.u32 s1, $0x11  }
0x33: {  	s0 =	sor.u32 s1, s0  }
0x34: {  	s0 =	sadd.s32 $0x8F2B, s0  }
0x35: {  	[sflag:s0] =	ssyncadd.remote.s32 $0x1  }
0x36: {  	_ =	sfence.sel $0xFFFF  }
0x37: {  	[dreg:$0x0] =	wrdreg $0xFFFFFFFF;
	(pc) =	sbr.abs _section_cstart, $3  }
0x38: {  	[dreg:$0x1] =	wrdreg $0xFFFFFFFF  }
0x39: {  	_ =	task.clear_ibuf [dreg:s7], $0x2FFFF;
	_ =	strace $0x9FFFFFFF  }
0x3a: {  	(tm) =	ssettm $0x7FFFFFFF  }
0x3b: {  	_ =	shalt  }
tec
execute0_lowered:
.L_overlay_start_1:
0x0: {  	(tag) =	ssettag $0x1  }
0x1: {  	s2 =	rddreg [dreg:$0x0];
	s0 =	srdreg.scid  }
0x2: {  	s4 =	rddreg [dreg:$0x1];
	s1 =	stileid.u32;
	s5 =	simm.s32 $0x1  }
0x3: {  	s7 =	simm.s32 $0x2;
	s8 =	simm.s32 $0x0;
	s3 =	sshll.u32 s0, $0x4  }
.Ltmp0:
0x4: {  	s9 =	simm.s32 $0x0;
	s3 =	sand.u32 $0x10, s3;
	(pc) =	sbr.rel .LBB1_1-.Ltmp0, $4  }
0x5: {  	s12 =	simm.s32 $0x0;
	s11 =	simm.s32 $0x0;
	s3 =	sor.u32 s1, s3  }
0x6: {  	s0 =	rddreg [dreg:$0x2];
	_ =	strace $0x80000047;
	s6 =	ssub.s32 $0x30F3, s3  }
0x7: {  	s4 =	sadd.s32 $0xA00, s4;
	[sflag:s5] =	ssyncpa.u1 $0x0;
	s6 =	sshrl.u32 s6, $0x5  }
0x8: {  	[sflag:s7] =	ssyncpa.u1 $0x0;
	s10 =	smov.u32 s3;
	s7 =	sadd.s32 $0x1, s6  }
.LBB1_7:
0x9: {  	s14 =	sadd.s32 $0x20, s10  }
0xa: {  	p1 =	sgt.s32 s14, $0x30D3  }
0xb: {  	s14 =	smov.u32 @p1 s3;
	p1 =	sne.s32 s11, s7  }
.Ltmp1:
0xc: {  	p0 =	slt.u32 s11, $0x2;
	(pc) =	sbr.rel @!p1 .LBB1_8-.Ltmp1, $4  }
0xd: {  	s13 =	simm.s32 @!p0 $0x2  }
0xe: {  	s15 =	sadd.s32 $0x1, s11;
	_ =	swait.ge @!p0 [sflag:s13], $0x4000  }
0xf: {  	s12 =	smov.u32 s10;
	s9 =	sadd.s32 $0x4000, s9;
	[sflag:s13] =	ssyncset.done @!p0 $0x0  }
0x10: {  	s11 =	smov.u32 s15;
	s10 =	smov.u32 s14;
	[sflag:s13] =	ssyncadd.s32 @!p0 $0xFFFFC000  }
.LBB1_1:
0x11: {  	p0 =	sge.u32 s11, s6  }
0x12: {  	s13 =	sxor.u32 @!p0 $0xFFFFFFFF, s11  }
0x13: {  	s31 =	sadd.s32 $0xFFFFFFFF, s11;
	s14 =	sshll.u32 @!p0 s10, $0xB;
	s13 =	sshll.u32 @!p0 s13, $0xE  }
0x14: {  	s15 =	simm.s32 @!p0 $0x0;
	s14 =	sadd.s32 @!p0 s2, s14;
	s13 =	sand.u32 @!p0 $0x4000, s13  }
0x15: {  	[tilespmem:s13], [sflag:$0x1] =	stream.linear.gather @!p0 [hbm4b:s14+s15], $0x4000, $0x38;
	[tilespmem:$0x10000] =	vst v63  }
0x16: {  	p0 =	sge.u32 s31, s6  }
.Ltmp2:
0x17: {  	_ = 	snop;
	(pc) =	sbr.rel @p0 .LBB1_7-.Ltmp2, $1  }
0x18: {  	_ =	sdelay $0x3  }
0x19: {  	s14 =	sand.u32 $0x4000, s9  }
0x1a: {  	_ =	swait.ge [sflag:s5], $0x4000;
	s15 =	sshll.u32 s11, $0xE;
	s16 =	simm.s32 $0x0  }
0x1b: {  	s13 =	sor.u32 $0x8040, s14;
	[sflag:s5] =	ssyncset.done $0x0;
	s15 =	sand.u32 $0x4000, s15  }
0x1c: {  	s14 =	sor.u32 $0x40, s14;
	[sflag:s5] =	ssyncadd.s32 $0xFFFFC000;
	s15 =	sor.u32 $0x8000, s15  }
.LBB1_3:
0x1d: {  	v0 =	vmov s14;
	_ =	sdelay $0x3  }
0x1e: {  	s18 =	simm.s32 $0x0  }
0x1f: {  	v6 =	vld.idx.msk [tilespmem:v0+s18+$0x30 ss:$0x1], $0xffff  }
0x20: {  	v7 =	vld.idx.msk [tilespmem:v0+s18+$0xFFFFFFC0 ss:$0x1], $0xffff  }
0x21: {  	v5 =	vld.idx.msk [tilespmem:v0+s18+$0xFFFFFFD0 ss:$0x1], $0xffff  }
0x22: {  	v4 =	vld.idx.msk [tilespmem:v0+s18+$0xFFFFFFE0 ss:$0x1], $0xffff  }
0x23: {  	v3 =	vld.idx.msk [tilespmem:v0+s18+$0xFFFFFFF0 ss:$0x1], $0xffff  }
0x24: {  	v1 =	vld.idx.msk [tilespmem:v0+s18+$0x0 ss:$0x1], $0xffff  }
0x25: {  	v2 =	vld.idx.msk [tilespmem:v0+s18+$0x10 ss:$0x1], $0xffff;
	[tilespmem:s13+$0x30] =	vst v6  }
0x26: {  	s17 =	simm.s32 $0x80;
	s19 =	simm.s32 $0x400;
	[tilespmem:s13+$0xFFFFFFC0] =	vst v7;
	v6 =	vld.idx.msk [tilespmem:v0+s18+$0x20 ss:$0x1], $0xffff;
	s18 =	smov.u32 s13  }
.LBB1_4:
0x27: {  	p0 =	sne.s32 s19, $0xE00;
	v7 =	vld.idx.msk [tilespmem:v0+s17+$0x30 ss:$0x1], $0xffff;
	[tilespmem:s18+$0xFFFFFFD0] =	vst v5  }
0x28: {  	v8 =	vld.idx.msk [tilespmem:v0+s17+$0xFFFFFFC0 ss:$0x1], $0xffff;
	[tilespmem:s18+$0xFFFFFFE0] =	vst v4  }
0x29: {  	v5 =	vld.idx.msk [tilespmem:v0+s17+$0xFFFFFFD0 ss:$0x1], $0xffff;
	[tilespmem:s18+$0xFFFFFFF0] =	vst v3  }
.Ltmp3:
0x2a: {  	v4 =	vld.idx.msk [tilespmem:v0+s17+$0xFFFFFFE0 ss:$0x1], $0xffff;
	[tilespmem:s18+$0x0] =	vst v1;
	(pc) =	sbr.rel @p0 .LBB1_4-.Ltmp3, $4  }
0x2b: {  	v3 =	vld.idx.msk [tilespmem:v0+s17+$0xFFFFFFF0 ss:$0x1], $0xffff;
	[tilespmem:s18+$0x10] =	vst v2  }
0x2c: {  	v1 =	vld.idx.msk [tilespmem:v0+s17+$0x0 ss:$0x1], $0xffff;
	[tilespmem:s18+$0x20] =	vst v6;
	s18 =	sadd.s32 $0x800, s18  }
0x2d: {  	v2 =	vld.idx.msk [tilespmem:v0+s17+$0x10 ss:$0x1], $0xffff;
	[tilespmem:s18+$0x30] =	vst v7  }
0x2e: {  	[tilespmem:s18+$0xFFFFFFC0] =	vst v8;
	v6 =	vld.idx.msk [tilespmem:v0+s17+$0x20 ss:$0x1], $0xffff;
	s17 =	sshra.s32 s19, $0x2;
	s19 =	sadd.s32 $0x200, s19  }
0x2f: {  	_ =	sdelay $0x2  }
0x30: {  	[tilespmem:s18+$0xFFFFFFD0] =	vst v5  }
0x31: {  	v56 =	vld.idx.msk [tilespmem:v0+s17+$0x30 ss:$0x1], $0xffff;
	[tilespmem:s18+$0xFFFFFFE0] =	vst v4  }
0x32: {  	v57 =	vld.idx.msk [tilespmem:v0+s17+$0xFFFFFFC0 ss:$0x1], $0xffff;
	[tilespmem:s18+$0xFFFFFFF0] =	vst v3  }
0x33: {  	v58 =	vld.idx.msk [tilespmem:v0+s17+$0xFFFFFFD0 ss:$0x1], $0xffff;
	[tilespmem:s18+$0x0] =	vst v1  }
0x34: {  	v59 =	vld.idx.msk [tilespmem:v0+s17+$0xFFFFFFE0 ss:$0x1], $0xffff;
	[tilespmem:s18+$0x10] =	vst v2  }
0x35: {  	v60 =	vld.idx.msk [tilespmem:v0+s17+$0xFFFFFFF0 ss:$0x1], $0xffff;
	s31 =	sadd.s32 $0x800, s18;
	[tilespmem:s18+$0x20] =	vst v6  }
0x36: {  	v61 =	vld.idx.msk [tilespmem:v0+s17+$0x0 ss:$0x1], $0xffff;
	[tilespmem:s31+$0x30] =	vst v56  }
0x37: {  	v62 =	vld.idx.msk [tilespmem:v0+s17+$0x10 ss:$0x1], $0xffff;
	s16 =	sadd.s32 $0x1, s16;
	[tilespmem:s31+$0xFFFFFFC0] =	vst v57  }
0x38: {  	v63 =	vld.idx.msk [tilespmem:v0+s17+$0x20 ss:$0x1], $0xffff;
	p0 =	sne.s32 s16, $0x10;
	[tilespmem:s31+$0xFFFFFFD0] =	vst v58  }
.Ltmp4:
0x39: {  	[tilespmem:s31+$0xFFFFFFE0] =	vst v59;
	(pc) =	sbr.rel @p0 .LBB1_3-.Ltmp4, $4  }
0x3a: {  	[tilespmem:s31+$0xFFFFFFF0] =	vst v60  }
0x3b: {  	[tilespmem:s31+$0x0] =	vst v61  }
0x3c: {  	[tilespmem:s31+$0x10] =	vst v62  }
0x3d: {  	s13 =	sadd.s32 $0x80, s13;
	s14 =	sadd.s32 $0x400, s14;
	[tilespmem:s31+$0x20] =	vst v63  }
.Ltmp5:
0x3e: {  	(pc) =	sbr.rel .LBB1_7-.Ltmp5, $4  }
0x3f: {  	_ = 	snop  }
0x40: {  	s12 =	sshll.u32 s12, $0xB  }
0x41: {  	s12 =	sadd.s32 s4, s12  }
0x42: {  	[hbm4b:s12+s8] =	stream.linear.scatter [tilespmem:s15], [sflag:$0x2], $0x4000, $0x38;
	[tilespmem:$0x10000] =	vst v63  }
.LBB1_8:
0x43: {  	_ =	sfence.sel $0x180000  }
0x44: {  	s2 =	simm.s32 $0x1;
	[bflag:$0x0] =	sbarrier.arrive $0xFFFF  }
0x45: {  	s31 =	simm.s32 $0x2;
	[sflag:s2] =	ssyncpa.u1 $0x1  }
0x46: {  	[sflag:s31] =	ssyncpa.u1 $0x1  }
0x47: {  	p0 =	sne.s32 s1, $0x0;
	_ =	strace $0x90000047  }
0x48: {  	s0 =	sadd.s32 @!p0 $0x100000, s0;
	[bflag:$0x2] =	sbarrier.arrive $0xFFFF  }
0x49: {  	[sflag:s0] =	ssyncadd.tile.s32 @!p0 $0x1;
	_ =	shalt  }
.Lfunc_end1:
_tile_overlayer_lowered:
.L_overlay_start_2:
0x4a: {  	(tag) =	ssettag $0x2  }
0x4b: {  	s0 =	rddreg [dreg:$0x0];
	s2 =	stileid.u32  }
0x4c: {  	s1 =	rddreg [dreg:$0x1];
	p0 =	sne.s32 s2, $0x0  }
0x4d: {  	s3 =	rddreg [dreg:$0x2];
	[bflag:$0x3] =	sbarrier.arrive $0xFFFF;
	s2 =	simm.s32 @!p0 $0x1C01  }
0x4e: {  	[timem:s3], [sflag:s2] =	dma.local @!p0 [hbm:s0], s1  }
0x4f: {  	s0 =	simm.s32 @!p0 $0x1  }
0x50: {  	_ =	swait.ge @!p0 [sflag:s0], s1  }
0x51: {  	s1 =	ssub.s32 @!p0 $0x0, s1;
	[sflag:s0] =	ssyncset.done @!p0 $0x0  }
0x52: {  	[sflag:s0] =	ssyncadd.s32 @!p0 s1  }
0x53: {  	[bflag:$0x3] =	sbarrier.arrive $0xFFFF  }
0x54: {  	_ =	shalt  }

</sc_bundles>
